<compile_context>
chip_gen: v7x
topology: tpu7x:2x2x1
jax: 0.10.2.dev20260603
libtpu: 0.0.44.dev20260713+nightly
codegen_flags: <defaults>
</compile_context>

<pallas_src>
import functools

import jax
import jax.numpy as jnp
from jax import lax
from jax.experimental import pallas as pl
from jax.experimental.pallas import tpu as pltpu
from jax.experimental.pallas import tpu_sc as plsc

NC = 2
NS = 16
LANES = 16
NW = NC * NS
SUB = 128
BR = 1024


def _mesh():
    return plsc.VectorSubcoreMesh(core_axis_name="c", subcore_axis_name="s")


def _make_deg_kernel(nsub, Np):
    rpt = Np // NS

    @functools.partial(
        pl.kernel,
        out_type=(
            jax.ShapeDtypeStruct((Np,), jnp.float32),
            jax.ShapeDtypeStruct((Np,), jnp.float32),
        ),
        mesh=_mesh(),
        scratch_types=[
            pltpu.VMEM((nsub, SUB), jnp.int32),
            pltpu.VMEM((SUB,), jnp.float32),
            pltpu.VMEM((rpt,), jnp.float32),
            pltpu.VMEM_SHARED((Np,), jnp.float32),
        ],
        compiler_params=pltpu.CompilerParams(use_tc_tiling_on_sc=False),
    )
    def deg_kernel(dst_hbm, dega, degb, idx_v, ones_v, zero_v, acc):
        cid = lax.axis_index("c")
        sid = lax.axis_index("s")
        wid = cid * NS + sid
        for k in range(SUB // LANES):
            ones_v[pl.ds(k * LANES, LANES)] = jnp.full((LANES,), 1.0, jnp.float32)
        for k in range(rpt // LANES):
            zero_v[pl.ds(k * LANES, LANES)] = jnp.zeros((LANES,), jnp.float32)
        sl = pl.ds(sid * rpt, rpt)
        pltpu.sync_copy(zero_v, acc.at[sl])
        pltpu.sync_copy(dst_hbm.at[wid], idx_v)
        plsc.subcore_barrier()

        def body(j, carry):
            pltpu.sync_copy(ones_v, acc.at[idx_v.at[j]], add=True)
            return carry

        lax.fori_loop(0, nsub, body, 0)
        plsc.subcore_barrier()

        @pl.when(cid == 0)
        def _():
            pltpu.sync_copy(acc.at[sl], dega.at[sl])

        @pl.when(cid == 1)
        def _():
            pltpu.sync_copy(acc.at[sl], degb.at[sl])

    return deg_kernel


def _make_agg_kernel(nsub, N, Np, H):
    rpt = Np // NS
    gpt = N // NS
    zrows = 128

    @functools.partial(
        pl.kernel,
        out_type=(
            jax.ShapeDtypeStruct((Np, H), jnp.float32),
            jax.ShapeDtypeStruct((Np, H), jnp.float32),
        ),
        mesh=_mesh(),
        scratch_types=[
            pltpu.VMEM((nsub + 2, SUB), jnp.int32),
            pltpu.VMEM((nsub, SUB), jnp.int32),
            pltpu.VMEM((SUB, H), jnp.float32),
            pltpu.VMEM((SUB, H), jnp.float32),
            pltpu.VMEM((SUB, H), jnp.float32),
            pltpu.VMEM((SUB, H), jnp.float32),
            pltpu.VMEM((zrows, H), jnp.float32),
            pltpu.VMEM_SHARED((N, H), jnp.float32),
            pltpu.VMEM_SHARED((Np, H), jnp.float32),
            pltpu.SemaphoreType.DMA,
            pltpu.SemaphoreType.DMA,
            pltpu.SemaphoreType.DMA,
            pltpu.SemaphoreType.DMA,
            pltpu.SemaphoreType.DMA,
            pltpu.SemaphoreType.DMA,
            pltpu.SemaphoreType.DMA,
            pltpu.SemaphoreType.DMA,
        ],
        compiler_params=pltpu.CompilerParams(use_tc_tiling_on_sc=False),
    )
    def agg_kernel(g_hbm, src_hbm, dst_hbm, outa, outb,
                   src_v, dst_v, rows0_v, rows1_v, rows2_v, rows3_v,
                   zero_v, g_sh, acc, gs0, gs1, gs2, gs3,
                   ss0, ss1, ss2, ss3):
        cid = lax.axis_index("c")
        sid = lax.axis_index("s")
        wid = cid * NS + sid

        def zfill(i, carry):
            for k in range(H // LANES):
                zero_v[i, pl.ds(k * LANES, LANES)] = jnp.zeros(
                    (LANES,), jnp.float32)
            return carry

        lax.fori_loop(0, zrows, zfill, 0)
        for k in range(rpt // zrows):
            pltpu.sync_copy(
                zero_v, acc.at[pl.ds(sid * rpt + k * zrows, zrows)])
        gsl = pl.ds(sid * gpt, gpt)
        pltpu.sync_copy(g_hbm.at[gsl], g_sh.at[gsl])
        pltpu.sync_copy(src_hbm.at[wid], src_v.at[pl.ds(0, nsub)])
        for r in range(2):
            for k in range(SUB // LANES):
                src_v[nsub + r, pl.ds(k * LANES, LANES)] = jnp.zeros(
                    (LANES,), jnp.int32)
        pltpu.sync_copy(dst_hbm.at[wid], dst_v)
        plsc.subcore_barrier()

        rows = (rows0_v, rows1_v, rows2_v, rows3_v)
        gsems = (gs0, gs1, gs2, gs3)
        ssems = (ss0, ss1, ss2, ss3)
        for b in range(2):
            pltpu.async_copy(g_sh.at[src_v.at[b]], rows[b], gsems[b])

        def body(k, carry):
            for b in range(4):
                j = 4 * k + b
                nb = (b + 2) % 4
                pltpu.make_async_copy(
                    g_sh.at[src_v.at[j]], rows[b], gsems[b]).wait()
                pltpu.async_copy(rows[b], acc.at[dst_v.at[j]], ssems[b],
                                 add=True)

                @pl.when(jnp.logical_or(k > 0, b >= 2))
                def _():
                    pltpu.make_async_copy(
                        rows[nb], acc.at[dst_v.at[j]], ssems[nb]).wait()
                pltpu.async_copy(
                    g_sh.at[src_v.at[j + 2]], rows[nb], gsems[nb])
            return carry

        lax.fori_loop(0, nsub // 4, body, 0)
        for b in range(2):
            pltpu.make_async_copy(
                g_sh.at[src_v.at[nsub + b]], rows[(nsub + b) % 4],
                gsems[(nsub + b) % 4]).wait()
        for b in (2, 3):
            pltpu.make_async_copy(
                rows[b], acc.at[dst_v.at[0]], ssems[b]).wait()
        plsc.subcore_barrier()
        sl = pl.ds(sid * rpt, rpt)

        @pl.when(cid == 0)
        def _():
            pltpu.sync_copy(acc.at[sl], outa.at[sl])

        @pl.when(cid == 1)
        def _():
            pltpu.sync_copy(acc.at[sl], outb.at[sl])

    return agg_kernel


def _g1_body(x_ref, w_ref, da_ref, db_ref, o_ref):
    d = lax.rsqrt(1.0 + da_ref[...] + db_ref[...])
    o_ref[...] = jnp.dot(x_ref[...], w_ref[...],
                         preferred_element_type=jnp.float32) * d


def _layer_body(pa_ref, pb_ref, g_ref, da_ref, db_ref, w_ref, b_ref, o_ref):
    d = lax.rsqrt(1.0 + da_ref[...] + db_ref[...])
    t = jnp.maximum(
        (pa_ref[...] + pb_ref[...] + g_ref[...]) * d + b_ref[...], 0.0)
    o_ref[...] = jnp.dot(t, w_ref[...],
                         preferred_element_type=jnp.float32) * d


def _final_body(pa_ref, pb_ref, g_ref, da_ref, db_ref, b_ref, w_ref,
                bo_ref, o_ref):
    d = lax.rsqrt(1.0 + da_ref[...] + db_ref[...])
    t = jnp.maximum(
        (pa_ref[...] + pb_ref[...] + g_ref[...]) * d + b_ref[...], 0.0)
    o_ref[...] = jnp.dot(t, w_ref[...],
                         preferred_element_type=jnp.float32) + bo_ref[...]


def _row_spec(w):
    return pl.BlockSpec((BR, w), lambda i: (i, 0))


def _full_spec(h, w):
    return pl.BlockSpec((h, w), lambda i: (0, 0))


def kernel(x, edge_index, W1, b1, W2, b2, Wout, bout):
    N, F = x.shape
    H = W1.shape[1]
    A = Wout.shape[1]
    E = edge_index.shape[1]
    Np = ((N + NS * 128 - 1) // (NS * 128)) * (NS * 128)
    grid = (pl.cdiv(N, BR),)

    nsub = (E + NW * SUB - 1) // (NW * SUB)
    nsub = (nsub + 3) // 4 * 4
    Ep = NW * nsub * SUB
    pad = Ep - E
    src = jnp.concatenate(
        [edge_index[0].astype(jnp.int32),
         jnp.zeros((pad,), jnp.int32)]).reshape(NW, nsub, SUB)
    dst = jnp.concatenate(
        [edge_index[1].astype(jnp.int32),
         jnp.full((pad,), N, jnp.int32)]).reshape(NW, nsub, SUB)

    dega, degb = _make_deg_kernel(nsub, Np)(dst)
    da = dega.reshape(Np, 1)
    db = degb.reshape(Np, 1)

    g1 = pl.pallas_call(
        _g1_body,
        grid=grid,
        in_specs=[_row_spec(F), _full_spec(F, H), _row_spec(1), _row_spec(1)],
        out_specs=_row_spec(H),
        out_shape=jax.ShapeDtypeStruct((N, H), jnp.float32),
    )(x, W1, da, db)

    agg = _make_agg_kernel(nsub, N, Np, H)
    p1a, p1b = agg(g1, src, dst)

    g2 = pl.pallas_call(
        _layer_body,
        grid=grid,
        in_specs=[_row_spec(H), _row_spec(H), _row_spec(H), _row_spec(1),
                  _row_spec(1), _full_spec(H, H), _full_spec(1, H)],
        out_specs=_row_spec(H),
        out_shape=jax.ShapeDtypeStruct((N, H), jnp.float32),
    )(p1a, p1b, g1, da, db, W2, b1.reshape(1, H))

    p2a, p2b = agg(g2, src, dst)

    logits = pl.pallas_call(
        _final_body,
        grid=grid,
        in_specs=[_row_spec(H), _row_spec(H), _row_spec(H), _row_spec(1),
                  _row_spec(1), _full_spec(1, H), _full_spec(H, A),
                  _full_spec(1, A)],
        out_specs=_row_spec(A),
        out_shape=jax.ShapeDtypeStruct((N, A), jnp.float32),
    )(p2a, p2b, g2, da, db, b2.reshape(1, H), Wout,
      bout.reshape(1, A))

    return logits

# --- scband reference (transcript-rebuilt; emitter-appended) ---
"""Pipeline reference for scband-policy-gnn-2-80874234184327 (READ-ONLY COPY).

The authoritative reference and input builder live on the scoring server;
editing this copy changes nothing except your own understanding.
"""

import jax, jax.numpy as jnp
import numpy as np

N_NODES = 10000
N_EDGES = 320000
N_FEATURES = 128
HIDDEN = 32
N_ACTIONS = 10


def setup_inputs(seed: int = 0) -> dict:
    key = jax.random.key(seed)
    ks = jax.random.split(key, 8)
    x = jax.random.normal(ks[0], (N_NODES, N_FEATURES), dtype=jnp.float32)
    edge_index = jax.random.randint(ks[1], (2, N_EDGES), 0, N_NODES, dtype=jnp.int64)
    # GCNConv1: 128 -> 32
    W1 = jax.random.normal(ks[2], (N_FEATURES, HIDDEN), dtype=jnp.float32) * (1.0 / np.sqrt(N_FEATURES))
    b1 = jnp.zeros((HIDDEN,), dtype=jnp.float32)
    # GCNConv2: 32 -> 32
    W2 = jax.random.normal(ks[3], (HIDDEN, HIDDEN), dtype=jnp.float32) * (1.0 / np.sqrt(HIDDEN))
    b2 = jnp.zeros((HIDDEN,), dtype=jnp.float32)
    # Linear out: 32 -> 10
    Wout = jax.random.normal(ks[4], (HIDDEN, N_ACTIONS), dtype=jnp.float32) * (1.0 / np.sqrt(HIDDEN))
    bout = jnp.zeros((N_ACTIONS,), dtype=jnp.float32)
    return {"x": x, "edge_index": edge_index, "W1": W1, "b1": b1, "W2": W2, "b2": b2, "Wout": Wout, "bout": bout}


def gcn_conv(x, edge_index, W, b):
    n = x.shape[0]
    src = edge_index[0]
    dst = edge_index[1]
    # add self loops
    loop = jnp.arange(n, dtype=src.dtype)
    src = jnp.concatenate([src, loop], axis=0)
    dst = jnp.concatenate([dst, loop], axis=0)
    # symmetric normalization deg^-1/2
    deg = jnp.zeros((n,), dtype=x.dtype).at[dst].add(1.0)
    dinv = jnp.where(deg > 0, deg ** -0.5, 0.0)
    norm = dinv[src] * dinv[dst]
    # transform then propagate
    h = x @ W
    msg = h[src] * norm[:, None]
    out = jnp.zeros((n, W.shape[1]), dtype=x.dtype).at[dst].add(msg)
    return out + b


def reference(x, edge_index, W1, b1, W2, b2, Wout, bout):
    h = jax.nn.relu(gcn_conv(x, edge_index, W1, b1))
    h = jax.nn.relu(gcn_conv(h, edge_index, W2, b2))
    logits = h @ Wout + bout
    return logits

if __name__ == "__main__":
    import jax
    _d = setup_inputs()
    print(jax.jit(kernel)(*tuple(_d.values())))

</pallas_src>

<mosaic_0001>
#map = affine_map<(d0, d1) -> (0, 0)>
#map1 = affine_map<(d0, d1) -> (0, 0, 0)>
module attributes {stable_mosaic.version = 14 : i64} {
  func.func @agg_kernel(%arg0: i32, %arg1: i32, %arg2: memref<10000x32xf32, #tpu.memory_space<hbm>>, %arg3: memref<32x80x128xi32, #tpu.memory_space<hbm>>, %arg4: memref<32x80x128xi32, #tpu.memory_space<hbm>>, %arg5: memref<10240x32xf32, #tpu.memory_space<hbm>>, %arg6: memref<10240x32xf32, #tpu.memory_space<hbm>>, %arg7: memref<82x128xi32, #tpu.memory_space<vmem>>, %arg8: memref<80x128xi32, #tpu.memory_space<vmem>>, %arg9: memref<128x32xf32, #tpu.memory_space<vmem>>, %arg10: memref<128x32xf32, #tpu.memory_space<vmem>>, %arg11: memref<128x32xf32, #tpu.memory_space<vmem>>, %arg12: memref<128x32xf32, #tpu.memory_space<vmem>>, %arg13: memref<128x32xf32, #tpu.memory_space<vmem>>, %arg14: memref<10000x32xf32, #tpu.memory_space<vmem_shared>>, %arg15: memref<10240x32xf32, #tpu.memory_space<vmem_shared>>, %arg16: memref<!tpu.dma_semaphore, #tpu.memory_space<semaphore_mem>>, %arg17: memref<!tpu.dma_semaphore, #tpu.memory_space<semaphore_mem>>, %arg18: memref<!tpu.dma_semaphore, #tpu.memory_space<semaphore_mem>>, %arg19: memref<!tpu.dma_semaphore, #tpu.memory_space<semaphore_mem>>, %arg20: memref<!tpu.dma_semaphore, #tpu.memory_space<semaphore_mem>>, %arg21: memref<!tpu.dma_semaphore, #tpu.memory_space<semaphore_mem>>, %arg22: memref<!tpu.dma_semaphore, #tpu.memory_space<semaphore_mem>>, %arg23: memref<!tpu.dma_semaphore, #tpu.memory_space<semaphore_mem>>) attributes {dimension_semantics = [#tpu.dimension_semantics<core_parallel>, #tpu.dimension_semantics<subcore_parallel>], iteration_bounds = array<i64: 2, 16>, scalar_prefetch = 0 : i64, scratch_operands = 17 : i64, tpu.core_type = #tpu.core_type<sc_vector_subcore>, window_params = [{transform_indices = #map}, {transform_indices = #map1}, {transform_indices = #map1}, {transform_indices = #map}, {transform_indices = #map}]} {
    %mul3A = arith.constant 16 : i32
    %mul3A_0 = arith.muli %arg0, %mul3A : i32
    %add3A = arith.addi %mul3A_0, %arg1 : i32
    %scan3A = arith.constant 0 : i32
    %scan3A_1 = arith.constant 0 : i32
    %scan3A_2 = arith.constant 128 : i32
    %scan3A_3 = arith.addi %scan3A_1, %scan3A_2 : i32
    %scan3A_4 = arith.constant 1 : i32
    scf.for %scan3A_210 = %scan3A_1 to %scan3A_3 step %scan3A_4  : i32 {
      %broadcast_in_dim3A_211 = arith.constant 0.000000e+00 : f32
      %broadcast_in_dim3A_212 = vector.broadcast %broadcast_in_dim3A_211 : f32 to vector<16xf32>
      %swap3A_213 = arith.index_cast %scan3A_210 : i32 to index
      %swap3A_214 = arith.constant 0 : index
      %swap3A_215 = tpu.vector_load %arg13[%swap3A_213, %swap3A_214] {strides = array<i32>} : memref<128x32xf32, #tpu.memory_space<vmem>>, vector<1x16xf32>,
      %swap3A_216 = vector.shape_cast %swap3A_215 : vector<1x16xf32> to vector<16xf32>
      %swap3A_217 = vector.shape_cast %broadcast_in_dim3A_212 : vector<16xf32> to vector<1x16xf32>
      tpu.vector_store %arg13[%swap3A_213, %swap3A_214], %swap3A_217 {strides = array<i32>} : memref<128x32xf32, #tpu.memory_space<vmem>>, vector<1x16xf32>,
      %broadcast_in_dim3A_218 = arith.constant 0.000000e+00 : f32
      %broadcast_in_dim3A_219 = vector.broadcast %broadcast_in_dim3A_218 : f32 to vector<16xf32>
      %swap3A_220 = arith.index_cast %scan3A_210 : i32 to index
      %swap3A_221 = arith.constant 16 : index
      %swap3A_222 = tpu.vector_load %arg13[%swap3A_220, %swap3A_221] {strides = array<i32>} : memref<128x32xf32, #tpu.memory_space<vmem>>, vector<1x16xf32>,
      %swap3A_223 = vector.shape_cast %swap3A_222 : vector<1x16xf32> to vector<16xf32>
      %swap3A_224 = vector.shape_cast %broadcast_in_dim3A_219 : vector<16xf32> to vector<1x16xf32>
      tpu.vector_store %arg13[%swap3A_220, %swap3A_221], %swap3A_224 {strides = array<i32>} : memref<128x32xf32, #tpu.memory_space<vmem>>, vector<1x16xf32>,
    }
    %scan3A_5 = arith.constant 128 : i32
    %mul3A_6 = arith.constant 640 : i32
    %mul3A_7 = arith.muli %arg1, %mul3A_6 : i32
    %add3A_8 = arith.constant 0 : i32
    %add3A_9 = arith.addi %mul3A_7, %add3A_8 : i32
    "tpu.region"() ({
      %run_scoped3A = tpu.sem_alloc : memref<!tpu.dma_semaphore, #tpu.memory_space<semaphore_mem>>
      %dma_start3A_210 = arith.constant 0 : i32
      %dma_start3A_211 = tpu.memref_slice %arg15[%add3A_9, %dma_start3A_210] : memref<10240x32xf32, #tpu.memory_space<vmem_shared>> -> memref<128x32xf32, #tpu.memory_space<vmem_shared>>
      %dma_start3A_212 = arith.constant 0 : i32
      %dma_start3A_213 = tpu.memref_slice %arg15[%add3A_9, %dma_start3A_212] : memref<10240x32xf32, #tpu.memory_space<vmem_shared>> -> memref<128x32xf32, #tpu.memory_space<vmem_shared>>
      tpu.enqueue_dma source(%arg13 : memref<128x32xf32, #tpu.memory_space<vmem>>) target(%dma_start3A_213 : memref<128x32xf32, #tpu.memory_space<vmem_shared>>) target_semaphore(%run_scoped3A : memref<!tpu.dma_semaphore, #tpu.memory_space<semaphore_mem>>)
      %dma_wait3A_214 = arith.constant 0 : i32
      %dma_wait3A_215 = tpu.memref_slice %arg15[%add3A_9, %dma_wait3A_214] : memref<10240x32xf32, #tpu.memory_space<vmem_shared>> -> memref<128x32xf32, #tpu.memory_space<vmem_shared>>
      %dma_wait3A_216 = arith.constant 0 : i32
      %dma_wait3A_217 = tpu.memref_slice %arg15[%add3A_9, %dma_wait3A_216] : memref<10240x32xf32, #tpu.memory_space<vmem_shared>> -> memref<128x32xf32, #tpu.memory_space<vmem_shared>>
      tpu.wait_dma2 semaphore(%run_scoped3A : memref<!tpu.dma_semaphore, #tpu.memory_space<semaphore_mem>>) src(%arg13 : memref<128x32xf32, #tpu.memory_space<vmem>>) dst(%dma_wait3A_217 : memref<128x32xf32, #tpu.memory_space<vmem_shared>>)
      tpu.yield
    }) : () -> ()
    %mul3A_10 = arith.constant 640 : i32
    %mul3A_11 = arith.muli %arg1, %mul3A_10 : i32
    %add3A_12 = arith.constant 128 : i32
    %add3A_13 = arith.addi %mul3A_11, %add3A_12 : i32
    "tpu.region"() ({
      %run_scoped3A = tpu.sem_alloc : memref<!tpu.dma_semaphore, #tpu.memory_space<semaphore_mem>>
      %dma_start3A_210 = arith.constant 0 : i32
      %dma_start3A_211 = tpu.memref_slice %arg15[%add3A_13, %dma_start3A_210] : memref<10240x32xf32, #tpu.memory_space<vmem_shared>> -> memref<128x32xf32, #tpu.memory_space<vmem_shared>>
      %dma_start3A_212 = arith.constant 0 : i32
      %dma_start3A_213 = tpu.memref_slice %arg15[%add3A_13, %dma_start3A_212] : memref<10240x32xf32, #tpu.memory_space<vmem_shared>> -> memref<128x32xf32, #tpu.memory_space<vmem_shared>>
      tpu.enqueue_dma source(%arg13 : memref<128x32xf32, #tpu.memory_space<vmem>>) target(%dma_start3A_213 : memref<128x32xf32, #tpu.memory_space<vmem_shared>>) target_semaphore(%run_scoped3A : memref<!tpu.dma_semaphore, #tpu.memory_space<semaphore_mem>>)
      %dma_wait3A_214 = arith.constant 0 : i32
      %dma_wait3A_215 = tpu.memref_slice %arg15[%add3A_13, %dma_wait3A_214] : memref<10240x32xf32, #tpu.memory_space<vmem_shared>> -> memref<128x32xf32, #tpu.memory_space<vmem_shared>>
      %dma_wait3A_216 = arith.constant 0 : i32
      %dma_wait3A_217 = tpu.memref_slice %arg15[%add3A_13, %dma_wait3A_216] : memref<10240x32xf32, #tpu.memory_space<vmem_shared>> -> memref<128x32xf32, #tpu.memory_space<vmem_shared>>
      tpu.wait_dma2 semaphore(%run_scoped3A : memref<!tpu.dma_semaphore, #tpu.memory_space<semaphore_mem>>) src(%arg13 : memref<128x32xf32, #tpu.memory_space<vmem>>) dst(%dma_wait3A_217 : memref<128x32xf32, #tpu.memory_space<vmem_shared>>)
      tpu.yield
    }) : () -> ()
    %mul3A_14 = arith.constant 640 : i32
    %mul3A_15 = arith.muli %arg1, %mul3A_14 : i32
    %add3A_16 = arith.constant 256 : i32
    %add3A_17 = arith.addi %mul3A_15, %add3A_16 : i32
    "tpu.region"() ({
      %run_scoped3A = tpu.sem_alloc : memref<!tpu.dma_semaphore, #tpu.memory_space<semaphore_mem>>
      %dma_start3A_210 = arith.constant 0 : i32
      %dma_start3A_211 = tpu.memref_slice %arg15[%add3A_17, %dma_start3A_210] : memref<10240x32xf32, #tpu.memory_space<vmem_shared>> -> memref<128x32xf32, #tpu.memory_space<vmem_shared>>
      %dma_start3A_212 = arith.constant 0 : i32
      %dma_start3A_213 = tpu.memref_slice %arg15[%add3A_17, %dma_start3A_212] : memref<10240x32xf32, #tpu.memory_space<vmem_shared>> -> memref<128x32xf32, #tpu.memory_space<vmem_shared>>
      tpu.enqueue_dma source(%arg13 : memref<128x32xf32, #tpu.memory_space<vmem>>) target(%dma_start3A_213 : memref<128x32xf32, #tpu.memory_space<vmem_shared>>) target_semaphore(%run_scoped3A : memref<!tpu.dma_semaphore, #tpu.memory_space<semaphore_mem>>)
      %dma_wait3A_214 = arith.constant 0 : i32
      %dma_wait3A_215 = tpu.memref_slice %arg15[%add3A_17, %dma_wait3A_214] : memref<10240x32xf32, #tpu.memory_space<vmem_shared>> -> memref<128x32xf32, #tpu.memory_space<vmem_shared>>
      %dma_wait3A_216 = arith.constant 0 : i32
      %dma_wait3A_217 = tpu.memref_slice %arg15[%add3A_17, %dma_wait3A_216] : memref<10240x32xf32, #tpu.memory_space<vmem_shared>> -> memref<128x32xf32, #tpu.memory_space<vmem_shared>>
      tpu.wait_dma2 semaphore(%run_scoped3A : memref<!tpu.dma_semaphore, #tpu.memory_space<semaphore_mem>>) src(%arg13 : memref<128x32xf32, #tpu.memory_space<vmem>>) dst(%dma_wait3A_217 : memref<128x32xf32, #tpu.memory_space<vmem_shared>>)
      tpu.yield
    }) : () -> ()
    %mul3A_18 = arith.constant 640 : i32
    %mul3A_19 = arith.muli %arg1, %mul3A_18 : i32
    %add3A_20 = arith.constant 384 : i32
    %add3A_21 = arith.addi %mul3A_19, %add3A_20 : i32
    "tpu.region"() ({
      %run_scoped3A = tpu.sem_alloc : memref<!tpu.dma_semaphore, #tpu.memory_space<semaphore_mem>>
      %dma_start3A_210 = arith.constant 0 : i32
      %dma_start3A_211 = tpu.memref_slice %arg15[%add3A_21, %dma_start3A_210] : memref<10240x32xf32, #tpu.memory_space<vmem_shared>> -> memref<128x32xf32, #tpu.memory_space<vmem_shared>>
      %dma_start3A_212 = arith.constant 0 : i32
      %dma_start3A_213 = tpu.memref_slice %arg15[%add3A_21, %dma_start3A_212] : memref<10240x32xf32, #tpu.memory_space<vmem_shared>> -> memref<128x32xf32, #tpu.memory_space<vmem_shared>>
      tpu.enqueue_dma source(%arg13 : memref<128x32xf32, #tpu.memory_space<vmem>>) target(%dma_start3A_213 : memref<128x32xf32, #tpu.memory_space<vmem_shared>>) target_semaphore(%run_scoped3A : memref<!tpu.dma_semaphore, #tpu.memory_space<semaphore_mem>>)
      %dma_wait3A_214 = arith.constant 0 : i32
      %dma_wait3A_215 = tpu.memref_slice %arg15[%add3A_21, %dma_wait3A_214] : memref<10240x32xf32, #tpu.memory_space<vmem_shared>> -> memref<128x32xf32, #tpu.memory_space<vmem_shared>>
      %dma_wait3A_216 = arith.constant 0 : i32
      %dma_wait3A_217 = tpu.memref_slice %arg15[%add3A_21, %dma_wait3A_216] : memref<10240x32xf32, #tpu.memory_space<vmem_shared>> -> memref<128x32xf32, #tpu.memory_space<vmem_shared>>
      tpu.wait_dma2 semaphore(%run_scoped3A : memref<!tpu.dma_semaphore, #tpu.memory_space<semaphore_mem>>) src(%arg13 : memref<128x32xf32, #tpu.memory_space<vmem>>) dst(%dma_wait3A_217 : memref<128x32xf32, #tpu.memory_space<vmem_shared>>)
      tpu.yield
    }) : () -> ()
    %mul3A_22 = arith.constant 640 : i32
    %mul3A_23 = arith.muli %arg1, %mul3A_22 : i32
    %add3A_24 = arith.constant 512 : i32
    %add3A_25 = arith.addi %mul3A_23, %add3A_24 : i32
    "tpu.region"() ({
      %run_scoped3A = tpu.sem_alloc : memref<!tpu.dma_semaphore, #tpu.memory_space<semaphore_mem>>
      %dma_start3A_210 = arith.constant 0 : i32
      %dma_start3A_211 = tpu.memref_slice %arg15[%add3A_25, %dma_start3A_210] : memref<10240x32xf32, #tpu.memory_space<vmem_shared>> -> memref<128x32xf32, #tpu.memory_space<vmem_shared>>
      %dma_start3A_212 = arith.constant 0 : i32
      %dma_start3A_213 = tpu.memref_slice %arg15[%add3A_25, %dma_start3A_212] : memref<10240x32xf32, #tpu.memory_space<vmem_shared>> -> memref<128x32xf32, #tpu.memory_space<vmem_shared>>
      tpu.enqueue_dma source(%arg13 : memref<128x32xf32, #tpu.memory_space<vmem>>) target(%dma_start3A_213 : memref<128x32xf32, #tpu.memory_space<vmem_shared>>) target_semaphore(%run_scoped3A : memref<!tpu.dma_semaphore, #tpu.memory_space<semaphore_mem>>)
      %dma_wait3A_214 = arith.constant 0 : i32
      %dma_wait3A_215 = tpu.memref_slice %arg15[%add3A_25, %dma_wait3A_214] : memref<10240x32xf32, #tpu.memory_space<vmem_shared>> -> memref<128x32xf32, #tpu.memory_space<vmem_shared>>
      %dma_wait3A_216 = arith.constant 0 : i32
      %dma_wait3A_217 = tpu.memref_slice %arg15[%add3A_25, %dma_wait3A_216] : memref<10240x32xf32, #tpu.memory_space<vmem_shared>> -> memref<128x32xf32, #tpu.memory_space<vmem_shared>>
      tpu.wait_dma2 semaphore(%run_scoped3A : memref<!tpu.dma_semaphore, #tpu.memory_space<semaphore_mem>>) src(%arg13 : memref<128x32xf32, #tpu.memory_space<vmem>>) dst(%dma_wait3A_217 : memref<128x32xf32, #tpu.memory_space<vmem_shared>>)
      tpu.yield
    }) : () -> ()
    %mul3A_26 = arith.constant 625 : i32
    %mul3A_27 = arith.muli %arg1, %mul3A_26 : i32
    "tpu.region"() ({
      %run_scoped3A = tpu.sem_alloc : memref<!tpu.dma_semaphore, #tpu.memory_space<semaphore_mem>>
      %dma_start3A_210 = arith.constant 0 : i32
      %dma_start3A_211 = tpu.memref_slice %arg14[%mul3A_27, %dma_start3A_210] : memref<10000x32xf32, #tpu.memory_space<vmem_shared>> -> memref<625x32xf32, #tpu.memory_space<vmem_shared>>
      %dma_start3A_212 = arith.constant 0 : i32
      %dma_start3A_213 = tpu.memref_slice %arg2[%mul3A_27, %dma_start3A_212] : memref<10000x32xf32, #tpu.memory_space<hbm>> -> memref<625x32xf32, #tpu.memory_space<hbm>>
      tpu.enqueue_dma source(%dma_start3A_213 : memref<625x32xf32, #tpu.memory_space<hbm>>) target(%dma_start3A_211 : memref<625x32xf32, #tpu.memory_space<vmem_shared>>) target_semaphore(%run_scoped3A : memref<!tpu.dma_semaphore, #tpu.memory_space<semaphore_mem>>)
      %dma_wait3A_214 = arith.constant 0 : i32
      %dma_wait3A_215 = tpu.memref_slice %arg14[%mul3A_27, %dma_wait3A_214] : memref<10000x32xf32, #tpu.memory_space<vmem_shared>> -> memref<625x32xf32, #tpu.memory_space<vmem_shared>>
      %dma_wait3A_216 = arith.constant 0 : i32
      %dma_wait3A_217 = tpu.memref_slice %arg2[%mul3A_27, %dma_wait3A_216] : memref<10000x32xf32, #tpu.memory_space<hbm>> -> memref<625x32xf32, #tpu.memory_space<hbm>>
      tpu.wait_dma2 semaphore(%run_scoped3A : memref<!tpu.dma_semaphore, #tpu.memory_space<semaphore_mem>>) src(%dma_wait3A_217 : memref<625x32xf32, #tpu.memory_space<hbm>>) dst(%dma_wait3A_215 : memref<625x32xf32, #tpu.memory_space<vmem_shared>>)
      tpu.yield
    }) : () -> ()
    "tpu.region"() ({
      %run_scoped3A = tpu.sem_alloc : memref<!tpu.dma_semaphore, #tpu.memory_space<semaphore_mem>>
      %dma_start3A_210 = arith.constant 0 : i32
      %dma_start3A_211 = arith.constant 0 : i32
      %dma_start3A_212 = tpu.memref_slice %arg7[%dma_start3A_210, %dma_start3A_211] : memref<82x128xi32, #tpu.memory_space<vmem>> -> memref<80x128xi32, #tpu.memory_space<vmem>>
      %dma_start3A_213 = arith.constant 0 : i32
      %dma_start3A_214 = arith.constant 0 : i32
      %dma_start3A_215 = tpu.memref_slice %arg3[%add3A, %dma_start3A_213, %dma_start3A_214] : memref<32x80x128xi32, #tpu.memory_space<hbm>> -> memref<1x80x128xi32, #tpu.memory_space<hbm>>
      %dma_start3A_216 = tpu.memref_squeeze %dma_start3A_215 : memref<1x80x128xi32, #tpu.memory_space<hbm>> -> memref<80x128xi32, #tpu.memory_space<hbm>>
      %dma_start3A_217 = arith.constant 0 : i32
      %dma_start3A_218 = arith.constant 0 : i32
      %dma_start3A_219 = tpu.memref_slice %arg7[%dma_start3A_217, %dma_start3A_218] : memref<82x128xi32, #tpu.memory_space<vmem>> -> memref<80x128xi32, #tpu.memory_space<vmem>>
      %dma_start3A_220 = arith.constant 0 : i32
      %dma_start3A_221 = arith.constant 0 : i32
      %dma_start3A_222 = tpu.memref_slice %arg3[%add3A, %dma_start3A_220, %dma_start3A_221] : memref<32x80x128xi32, #tpu.memory_space<hbm>> -> memref<1x80x128xi32, #tpu.memory_space<hbm>>
      %dma_start3A_223 = tpu.memref_squeeze %dma_start3A_222 : memref<1x80x128xi32, #tpu.memory_space<hbm>> -> memref<80x128xi32, #tpu.memory_space<hbm>>
      tpu.enqueue_dma source(%dma_start3A_223 : memref<80x128xi32, #tpu.memory_space<hbm>>) target(%dma_start3A_219 : memref<80x128xi32, #tpu.memory_space<vmem>>) target_semaphore(%run_scoped3A : memref<!tpu.dma_semaphore, #tpu.memory_space<semaphore_mem>>)
      %dma_wait3A_224 = arith.constant 0 : i32
      %dma_wait3A_225 = arith.constant 0 : i32
      %dma_wait3A_226 = tpu.memref_slice %arg7[%dma_wait3A_224, %dma_wait3A_225] : memref<82x128xi32, #tpu.memory_space<vmem>> -> memref<80x128xi32, #tpu.memory_space<vmem>>
      %dma_wait3A_227 = arith.constant 0 : i32
      %dma_wait3A_228 = arith.constant 0 : i32
      %dma_wait3A_229 = tpu.memref_slice %arg3[%add3A, %dma_wait3A_227, %dma_wait3A_228] : memref<32x80x128xi32, #tpu.memory_space<hbm>> -> memref<1x80x128xi32, #tpu.memory_space<hbm>>
      %dma_wait3A_230 = tpu.memref_squeeze %dma_wait3A_229 : memref<1x80x128xi32, #tpu.memory_space<hbm>> -> memref<80x128xi32, #tpu.memory_space<hbm>>
      %dma_wait3A_231 = arith.constant 0 : i32
      %dma_wait3A_232 = arith.constant 0 : i32
      %dma_wait3A_233 = tpu.memref_slice %arg7[%dma_wait3A_231, %dma_wait3A_232] : memref<82x128xi32, #tpu.memory_space<vmem>> -> memref<80x128xi32, #tpu.memory_space<vmem>>
      %dma_wait3A_234 = arith.constant 0 : i32
      %dma_wait3A_235 = arith.constant 0 : i32
      %dma_wait3A_236 = tpu.memref_slice %arg3[%add3A, %dma_wait3A_234, %dma_wait3A_235] : memref<32x80x128xi32, #tpu.memory_space<hbm>> -> memref<1x80x128xi32, #tpu.memory_space<hbm>>
      %dma_wait3A_237 = tpu.memref_squeeze %dma_wait3A_236 : memref<1x80x128xi32, #tpu.memory_space<hbm>> -> memref<80x128xi32, #tpu.memory_space<hbm>>
      tpu.wait_dma2 semaphore(%run_scoped3A : memref<!tpu.dma_semaphore, #tpu.memory_space<semaphore_mem>>) src(%dma_wait3A_237 : memref<80x128xi32, #tpu.memory_space<hbm>>) dst(%dma_wait3A_233 : memref<80x128xi32, #tpu.memory_space<vmem>>)
      tpu.yield
    }) : () -> ()
    %broadcast_in_dim3A = arith.constant 0 : i32
    %broadcast_in_dim3A_28 = vector.broadcast %broadcast_in_dim3A : i32 to vector<16xi32>
    %swap3A = arith.constant 80 : i32
    %swap3A_29 = arith.index_cast %swap3A : i32 to index
    %swap3A_30 = arith.constant 0 : index
    %swap3A_31 = tpu.vector_load %arg7[%swap3A_29, %swap3A_30] {strides = array<i32>} : memref<82x128xi32, #tpu.memory_space<vmem>>, vector<1x16xi32>,
    %swap3A_32 = vector.shape_cast %swap3A_31 : vector<1x16xi32> to vector<16xi32>
    %swap3A_33 = vector.shape_cast %broadcast_in_dim3A_28 : vector<16xi32> to vector<1x16xi32>
    tpu.vector_store %arg7[%swap3A_29, %swap3A_30], %swap3A_33 {strides = array<i32>} : memref<82x128xi32, #tpu.memory_space<vmem>>, vector<1x16xi32>,
    %broadcast_in_dim3A_34 = arith.constant 0 : i32
    %broadcast_in_dim3A_35 = vector.broadcast %broadcast_in_dim3A_34 : i32 to vector<16xi32>
    %swap3A_36 = arith.constant 80 : i32
    %swap3A_37 = arith.index_cast %swap3A_36 : i32 to index
    %swap3A_38 = arith.constant 16 : index
    %swap3A_39 = tpu.vector_load %arg7[%swap3A_37, %swap3A_38] {strides = array<i32>} : memref<82x128xi32, #tpu.memory_space<vmem>>, vector<1x16xi32>,
    %swap3A_40 = vector.shape_cast %swap3A_39 : vector<1x16xi32> to vector<16xi32>
    %swap3A_41 = vector.shape_cast %broadcast_in_dim3A_35 : vector<16xi32> to vector<1x16xi32>
    tpu.vector_store %arg7[%swap3A_37, %swap3A_38], %swap3A_41 {strides = array<i32>} : memref<82x128xi32, #tpu.memory_space<vmem>>, vector<1x16xi32>,
    %broadcast_in_dim3A_42 = arith.constant 0 : i32
    %broadcast_in_dim3A_43 = vector.broadcast %broadcast_in_dim3A_42 : i32 to vector<16xi32>
    %swap3A_44 = arith.constant 80 : i32
    %swap3A_45 = arith.index_cast %swap3A_44 : i32 to index
    %swap3A_46 = arith.constant 32 : index
    %swap3A_47 = tpu.vector_load %arg7[%swap3A_45, %swap3A_46] {strides = array<i32>} : memref<82x128xi32, #tpu.memory_space<vmem>>, vector<1x16xi32>,
    %swap3A_48 = vector.shape_cast %swap3A_47 : vector<1x16xi32> to vector<16xi32>
    %swap3A_49 = vector.shape_cast %broadcast_in_dim3A_43 : vector<16xi32> to vector<1x16xi32>
    tpu.vector_store %arg7[%swap3A_45, %swap3A_46], %swap3A_49 {strides = array<i32>} : memref<82x128xi32, #tpu.memory_space<vmem>>, vector<1x16xi32>,
    %broadcast_in_dim3A_50 = arith.constant 0 : i32
    %broadcast_in_dim3A_51 = vector.broadcast %broadcast_in_dim3A_50 : i32 to vector<16xi32>
    %swap3A_52 = arith.constant 80 : i32
    %swap3A_53 = arith.index_cast %swap3A_52 : i32 to index
    %swap3A_54 = arith.constant 48 : index
    %swap3A_55 = tpu.vector_load %arg7[%swap3A_53, %swap3A_54] {strides = array<i32>} : memref<82x128xi32, #tpu.memory_space<vmem>>, vector<1x16xi32>,
    %swap3A_56 = vector.shape_cast %swap3A_55 : vector<1x16xi32> to vector<16xi32>
    %swap3A_57 = vector.shape_cast %broadcast_in_dim3A_51 : vector<16xi32> to vector<1x16xi32>
    tpu.vector_store %arg7[%swap3A_53, %swap3A_54], %swap3A_57 {strides = array<i32>} : memref<82x128xi32, #tpu.memory_space<vmem>>, vector<1x16xi32>,
    %broadcast_in_dim3A_58 = arith.constant 0 : i32
    %broadcast_in_dim3A_59 = vector.broadcast %broadcast_in_dim3A_58 : i32 to vector<16xi32>
    %swap3A_60 = arith.constant 80 : i32
    %swap3A_61 = arith.index_cast %swap3A_60 : i32 to index
    %swap3A_62 = arith.constant 64 : index
    %swap3A_63 = tpu.vector_load %arg7[%swap3A_61, %swap3A_62] {strides = array<i32>} : memref<82x128xi32, #tpu.memory_space<vmem>>, vector<1x16xi32>,
    %swap3A_64 = vector.shape_cast %swap3A_63 : vector<1x16xi32> to vector<16xi32>
    %swap3A_65 = vector.shape_cast %broadcast_in_dim3A_59 : vector<16xi32> to vector<1x16xi32>
    tpu.vector_store %arg7[%swap3A_61, %swap3A_62], %swap3A_65 {strides = array<i32>} : memref<82x128xi32, #tpu.memory_space<vmem>>, vector<1x16xi32>,
    %broadcast_in_dim3A_66 = arith.constant 0 : i32
    %broadcast_in_dim3A_67 = vector.broadcast %broadcast_in_dim3A_66 : i32 to vector<16xi32>
    %swap3A_68 = arith.constant 80 : i32
    %swap3A_69 = arith.index_cast %swap3A_68 : i32 to index
    %swap3A_70 = arith.constant 80 : index
    %swap3A_71 = tpu.vector_load %arg7[%swap3A_69, %swap3A_70] {strides = array<i32>} : memref<82x128xi32, #tpu.memory_space<vmem>>, vector<1x16xi32>,
    %swap3A_72 = vector.shape_cast %swap3A_71 : vector<1x16xi32> to vector<16xi32>
    %swap3A_73 = vector.shape_cast %broadcast_in_dim3A_67 : vector<16xi32> to vector<1x16xi32>
    tpu.vector_store %arg7[%swap3A_69, %swap3A_70], %swap3A_73 {strides = array<i32>} : memref<82x128xi32, #tpu.memory_space<vmem>>, vector<1x16xi32>,
    %broadcast_in_dim3A_74 = arith.constant 0 : i32
    %broadcast_in_dim3A_75 = vector.broadcast %broadcast_in_dim3A_74 : i32 to vector<16xi32>
    %swap3A_76 = arith.constant 80 : i32
    %swap3A_77 = arith.index_cast %swap3A_76 : i32 to index
    %swap3A_78 = arith.constant 96 : index
    %swap3A_79 = tpu.vector_load %arg7[%swap3A_77, %swap3A_78] {strides = array<i32>} : memref<82x128xi32, #tpu.memory_space<vmem>>, vector<1x16xi32>,
    %swap3A_80 = vector.shape_cast %swap3A_79 : vector<1x16xi32> to vector<16xi32>
    %swap3A_81 = vector.shape_cast %broadcast_in_dim3A_75 : vector<16xi32> to vector<1x16xi32>
    tpu.vector_store %arg7[%swap3A_77, %swap3A_78], %swap3A_81 {strides = array<i32>} : memref<82x128xi32, #tpu.memory_space<vmem>>, vector<1x16xi32>,
    %broadcast_in_dim3A_82 = arith.constant 0 : i32
    %broadcast_in_dim3A_83 = vector.broadcast %broadcast_in_dim3A_82 : i32 to vector<16xi32>
    %swap3A_84 = arith.constant 80 : i32
    %swap3A_85 = arith.index_cast %swap3A_84 : i32 to index
    %swap3A_86 = arith.constant 112 : index
    %swap3A_87 = tpu.vector_load %arg7[%swap3A_85, %swap3A_86] {strides = array<i32>} : memref<82x128xi32, #tpu.memory_space<vmem>>, vector<1x16xi32>,
    %swap3A_88 = vector.shape_cast %swap3A_87 : vector<1x16xi32> to vector<16xi32>
    %swap3A_89 = vector.shape_cast %broadcast_in_dim3A_83 : vector<16xi32> to vector<1x16xi32>
    tpu.vector_store %arg7[%swap3A_85, %swap3A_86], %swap3A_89 {strides = array<i32>} : memref<82x128xi32, #tpu.memory_space<vmem>>, vector<1x16xi32>,
    %broadcast_in_dim3A_90 = arith.constant 0 : i32
    %broadcast_in_dim3A_91 = vector.broadcast %broadcast_in_dim3A_90 : i32 to vector<16xi32>
    %swap3A_92 = arith.constant 81 : i32
    %swap3A_93 = arith.index_cast %swap3A_92 : i32 to index
    %swap3A_94 = arith.constant 0 : index
    %swap3A_95 = tpu.vector_load %arg7[%swap3A_93, %swap3A_94] {strides = array<i32>} : memref<82x128xi32, #tpu.memory_space<vmem>>, vector<1x16xi32>,
    %swap3A_96 = vector.shape_cast %swap3A_95 : vector<1x16xi32> to vector<16xi32>
    %swap3A_97 = vector.shape_cast %broadcast_in_dim3A_91 : vector<16xi32> to vector<1x16xi32>
    tpu.vector_store %arg7[%swap3A_93, %swap3A_94], %swap3A_97 {strides = array<i32>} : memref<82x128xi32, #tpu.memory_space<vmem>>, vector<1x16xi32>,
    %broadcast_in_dim3A_98 = arith.constant 0 : i32
    %broadcast_in_dim3A_99 = vector.broadcast %broadcast_in_dim3A_98 : i32 to vector<16xi32>
    %swap3A_100 = arith.constant 81 : i32
    %swap3A_101 = arith.index_cast %swap3A_100 : i32 to index
    %swap3A_102 = arith.constant 16 : index
    %swap3A_103 = tpu.vector_load %arg7[%swap3A_101, %swap3A_102] {strides = array<i32>} : memref<82x128xi32, #tpu.memory_space<vmem>>, vector<1x16xi32>,
    %swap3A_104 = vector.shape_cast %swap3A_103 : vector<1x16xi32> to vector<16xi32>
    %swap3A_105 = vector.shape_cast %broadcast_in_dim3A_99 : vector<16xi32> to vector<1x16xi32>
    tpu.vector_store %arg7[%swap3A_101, %swap3A_102], %swap3A_105 {strides = array<i32>} : memref<82x128xi32, #tpu.memory_space<vmem>>, vector<1x16xi32>,
    %broadcast_in_dim3A_106 = arith.constant 0 : i32
    %broadcast_in_dim3A_107 = vector.broadcast %broadcast_in_dim3A_106 : i32 to vector<16xi32>
    %swap3A_108 = arith.constant 81 : i32
    %swap3A_109 = arith.index_cast %swap3A_108 : i32 to index
    %swap3A_110 = arith.constant 32 : index
    %swap3A_111 = tpu.vector_load %arg7[%swap3A_109, %swap3A_110] {strides = array<i32>} : memref<82x128xi32, #tpu.memory_space<vmem>>, vector<1x16xi32>,
    %swap3A_112 = vector.shape_cast %swap3A_111 : vector<1x16xi32> to vector<16xi32>
    %swap3A_113 = vector.shape_cast %broadcast_in_dim3A_107 : vector<16xi32> to vector<1x16xi32>
    tpu.vector_store %arg7[%swap3A_109, %swap3A_110], %swap3A_113 {strides = array<i32>} : memref<82x128xi32, #tpu.memory_space<vmem>>, vector<1x16xi32>,
    %broadcast_in_dim3A_114 = arith.constant 0 : i32
    %broadcast_in_dim3A_115 = vector.broadcast %broadcast_in_dim3A_114 : i32 to vector<16xi32>
    %swap3A_116 = arith.constant 81 : i32
    %swap3A_117 = arith.index_cast %swap3A_116 : i32 to index
    %swap3A_118 = arith.constant 48 : index
    %swap3A_119 = tpu.vector_load %arg7[%swap3A_117, %swap3A_118] {strides = array<i32>} : memref<82x128xi32, #tpu.memory_space<vmem>>, vector<1x16xi32>,
    %swap3A_120 = vector.shape_cast %swap3A_119 : vector<1x16xi32> to vector<16xi32>
    %swap3A_121 = vector.shape_cast %broadcast_in_dim3A_115 : vector<16xi32> to vector<1x16xi32>
    tpu.vector_store %arg7[%swap3A_117, %swap3A_118], %swap3A_121 {strides = array<i32>} : memref<82x128xi32, #tpu.memory_space<vmem>>, vector<1x16xi32>,
    %broadcast_in_dim3A_122 = arith.constant 0 : i32
    %broadcast_in_dim3A_123 = vector.broadcast %broadcast_in_dim3A_122 : i32 to vector<16xi32>
    %swap3A_124 = arith.constant 81 : i32
    %swap3A_125 = arith.index_cast %swap3A_124 : i32 to index
    %swap3A_126 = arith.constant 64 : index
    %swap3A_127 = tpu.vector_load %arg7[%swap3A_125, %swap3A_126] {strides = array<i32>} : memref<82x128xi32, #tpu.memory_space<vmem>>, vector<1x16xi32>,
    %swap3A_128 = vector.shape_cast %swap3A_127 : vector<1x16xi32> to vector<16xi32>
    %swap3A_129 = vector.shape_cast %broadcast_in_dim3A_123 : vector<16xi32> to vector<1x16xi32>
    tpu.vector_store %arg7[%swap3A_125, %swap3A_126], %swap3A_129 {strides = array<i32>} : memref<82x128xi32, #tpu.memory_space<vmem>>, vector<1x16xi32>,
    %broadcast_in_dim3A_130 = arith.constant 0 : i32
    %broadcast_in_dim3A_131 = vector.broadcast %broadcast_in_dim3A_130 : i32 to vector<16xi32>
    %swap3A_132 = arith.constant 81 : i32
    %swap3A_133 = arith.index_cast %swap3A_132 : i32 to index
    %swap3A_134 = arith.constant 80 : index
    %swap3A_135 = tpu.vector_load %arg7[%swap3A_133, %swap3A_134] {strides = array<i32>} : memref<82x128xi32, #tpu.memory_space<vmem>>, vector<1x16xi32>,
    %swap3A_136 = vector.shape_cast %swap3A_135 : vector<1x16xi32> to vector<16xi32>
    %swap3A_137 = vector.shape_cast %broadcast_in_dim3A_131 : vector<16xi32> to vector<1x16xi32>
    tpu.vector_store %arg7[%swap3A_133, %swap3A_134], %swap3A_137 {strides = array<i32>} : memref<82x128xi32, #tpu.memory_space<vmem>>, vector<1x16xi32>,
    %broadcast_in_dim3A_138 = arith.constant 0 : i32
    %broadcast_in_dim3A_139 = vector.broadcast %broadcast_in_dim3A_138 : i32 to vector<16xi32>
    %swap3A_140 = arith.constant 81 : i32
    %swap3A_141 = arith.index_cast %swap3A_140 : i32 to index
    %swap3A_142 = arith.constant 96 : index
    %swap3A_143 = tpu.vector_load %arg7[%swap3A_141, %swap3A_142] {strides = array<i32>} : memref<82x128xi32, #tpu.memory_space<vmem>>, vector<1x16xi32>,
    %swap3A_144 = vector.shape_cast %swap3A_143 : vector<1x16xi32> to vector<16xi32>
    %swap3A_145 = vector.shape_cast %broadcast_in_dim3A_139 : vector<16xi32> to vector<1x16xi32>
    tpu.vector_store %arg7[%swap3A_141, %swap3A_142], %swap3A_145 {strides = array<i32>} : memref<82x128xi32, #tpu.memory_space<vmem>>, vector<1x16xi32>,
    %broadcast_in_dim3A_146 = arith.constant 0 : i32
    %broadcast_in_dim3A_147 = vector.broadcast %broadcast_in_dim3A_146 : i32 to vector<16xi32>
    %swap3A_148 = arith.constant 81 : i32
    %swap3A_149 = arith.index_cast %swap3A_148 : i32 to index
    %swap3A_150 = arith.constant 112 : index
    %swap3A_151 = tpu.vector_load %arg7[%swap3A_149, %swap3A_150] {strides = array<i32>} : memref<82x128xi32, #tpu.memory_space<vmem>>, vector<1x16xi32>,
    %swap3A_152 = vector.shape_cast %swap3A_151 : vector<1x16xi32> to vector<16xi32>
    %swap3A_153 = vector.shape_cast %broadcast_in_dim3A_147 : vector<16xi32> to vector<1x16xi32>
    tpu.vector_store %arg7[%swap3A_149, %swap3A_150], %swap3A_153 {strides = array<i32>} : memref<82x128xi32, #tpu.memory_space<vmem>>, vector<1x16xi32>,
    "tpu.region"() ({
      %run_scoped3A = tpu.sem_alloc : memref<!tpu.dma_semaphore, #tpu.memory_space<semaphore_mem>>
      %dma_start3A_210 = arith.constant 0 : i32
      %dma_start3A_211 = arith.constant 0 : i32
      %dma_start3A_212 = tpu.memref_slice %arg4[%add3A, %dma_start3A_210, %dma_start3A_211] : memref<32x80x128xi32, #tpu.memory_space<hbm>> -> memref<1x80x128xi32, #tpu.memory_space<hbm>>
      %dma_start3A_213 = tpu.memref_squeeze %dma_start3A_212 : memref<1x80x128xi32, #tpu.memory_space<hbm>> -> memref<80x128xi32, #tpu.memory_space<hbm>>
      %dma_start3A_214 = arith.constant 0 : i32
      %dma_start3A_215 = arith.constant 0 : i32
      %dma_start3A_216 = tpu.memref_slice %arg4[%add3A, %dma_start3A_214, %dma_start3A_215] : memref<32x80x128xi32, #tpu.memory_space<hbm>> -> memref<1x80x128xi32, #tpu.memory_space<hbm>>
      %dma_start3A_217 = tpu.memref_squeeze %dma_start3A_216 : memref<1x80x128xi32, #tpu.memory_space<hbm>> -> memref<80x128xi32, #tpu.memory_space<hbm>>
      tpu.enqueue_dma source(%dma_start3A_217 : memref<80x128xi32, #tpu.memory_space<hbm>>) target(%arg8 : memref<80x128xi32, #tpu.memory_space<vmem>>) target_semaphore(%run_scoped3A : memref<!tpu.dma_semaphore, #tpu.memory_space<semaphore_mem>>)
      %dma_wait3A_218 = arith.constant 0 : i32
      %dma_wait3A_219 = arith.constant 0 : i32
      %dma_wait3A_220 = tpu.memref_slice %arg4[%add3A, %dma_wait3A_218, %dma_wait3A_219] : memref<32x80x128xi32, #tpu.memory_space<hbm>> -> memref<1x80x128xi32, #tpu.memory_space<hbm>>
      %dma_wait3A_221 = tpu.memref_squeeze %dma_wait3A_220 : memref<1x80x128xi32, #tpu.memory_space<hbm>> -> memref<80x128xi32, #tpu.memory_space<hbm>>
      %dma_wait3A_222 = arith.constant 0 : i32
      %dma_wait3A_223 = arith.constant 0 : i32
      %dma_wait3A_224 = tpu.memref_slice %arg4[%add3A, %dma_wait3A_222, %dma_wait3A_223] : memref<32x80x128xi32, #tpu.memory_space<hbm>> -> memref<1x80x128xi32, #tpu.memory_space<hbm>>
      %dma_wait3A_225 = tpu.memref_squeeze %dma_wait3A_224 : memref<1x80x128xi32, #tpu.memory_space<hbm>> -> memref<80x128xi32, #tpu.memory_space<hbm>>
      tpu.wait_dma2 semaphore(%run_scoped3A : memref<!tpu.dma_semaphore, #tpu.memory_space<semaphore_mem>>) src(%dma_wait3A_225 : memref<80x128xi32, #tpu.memory_space<hbm>>) dst(%arg8 : memref<80x128xi32, #tpu.memory_space<vmem>>)
      tpu.yield
    }) : () -> ()
    %barrier3A = arith.constant 0 : index
    tpu.barrier barrier_id(%barrier3A)
    %dma_start3A = arith.constant 0 : i32
    %dma_start3A_154 = arith.constant 0 : i32
    %dma_start3A_155 = tpu.memref_slice %arg7[%dma_start3A, %dma_start3A_154] : memref<82x128xi32, #tpu.memory_space<vmem>> -> memref<1x128xi32, #tpu.memory_space<vmem>>
    %dma_start3A_156 = tpu.memref_squeeze %dma_start3A_155 : memref<1x128xi32, #tpu.memory_space<vmem>> -> memref<128xi32, #tpu.memory_space<vmem>>
    %dma_start3A_157 = arith.constant 0 : i32
    %dma_start3A_158 = arith.constant 0 : i32
    %dma_start3A_159 = tpu.memref_slice %arg14[%dma_start3A_157, %dma_start3A_158] : memref<10000x32xf32, #tpu.memory_space<vmem_shared>> -> memref<10000x32xf32, #tpu.memory_space<vmem_shared>>
    tpu.enqueue_indirect_dma source(%dma_start3A_159 : memref<10000x32xf32, #tpu.memory_space<vmem_shared>>) target(%arg9 : memref<128x32xf32, #tpu.memory_space<vmem>>) offsets(%dma_start3A_156 : memref<128xi32, #tpu.memory_space<vmem>>) semaphore(%arg16 : memref<!tpu.dma_semaphore, #tpu.memory_space<semaphore_mem>>)
    %dma_start3A_160 = arith.constant 1 : i32
    %dma_start3A_161 = arith.constant 0 : i32
    %dma_start3A_162 = tpu.memref_slice %arg7[%dma_start3A_160, %dma_start3A_161] : memref<82x128xi32, #tpu.memory_space<vmem>> -> memref<1x128xi32, #tpu.memory_space<vmem>>
    %dma_start3A_163 = tpu.memref_squeeze %dma_start3A_162 : memref<1x128xi32, #tpu.memory_space<vmem>> -> memref<128xi32, #tpu.memory_space<vmem>>
    %dma_start3A_164 = arith.constant 0 : i32
    %dma_start3A_165 = arith.constant 0 : i32
    %dma_start3A_166 = tpu.memref_slice %arg14[%dma_start3A_164, %dma_start3A_165] : memref<10000x32xf32, #tpu.memory_space<vmem_shared>> -> memref<10000x32xf32, #tpu.memory_space<vmem_shared>>
    tpu.enqueue_indirect_dma source(%dma_start3A_166 : memref<10000x32xf32, #tpu.memory_space<vmem_shared>>) target(%arg10 : memref<128x32xf32, #tpu.memory_space<vmem>>) offsets(%dma_start3A_163 : memref<128xi32, #tpu.memory_space<vmem>>) semaphore(%arg17 : memref<!tpu.dma_semaphore, #tpu.memory_space<semaphore_mem>>)
    %scan3A_167 = arith.constant 0 : i32
    %scan3A_168 = arith.constant 0 : i32
    %scan3A_169 = arith.constant 20 : i32
    %scan3A_170 = arith.addi %scan3A_168, %scan3A_169 : i32
    %scan3A_171 = arith.constant 1 : i32
    scf.for %scan3A_210 = %scan3A_168 to %scan3A_170 step %scan3A_171  : i32 {
      %mul3A_211 = arith.constant 4 : i32
      %mul3A_212 = arith.muli %mul3A_211, %scan3A_210 : i32
      %add3A_213 = arith.constant 0 : i32
      %add3A_214 = arith.addi %mul3A_212, %add3A_213 : i32
      %dma_wait3A_215 = arith.constant 0 : i32
      %dma_wait3A_216 = tpu.memref_slice %arg7[%add3A_214, %dma_wait3A_215] : memref<82x128xi32, #tpu.memory_space<vmem>> -> memref<1x128xi32, #tpu.memory_space<vmem>>
      %dma_wait3A_217 = tpu.memref_squeeze %dma_wait3A_216 : memref<1x128xi32, #tpu.memory_space<vmem>> -> memref<128xi32, #tpu.memory_space<vmem>>
      %dma_wait3A_218 = arith.constant 0 : i32
      %dma_wait3A_219 = arith.constant 0 : i32
      %dma_wait3A_220 = tpu.memref_slice %arg14[%dma_wait3A_218, %dma_wait3A_219] : memref<10000x32xf32, #tpu.memory_space<vmem_shared>> -> memref<10000x32xf32, #tpu.memory_space<vmem_shared>>
      tpu.wait_indirect_dma semaphore(%arg16 : memref<!tpu.dma_semaphore, #tpu.memory_space<semaphore_mem>>) src(%dma_wait3A_220 : memref<10000x32xf32, #tpu.memory_space<vmem_shared>>) dst(%arg9 : memref<128x32xf32, #tpu.memory_space<vmem>>)
      %dma_start3A_221 = arith.constant 0 : i32
      %dma_start3A_222 = tpu.memref_slice %arg8[%add3A_214, %dma_start3A_221] : memref<80x128xi32, #tpu.memory_space<vmem>> -> memref<1x128xi32, #tpu.memory_space<vmem>>
      %dma_start3A_223 = tpu.memref_squeeze %dma_start3A_222 : memref<1x128xi32, #tpu.memory_space<vmem>> -> memref<128xi32, #tpu.memory_space<vmem>>
      %dma_start3A_224 = arith.constant 0 : i32
      %dma_start3A_225 = arith.constant 0 : i32
      %dma_start3A_226 = tpu.memref_slice %arg15[%dma_start3A_224, %dma_start3A_225] : memref<10240x32xf32, #tpu.memory_space<vmem_shared>> -> memref<10240x32xf32, #tpu.memory_space<vmem_shared>>
      tpu.enqueue_indirect_dma source(%arg9 : memref<128x32xf32, #tpu.memory_space<vmem>>) target(%dma_start3A_226 : memref<10240x32xf32, #tpu.memory_space<vmem_shared>>) offsets(%dma_start3A_223 : memref<128xi32, #tpu.memory_space<vmem>>) semaphore(%arg20 : memref<!tpu.dma_semaphore, #tpu.memory_space<semaphore_mem>>) {add = true}
      %gt3A = arith.constant 0 : i32
      %gt3A_227 = arith.cmpi sgt, %scan3A_210, %gt3A : i32
      %or3A = arith.constant false
      %or3A_228 = arith.ori %gt3A_227, %or3A : i1
      %convert_element_type3A_229 = arith.extui %or3A_228 : i1 to i32
      %cond3A_230 = arith.constant 0 : i32
      %cond3A_231 = arith.cmpi ne, %convert_element_type3A_229, %cond3A_230 : i32
      scf.if %cond3A_231 {
        %dma_wait3A_333 = arith.constant 0 : i32
        %dma_wait3A_334 = tpu.memref_slice %arg8[%add3A_214, %dma_wait3A_333] : memref<80x128xi32, #tpu.memory_space<vmem>> -> memref<1x128xi32, #tpu.memory_space<vmem>>
        %dma_wait3A_335 = tpu.memref_squeeze %dma_wait3A_334 : memref<1x128xi32, #tpu.memory_space<vmem>> -> memref<128xi32, #tpu.memory_space<vmem>>
        %dma_wait3A_336 = arith.constant 0 : i32
        %dma_wait3A_337 = arith.constant 0 : i32
        %dma_wait3A_338 = tpu.memref_slice %arg15[%dma_wait3A_336, %dma_wait3A_337] : memref<10240x32xf32, #tpu.memory_space<vmem_shared>> -> memref<10240x32xf32, #tpu.memory_space<vmem_shared>>
        tpu.wait_indirect_dma semaphore(%arg22 : memref<!tpu.dma_semaphore, #tpu.memory_space<semaphore_mem>>) src(%arg11 : memref<128x32xf32, #tpu.memory_space<vmem>>) dst(%dma_wait3A_338 : memref<10240x32xf32, #tpu.memory_space<vmem_shared>>)
      } else {
      }
      %add3A_232 = arith.constant 2 : i32
      %add3A_233 = arith.addi %add3A_214, %add3A_232 : i32
      %dma_start3A_234 = arith.constant 0 : i32
      %dma_start3A_235 = tpu.memref_slice %arg7[%add3A_233, %dma_start3A_234] : memref<82x128xi32, #tpu.memory_space<vmem>> -> memref<1x128xi32, #tpu.memory_space<vmem>>
      %dma_start3A_236 = tpu.memref_squeeze %dma_start3A_235 : memref<1x128xi32, #tpu.memory_space<vmem>> -> memref<128xi32, #tpu.memory_space<vmem>>
      %dma_start3A_237 = arith.constant 0 : i32
      %dma_start3A_238 = arith.constant 0 : i32
      %dma_start3A_239 = tpu.memref_slice %arg14[%dma_start3A_237, %dma_start3A_238] : memref<10000x32xf32, #tpu.memory_space<vmem_shared>> -> memref<10000x32xf32, #tpu.memory_space<vmem_shared>>
      tpu.enqueue_indirect_dma source(%dma_start3A_239 : memref<10000x32xf32, #tpu.memory_space<vmem_shared>>) target(%arg11 : memref<128x32xf32, #tpu.memory_space<vmem>>) offsets(%dma_start3A_236 : memref<128xi32, #tpu.memory_space<vmem>>) semaphore(%arg18 : memref<!tpu.dma_semaphore, #tpu.memory_space<semaphore_mem>>)
      %mul3A_240 = arith.constant 4 : i32
      %mul3A_241 = arith.muli %mul3A_240, %scan3A_210 : i32
      %add3A_242 = arith.constant 1 : i32
      %add3A_243 = arith.addi %mul3A_241, %add3A_242 : i32
      %dma_wait3A_244 = arith.constant 0 : i32
      %dma_wait3A_245 = tpu.memref_slice %arg7[%add3A_243, %dma_wait3A_244] : memref<82x128xi32, #tpu.memory_space<vmem>> -> memref<1x128xi32, #tpu.memory_space<vmem>>
      %dma_wait3A_246 = tpu.memref_squeeze %dma_wait3A_245 : memref<1x128xi32, #tpu.memory_space<vmem>> -> memref<128xi32, #tpu.memory_space<vmem>>
      %dma_wait3A_247 = arith.constant 0 : i32
      %dma_wait3A_248 = arith.constant 0 : i32
      %dma_wait3A_249 = tpu.memref_slice %arg14[%dma_wait3A_247, %dma_wait3A_248] : memref<10000x32xf32, #tpu.memory_space<vmem_shared>> -> memref<10000x32xf32, #tpu.memory_space<vmem_shared>>
      tpu.wait_indirect_dma semaphore(%arg17 : memref<!tpu.dma_semaphore, #tpu.memory_space<semaphore_mem>>) src(%dma_wait3A_249 : memref<10000x32xf32, #tpu.memory_space<vmem_shared>>) dst(%arg10 : memref<128x32xf32, #tpu.memory_space<vmem>>)
      %dma_start3A_250 = arith.constant 0 : i32
      %dma_start3A_251 = tpu.memref_slice %arg8[%add3A_243, %dma_start3A_250] : memref<80x128xi32, #tpu.memory_space<vmem>> -> memref<1x128xi32, #tpu.memory_space<vmem>>
      %dma_start3A_252 = tpu.memref_squeeze %dma_start3A_251 : memref<1x128xi32, #tpu.memory_space<vmem>> -> memref<128xi32, #tpu.memory_space<vmem>>
      %dma_start3A_253 = arith.constant 0 : i32
      %dma_start3A_254 = arith.constant 0 : i32
      %dma_start3A_255 = tpu.memref_slice %arg15[%dma_start3A_253, %dma_start3A_254] : memref<10240x32xf32, #tpu.memory_space<vmem_shared>> -> memref<10240x32xf32, #tpu.memory_space<vmem_shared>>
      tpu.enqueue_indirect_dma source(%arg10 : memref<128x32xf32, #tpu.memory_space<vmem>>) target(%dma_start3A_255 : memref<10240x32xf32, #tpu.memory_space<vmem_shared>>) offsets(%dma_start3A_252 : memref<128xi32, #tpu.memory_space<vmem>>) semaphore(%arg21 : memref<!tpu.dma_semaphore, #tpu.memory_space<semaphore_mem>>) {add = true}
      %gt3A_256 = arith.constant 0 : i32
      %gt3A_257 = arith.cmpi sgt, %scan3A_210, %gt3A_256 : i32
      %or3A_258 = arith.constant false
      %or3A_259 = arith.ori %gt3A_257, %or3A_258 : i1
      %convert_element_type3A_260 = arith.extui %or3A_259 : i1 to i32
      %cond3A_261 = arith.constant 0 : i32
      %cond3A_262 = arith.cmpi ne, %convert_element_type3A_260, %cond3A_261 : i32
      scf.if %cond3A_262 {
        %dma_wait3A_333 = arith.constant 0 : i32
        %dma_wait3A_334 = tpu.memref_slice %arg8[%add3A_243, %dma_wait3A_333] : memref<80x128xi32, #tpu.memory_space<vmem>> -> memref<1x128xi32, #tpu.memory_space<vmem>>
        %dma_wait3A_335 = tpu.memref_squeeze %dma_wait3A_334 : memref<1x128xi32, #tpu.memory_space<vmem>> -> memref<128xi32, #tpu.memory_space<vmem>>
        %dma_wait3A_336 = arith.constant 0 : i32
        %dma_wait3A_337 = arith.constant 0 : i32
        %dma_wait3A_338 = tpu.memref_slice %arg15[%dma_wait3A_336, %dma_wait3A_337] : memref<10240x32xf32, #tpu.memory_space<vmem_shared>> -> memref<10240x32xf32, #tpu.memory_space<vmem_shared>>
        tpu.wait_indirect_dma semaphore(%arg23 : memref<!tpu.dma_semaphore, #tpu.memory_space<semaphore_mem>>) src(%arg12 : memref<128x32xf32, #tpu.memory_space<vmem>>) dst(%dma_wait3A_338 : memref<10240x32xf32, #tpu.memory_space<vmem_shared>>)
      } else {
      }
      %add3A_263 = arith.constant 2 : i32
      %add3A_264 = arith.addi %add3A_243, %add3A_263 : i32
      %dma_start3A_265 = arith.constant 0 : i32
      %dma_start3A_266 = tpu.memref_slice %arg7[%add3A_264, %dma_start3A_265] : memref<82x128xi32, #tpu.memory_space<vmem>> -> memref<1x128xi32, #tpu.memory_space<vmem>>
      %dma_start3A_267 = tpu.memref_squeeze %dma_start3A_266 : memref<1x128xi32, #tpu.memory_space<vmem>> -> memref<128xi32, #tpu.memory_space<vmem>>
      %dma_start3A_268 = arith.constant 0 : i32
      %dma_start3A_269 = arith.constant 0 : i32
      %dma_start3A_270 = tpu.memref_slice %arg14[%dma_start3A_268, %dma_start3A_269] : memref<10000x32xf32, #tpu.memory_space<vmem_shared>> -> memref<10000x32xf32, #tpu.memory_space<vmem_shared>>
      tpu.enqueue_indirect_dma source(%dma_start3A_270 : memref<10000x32xf32, #tpu.memory_space<vmem_shared>>) target(%arg12 : memref<128x32xf32, #tpu.memory_space<vmem>>) offsets(%dma_start3A_267 : memref<128xi32, #tpu.memory_space<vmem>>) semaphore(%arg19 : memref<!tpu.dma_semaphore, #tpu.memory_space<semaphore_mem>>)
      %mul3A_271 = arith.constant 4 : i32
      %mul3A_272 = arith.muli %mul3A_271, %scan3A_210 : i32
      %add3A_273 = arith.constant 2 : i32
      %add3A_274 = arith.addi %mul3A_272, %add3A_273 : i32
      %dma_wait3A_275 = arith.constant 0 : i32
      %dma_wait3A_276 = tpu.memref_slice %arg7[%add3A_274, %dma_wait3A_275] : memref<82x128xi32, #tpu.memory_space<vmem>> -> memref<1x128xi32, #tpu.memory_space<vmem>>
      %dma_wait3A_277 = tpu.memref_squeeze %dma_wait3A_276 : memref<1x128xi32, #tpu.memory_space<vmem>> -> memref<128xi32, #tpu.memory_space<vmem>>
      %dma_wait3A_278 = arith.constant 0 : i32
      %dma_wait3A_279 = arith.constant 0 : i32
      %dma_wait3A_280 = tpu.memref_slice %arg14[%dma_wait3A_278, %dma_wait3A_279] : memref<10000x32xf32, #tpu.memory_space<vmem_shared>> -> memref<10000x32xf32, #tpu.memory_space<vmem_shared>>
      tpu.wait_indirect_dma semaphore(%arg18 : memref<!tpu.dma_semaphore, #tpu.memory_space<semaphore_mem>>) src(%dma_wait3A_280 : memref<10000x32xf32, #tpu.memory_space<vmem_shared>>) dst(%arg11 : memref<128x32xf32, #tpu.memory_space<vmem>>)
      %dma_start3A_281 = arith.constant 0 : i32
      %dma_start3A_282 = tpu.memref_slice %arg8[%add3A_274, %dma_start3A_281] : memref<80x128xi32, #tpu.memory_space<vmem>> -> memref<1x128xi32, #tpu.memory_space<vmem>>
      %dma_start3A_283 = tpu.memref_squeeze %dma_start3A_282 : memref<1x128xi32, #tpu.memory_space<vmem>> -> memref<128xi32, #tpu.memory_space<vmem>>
      %dma_start3A_284 = arith.constant 0 : i32
      %dma_start3A_285 = arith.constant 0 : i32
      %dma_start3A_286 = tpu.memref_slice %arg15[%dma_start3A_284, %dma_start3A_285] : memref<10240x32xf32, #tpu.memory_space<vmem_shared>> -> memref<10240x32xf32, #tpu.memory_space<vmem_shared>>
      tpu.enqueue_indirect_dma source(%arg11 : memref<128x32xf32, #tpu.memory_space<vmem>>) target(%dma_start3A_286 : memref<10240x32xf32, #tpu.memory_space<vmem_shared>>) offsets(%dma_start3A_283 : memref<128xi32, #tpu.memory_space<vmem>>) semaphore(%arg22 : memref<!tpu.dma_semaphore, #tpu.memory_space<semaphore_mem>>) {add = true}
      %gt3A_287 = arith.constant 0 : i32
      %gt3A_288 = arith.cmpi sgt, %scan3A_210, %gt3A_287 : i32
      %or3A_289 = arith.constant true
      %or3A_290 = arith.ori %gt3A_288, %or3A_289 : i1
      %convert_element_type3A_291 = arith.extui %or3A_290 : i1 to i32
      %cond3A_292 = arith.constant 0 : i32
      %cond3A_293 = arith.cmpi ne, %convert_element_type3A_291, %cond3A_292 : i32
      scf.if %cond3A_293 {
        %dma_wait3A_333 = arith.constant 0 : i32
        %dma_wait3A_334 = tpu.memref_slice %arg8[%add3A_274, %dma_wait3A_333] : memref<80x128xi32, #tpu.memory_space<vmem>> -> memref<1x128xi32, #tpu.memory_space<vmem>>
        %dma_wait3A_335 = tpu.memref_squeeze %dma_wait3A_334 : memref<1x128xi32, #tpu.memory_space<vmem>> -> memref<128xi32, #tpu.memory_space<vmem>>
        %dma_wait3A_336 = arith.constant 0 : i32
        %dma_wait3A_337 = arith.constant 0 : i32
        %dma_wait3A_338 = tpu.memref_slice %arg15[%dma_wait3A_336, %dma_wait3A_337] : memref<10240x32xf32, #tpu.memory_space<vmem_shared>> -> memref<10240x32xf32, #tpu.memory_space<vmem_shared>>
        tpu.wait_indirect_dma semaphore(%arg20 : memref<!tpu.dma_semaphore, #tpu.memory_space<semaphore_mem>>) src(%arg9 : memref<128x32xf32, #tpu.memory_space<vmem>>) dst(%dma_wait3A_338 : memref<10240x32xf32, #tpu.memory_space<vmem_shared>>)
      } else {
      }
      %add3A_294 = arith.constant 2 : i32
      %add3A_295 = arith.addi %add3A_274, %add3A_294 : i32
      %dma_start3A_296 = arith.constant 0 : i32
      %dma_start3A_297 = tpu.memref_slice %arg7[%add3A_295, %dma_start3A_296] : memref<82x128xi32, #tpu.memory_space<vmem>> -> memref<1x128xi32, #tpu.memory_space<vmem>>
      %dma_start3A_298 = tpu.memref_squeeze %dma_start3A_297 : memref<1x128xi32, #tpu.memory_space<vmem>> -> memref<128xi32, #tpu.memory_space<vmem>>
      %dma_start3A_299 = arith.constant 0 : i32
      %dma_start3A_300 = arith.constant 0 : i32
      %dma_start3A_301 = tpu.memref_slice %arg14[%dma_start3A_299, %dma_start3A_300] : memref<10000x32xf32, #tpu.memory_space<vmem_shared>> -> memref<10000x32xf32, #tpu.memory_space<vmem_shared>>
      tpu.enqueue_indirect_dma source(%dma_start3A_301 : memref<10000x32xf32, #tpu.memory_space<vmem_shared>>) target(%arg9 : memref<128x32xf32, #tpu.memory_space<vmem>>) offsets(%dma_start3A_298 : memref<128xi32, #tpu.memory_space<vmem>>) semaphore(%arg16 : memref<!tpu.dma_semaphore, #tpu.memory_space<semaphore_mem>>)
      %mul3A_302 = arith.constant 4 : i32
      %mul3A_303 = arith.muli %mul3A_302, %scan3A_210 : i32
      %add3A_304 = arith.constant 3 : i32
      %add3A_305 = arith.addi %mul3A_303, %add3A_304 : i32
      %dma_wait3A_306 = arith.constant 0 : i32
      %dma_wait3A_307 = tpu.memref_slice %arg7[%add3A_305, %dma_wait3A_306] : memref<82x128xi32, #tpu.memory_space<vmem>> -> memref<1x128xi32, #tpu.memory_space<vmem>>
      %dma_wait3A_308 = tpu.memref_squeeze %dma_wait3A_307 : memref<1x128xi32, #tpu.memory_space<vmem>> -> memref<128xi32, #tpu.memory_space<vmem>>
      %dma_wait3A_309 = arith.constant 0 : i32
      %dma_wait3A_310 = arith.constant 0 : i32
      %dma_wait3A_311 = tpu.memref_slice %arg14[%dma_wait3A_309, %dma_wait3A_310] : memref<10000x32xf32, #tpu.memory_space<vmem_shared>> -> memref<10000x32xf32, #tpu.memory_space<vmem_shared>>
      tpu.wait_indirect_dma semaphore(%arg19 : memref<!tpu.dma_semaphore, #tpu.memory_space<semaphore_mem>>) src(%dma_wait3A_311 : memref<10000x32xf32, #tpu.memory_space<vmem_shared>>) dst(%arg12 : memref<128x32xf32, #tpu.memory_space<vmem>>)
      %dma_start3A_312 = arith.constant 0 : i32
      %dma_start3A_313 = tpu.memref_slice %arg8[%add3A_305, %dma_start3A_312] : memref<80x128xi32, #tpu.memory_space<vmem>> -> memref<1x128xi32, #tpu.memory_space<vmem>>
      %dma_start3A_314 = tpu.memref_squeeze %dma_start3A_313 : memref<1x128xi32, #tpu.memory_space<vmem>> -> memref<128xi32, #tpu.memory_space<vmem>>
      %dma_start3A_315 = arith.constant 0 : i32
      %dma_start3A_316 = arith.constant 0 : i32
      %dma_start3A_317 = tpu.memref_slice %arg15[%dma_start3A_315, %dma_start3A_316] : memref<10240x32xf32, #tpu.memory_space<vmem_shared>> -> memref<10240x32xf32, #tpu.memory_space<vmem_shared>>
      tpu.enqueue_indirect_dma source(%arg12 : memref<128x32xf32, #tpu.memory_space<vmem>>) target(%dma_start3A_317 : memref<10240x32xf32, #tpu.memory_space<vmem_shared>>) offsets(%dma_start3A_314 : memref<128xi32, #tpu.memory_space<vmem>>) semaphore(%arg23 : memref<!tpu.dma_semaphore, #tpu.memory_space<semaphore_mem>>) {add = true}
      %gt3A_318 = arith.constant 0 : i32
      %gt3A_319 = arith.cmpi sgt, %scan3A_210, %gt3A_318 : i32
      %or3A_320 = arith.constant true
      %or3A_321 = arith.ori %gt3A_319, %or3A_320 : i1
      %convert_element_type3A_322 = arith.extui %or3A_321 : i1 to i32
      %cond3A_323 = arith.constant 0 : i32
      %cond3A_324 = arith.cmpi ne, %convert_element_type3A_322, %cond3A_323 : i32
      scf.if %cond3A_324 {
        %dma_wait3A_333 = arith.constant 0 : i32
        %dma_wait3A_334 = tpu.memref_slice %arg8[%add3A_305, %dma_wait3A_333] : memref<80x128xi32, #tpu.memory_space<vmem>> -> memref<1x128xi32, #tpu.memory_space<vmem>>
        %dma_wait3A_335 = tpu.memref_squeeze %dma_wait3A_334 : memref<1x128xi32, #tpu.memory_space<vmem>> -> memref<128xi32, #tpu.memory_space<vmem>>
        %dma_wait3A_336 = arith.constant 0 : i32
        %dma_wait3A_337 = arith.constant 0 : i32
        %dma_wait3A_338 = tpu.memref_slice %arg15[%dma_wait3A_336, %dma_wait3A_337] : memref<10240x32xf32, #tpu.memory_space<vmem_shared>> -> memref<10240x32xf32, #tpu.memory_space<vmem_shared>>
        tpu.wait_indirect_dma semaphore(%arg21 : memref<!tpu.dma_semaphore, #tpu.memory_space<semaphore_mem>>) src(%arg10 : memref<128x32xf32, #tpu.memory_space<vmem>>) dst(%dma_wait3A_338 : memref<10240x32xf32, #tpu.memory_space<vmem_shared>>)
      } else {
      }
      %add3A_325 = arith.constant 2 : i32
      %add3A_326 = arith.addi %add3A_305, %add3A_325 : i32
      %dma_start3A_327 = arith.constant 0 : i32
      %dma_start3A_328 = tpu.memref_slice %arg7[%add3A_326, %dma_start3A_327] : memref<82x128xi32, #tpu.memory_space<vmem>> -> memref<1x128xi32, #tpu.memory_space<vmem>>
      %dma_start3A_329 = tpu.memref_squeeze %dma_start3A_328 : memref<1x128xi32, #tpu.memory_space<vmem>> -> memref<128xi32, #tpu.memory_space<vmem>>
      %dma_start3A_330 = arith.constant 0 : i32
      %dma_start3A_331 = arith.constant 0 : i32
      %dma_start3A_332 = tpu.memref_slice %arg14[%dma_start3A_330, %dma_start3A_331] : memref<10000x32xf32, #tpu.memory_space<vmem_shared>> -> memref<10000x32xf32, #tpu.memory_space<vmem_shared>>
      tpu.enqueue_indirect_dma source(%dma_start3A_332 : memref<10000x32xf32, #tpu.memory_space<vmem_shared>>) target(%arg10 : memref<128x32xf32, #tpu.memory_space<vmem>>) offsets(%dma_start3A_329 : memref<128xi32, #tpu.memory_space<vmem>>) semaphore(%arg17 : memref<!tpu.dma_semaphore, #tpu.memory_space<semaphore_mem>>)
    }
    %scan3A_172 = arith.constant 20 : i32
    %dma_wait3A = arith.constant 80 : i32
    %dma_wait3A_173 = arith.constant 0 : i32
    %dma_wait3A_174 = tpu.memref_slice %arg7[%dma_wait3A, %dma_wait3A_173] : memref<82x128xi32, #tpu.memory_space<vmem>> -> memref<1x128xi32, #tpu.memory_space<vmem>>
    %dma_wait3A_175 = tpu.memref_squeeze %dma_wait3A_174 : memref<1x128xi32, #tpu.memory_space<vmem>> -> memref<128xi32, #tpu.memory_space<vmem>>
    %dma_wait3A_176 = arith.constant 0 : i32
    %dma_wait3A_177 = arith.constant 0 : i32
    %dma_wait3A_178 = tpu.memref_slice %arg14[%dma_wait3A_176, %dma_wait3A_177] : memref<10000x32xf32, #tpu.memory_space<vmem_shared>> -> memref<10000x32xf32, #tpu.memory_space<vmem_shared>>
    tpu.wait_indirect_dma semaphore(%arg16 : memref<!tpu.dma_semaphore, #tpu.memory_space<semaphore_mem>>) src(%dma_wait3A_178 : memref<10000x32xf32, #tpu.memory_space<vmem_shared>>) dst(%arg9 : memref<128x32xf32, #tpu.memory_space<vmem>>)
    %dma_wait3A_179 = arith.constant 81 : i32
    %dma_wait3A_180 = arith.constant 0 : i32
    %dma_wait3A_181 = tpu.memref_slice %arg7[%dma_wait3A_179, %dma_wait3A_180] : memref<82x128xi32, #tpu.memory_space<vmem>> -> memref<1x128xi32, #tpu.memory_space<vmem>>
    %dma_wait3A_182 = tpu.memref_squeeze %dma_wait3A_181 : memref<1x128xi32, #tpu.memory_space<vmem>> -> memref<128xi32, #tpu.memory_space<vmem>>
    %dma_wait3A_183 = arith.constant 0 : i32
    %dma_wait3A_184 = arith.constant 0 : i32
    %dma_wait3A_185 = tpu.memref_slice %arg14[%dma_wait3A_183, %dma_wait3A_184] : memref<10000x32xf32, #tpu.memory_space<vmem_shared>> -> memref<10000x32xf32, #tpu.memory_space<vmem_shared>>
    tpu.wait_indirect_dma semaphore(%arg17 : memref<!tpu.dma_semaphore, #tpu.memory_space<semaphore_mem>>) src(%dma_wait3A_185 : memref<10000x32xf32, #tpu.memory_space<vmem_shared>>) dst(%arg10 : memref<128x32xf32, #tpu.memory_space<vmem>>)
    %dma_wait3A_186 = arith.constant 0 : i32
    %dma_wait3A_187 = arith.constant 0 : i32
    %dma_wait3A_188 = tpu.memref_slice %arg8[%dma_wait3A_186, %dma_wait3A_187] : memref<80x128xi32, #tpu.memory_space<vmem>> -> memref<1x128xi32, #tpu.memory_space<vmem>>
    %dma_wait3A_189 = tpu.memref_squeeze %dma_wait3A_188 : memref<1x128xi32, #tpu.memory_space<vmem>> -> memref<128xi32, #tpu.memory_space<vmem>>
    %dma_wait3A_190 = arith.constant 0 : i32
    %dma_wait3A_191 = arith.constant 0 : i32
    %dma_wait3A_192 = tpu.memref_slice %arg15[%dma_wait3A_190, %dma_wait3A_191] : memref<10240x32xf32, #tpu.memory_space<vmem_shared>> -> memref<10240x32xf32, #tpu.memory_space<vmem_shared>>
    tpu.wait_indirect_dma semaphore(%arg22 : memref<!tpu.dma_semaphore, #tpu.memory_space<semaphore_mem>>) src(%arg11 : memref<128x32xf32, #tpu.memory_space<vmem>>) dst(%dma_wait3A_192 : memref<10240x32xf32, #tpu.memory_space<vmem_shared>>)
    %dma_wait3A_193 = arith.constant 0 : i32
    %dma_wait3A_194 = arith.constant 0 : i32
    %dma_wait3A_195 = tpu.memref_slice %arg8[%dma_wait3A_193, %dma_wait3A_194] : memref<80x128xi32, #tpu.memory_space<vmem>> -> memref<1x128xi32, #tpu.memory_space<vmem>>
    %dma_wait3A_196 = tpu.memref_squeeze %dma_wait3A_195 : memref<1x128xi32, #tpu.memory_space<vmem>> -> memref<128xi32, #tpu.memory_space<vmem>>
    %dma_wait3A_197 = arith.constant 0 : i32
    %dma_wait3A_198 = arith.constant 0 : i32
    %dma_wait3A_199 = tpu.memref_slice %arg15[%dma_wait3A_197, %dma_wait3A_198] : memref<10240x32xf32, #tpu.memory_space<vmem_shared>> -> memref<10240x32xf32, #tpu.memory_space<vmem_shared>>
    tpu.wait_indirect_dma semaphore(%arg23 : memref<!tpu.dma_semaphore, #tpu.memory_space<semaphore_mem>>) src(%arg12 : memref<128x32xf32, #tpu.memory_space<vmem>>) dst(%dma_wait3A_199 : memref<10240x32xf32, #tpu.memory_space<vmem_shared>>)
    %barrier3A_200 = arith.constant 0 : index
    tpu.barrier barrier_id(%barrier3A_200)
    %mul3A_201 = arith.constant 640 : i32
    %mul3A_202 = arith.muli %arg1, %mul3A_201 : i32
    %eq3A = arith.constant 0 : i32
    %eq3A_203 = arith.cmpi eq, %arg0, %eq3A : i32
    %convert_element_type3A = arith.extui %eq3A_203 : i1 to i32
    %cond3A = arith.constant 0 : i32
    %cond3A_204 = arith.cmpi ne, %convert_element_type3A, %cond3A : i32
    scf.if %cond3A_204 {
      "tpu.region"() ({
        %run_scoped3A = tpu.sem_alloc : memref<!tpu.dma_semaphore, #tpu.memory_space<semaphore_mem>>
        %dma_start3A_210 = arith.constant 0 : i32
        %dma_start3A_211 = tpu.memref_slice %arg5[%mul3A_202, %dma_start3A_210] : memref<10240x32xf32, #tpu.memory_space<hbm>> -> memref<640x32xf32, #tpu.memory_space<hbm>>
        %dma_start3A_212 = arith.constant 0 : i32
        %dma_start3A_213 = tpu.memref_slice %arg15[%mul3A_202, %dma_start3A_212] : memref<10240x32xf32, #tpu.memory_space<vmem_shared>> -> memref<640x32xf32, #tpu.memory_space<vmem_shared>>
        tpu.enqueue_dma source(%dma_start3A_213 : memref<640x32xf32, #tpu.memory_space<vmem_shared>>) target(%dma_start3A_211 : memref<640x32xf32, #tpu.memory_space<hbm>>) target_semaphore(%run_scoped3A : memref<!tpu.dma_semaphore, #tpu.memory_space<semaphore_mem>>)
        %dma_wait3A_214 = arith.constant 0 : i32
        %dma_wait3A_215 = tpu.memref_slice %arg5[%mul3A_202, %dma_wait3A_214] : memref<10240x32xf32, #tpu.memory_space<hbm>> -> memref<640x32xf32, #tpu.memory_space<hbm>>
        %dma_wait3A_216 = arith.constant 0 : i32
        %dma_wait3A_217 = tpu.memref_slice %arg15[%mul3A_202, %dma_wait3A_216] : memref<10240x32xf32, #tpu.memory_space<vmem_shared>> -> memref<640x32xf32, #tpu.memory_space<vmem_shared>>
        tpu.wait_dma2 semaphore(%run_scoped3A : memref<!tpu.dma_semaphore, #tpu.memory_space<semaphore_mem>>) src(%dma_wait3A_217 : memref<640x32xf32, #tpu.memory_space<vmem_shared>>) dst(%dma_wait3A_215 : memref<640x32xf32, #tpu.memory_space<hbm>>)
        tpu.yield
      }) : () -> ()
    } else {
    }
    %eq3A_205 = arith.constant 1 : i32
    %eq3A_206 = arith.cmpi eq, %arg0, %eq3A_205 : i32
    %convert_element_type3A_207 = arith.extui %eq3A_206 : i1 to i32
    %cond3A_208 = arith.constant 0 : i32
    %cond3A_209 = arith.cmpi ne, %convert_element_type3A_207, %cond3A_208 : i32
    scf.if %cond3A_209 {
      "tpu.region"() ({
        %run_scoped3A = tpu.sem_alloc : memref<!tpu.dma_semaphore, #tpu.memory_space<semaphore_mem>>
        %dma_start3A_210 = arith.constant 0 : i32
        %dma_start3A_211 = tpu.memref_slice %arg6[%mul3A_202, %dma_start3A_210] : memref<10240x32xf32, #tpu.memory_space<hbm>> -> memref<640x32xf32, #tpu.memory_space<hbm>>
        %dma_start3A_212 = arith.constant 0 : i32
        %dma_start3A_213 = tpu.memref_slice %arg15[%mul3A_202, %dma_start3A_212] : memref<10240x32xf32, #tpu.memory_space<vmem_shared>> -> memref<640x32xf32, #tpu.memory_space<vmem_shared>>
        tpu.enqueue_dma source(%dma_start3A_213 : memref<640x32xf32, #tpu.memory_space<vmem_shared>>) target(%dma_start3A_211 : memref<640x32xf32, #tpu.memory_space<hbm>>) target_semaphore(%run_scoped3A : memref<!tpu.dma_semaphore, #tpu.memory_space<semaphore_mem>>)
        %dma_wait3A_214 = arith.constant 0 : i32
        %dma_wait3A_215 = tpu.memref_slice %arg6[%mul3A_202, %dma_wait3A_214] : memref<10240x32xf32, #tpu.memory_space<hbm>> -> memref<640x32xf32, #tpu.memory_space<hbm>>
        %dma_wait3A_216 = arith.constant 0 : i32
        %dma_wait3A_217 = tpu.memref_slice %arg15[%mul3A_202, %dma_wait3A_216] : memref<10240x32xf32, #tpu.memory_space<vmem_shared>> -> memref<640x32xf32, #tpu.memory_space<vmem_shared>>
        tpu.wait_dma2 semaphore(%run_scoped3A : memref<!tpu.dma_semaphore, #tpu.memory_space<semaphore_mem>>) src(%dma_wait3A_217 : memref<640x32xf32, #tpu.memory_space<vmem_shared>>) dst(%dma_wait3A_215 : memref<640x32xf32, #tpu.memory_space<hbm>>)
        tpu.yield
      }) : () -> ()
    } else {
    }
    return
  }
}

#map = affine_map<(d0, d1) -> (0, 0, 0)>
#map1 = affine_map<(d0, d1) -> (0)>
module attributes {stable_mosaic.version = 14 : i64} {
  func.func @deg_kernel(%arg0: i32, %arg1: i32, %arg2: memref<32x80x128xi32, #tpu.memory_space<hbm>>, %arg3: memref<10240xf32, #tpu.memory_space<hbm>>, %arg4: memref<10240xf32, #tpu.memory_space<hbm>>, %arg5: memref<80x128xi32, #tpu.memory_space<vmem>>, %arg6: memref<128xf32, #tpu.memory_space<vmem>>, %arg7: memref<640xf32, #tpu.memory_space<vmem>>, %arg8: memref<10240xf32, #tpu.memory_space<vmem_shared>>) attributes {dimension_semantics = [#tpu.dimension_semantics<core_parallel>, #tpu.dimension_semantics<subcore_parallel>], iteration_bounds = array<i64: 2, 16>, scalar_prefetch = 0 : i64, scratch_operands = 4 : i64, tpu.core_type = #tpu.core_type<sc_vector_subcore>, window_params = [{transform_indices = #map}, {transform_indices = #map1}, {transform_indices = #map1}]} {
    %mul3A = arith.constant 16 : i32
    %mul3A_0 = arith.muli %arg0, %mul3A : i32
    %add3A = arith.addi %mul3A_0, %arg1 : i32
    %broadcast_in_dim3A = arith.constant 1.000000e+00 : f32
    %broadcast_in_dim3A_1 = vector.broadcast %broadcast_in_dim3A : f32 to vector<16xf32>
    %swap3A = arith.constant 0 : index
    %swap3A_2 = tpu.vector_load %arg6[%swap3A] {strides = array<i32>} : memref<128xf32, #tpu.memory_space<vmem>>, vector<16xf32>,
    %swap3A_3 = vector.shape_cast %swap3A_2 : vector<16xf32> to vector<16xf32>
    %swap3A_4 = vector.shape_cast %broadcast_in_dim3A_1 : vector<16xf32> to vector<16xf32>
    tpu.vector_store %arg6[%swap3A], %swap3A_4 {strides = array<i32>} : memref<128xf32, #tpu.memory_space<vmem>>, vector<16xf32>,
    %broadcast_in_dim3A_5 = arith.constant 1.000000e+00 : f32
    %broadcast_in_dim3A_6 = vector.broadcast %broadcast_in_dim3A_5 : f32 to vector<16xf32>
    %swap3A_7 = arith.constant 16 : index
    %swap3A_8 = tpu.vector_load %arg6[%swap3A_7] {strides = array<i32>} : memref<128xf32, #tpu.memory_space<vmem>>, vector<16xf32>,
    %swap3A_9 = vector.shape_cast %swap3A_8 : vector<16xf32> to vector<16xf32>
    %swap3A_10 = vector.shape_cast %broadcast_in_dim3A_6 : vector<16xf32> to vector<16xf32>
    tpu.vector_store %arg6[%swap3A_7], %swap3A_10 {strides = array<i32>} : memref<128xf32, #tpu.memory_space<vmem>>, vector<16xf32>,
    %broadcast_in_dim3A_11 = arith.constant 1.000000e+00 : f32
    %broadcast_in_dim3A_12 = vector.broadcast %broadcast_in_dim3A_11 : f32 to vector<16xf32>
    %swap3A_13 = arith.constant 32 : index
    %swap3A_14 = tpu.vector_load %arg6[%swap3A_13] {strides = array<i32>} : memref<128xf32, #tpu.memory_space<vmem>>, vector<16xf32>,
    %swap3A_15 = vector.shape_cast %swap3A_14 : vector<16xf32> to vector<16xf32>
    %swap3A_16 = vector.shape_cast %broadcast_in_dim3A_12 : vector<16xf32> to vector<16xf32>
    tpu.vector_store %arg6[%swap3A_13], %swap3A_16 {strides = array<i32>} : memref<128xf32, #tpu.memory_space<vmem>>, vector<16xf32>,
    %broadcast_in_dim3A_17 = arith.constant 1.000000e+00 : f32
    %broadcast_in_dim3A_18 = vector.broadcast %broadcast_in_dim3A_17 : f32 to vector<16xf32>
    %swap3A_19 = arith.constant 48 : index
    %swap3A_20 = tpu.vector_load %arg6[%swap3A_19] {strides = array<i32>} : memref<128xf32, #tpu.memory_space<vmem>>, vector<16xf32>,
    %swap3A_21 = vector.shape_cast %swap3A_20 : vector<16xf32> to vector<16xf32>
    %swap3A_22 = vector.shape_cast %broadcast_in_dim3A_18 : vector<16xf32> to vector<16xf32>
    tpu.vector_store %arg6[%swap3A_19], %swap3A_22 {strides = array<i32>} : memref<128xf32, #tpu.memory_space<vmem>>, vector<16xf32>,
    %broadcast_in_dim3A_23 = arith.constant 1.000000e+00 : f32
    %broadcast_in_dim3A_24 = vector.broadcast %broadcast_in_dim3A_23 : f32 to vector<16xf32>
    %swap3A_25 = arith.constant 64 : index
    %swap3A_26 = tpu.vector_load %arg6[%swap3A_25] {strides = array<i32>} : memref<128xf32, #tpu.memory_space<vmem>>, vector<16xf32>,
    %swap3A_27 = vector.shape_cast %swap3A_26 : vector<16xf32> to vector<16xf32>
    %swap3A_28 = vector.shape_cast %broadcast_in_dim3A_24 : vector<16xf32> to vector<16xf32>
    tpu.vector_store %arg6[%swap3A_25], %swap3A_28 {strides = array<i32>} : memref<128xf32, #tpu.memory_space<vmem>>, vector<16xf32>,
    %broadcast_in_dim3A_29 = arith.constant 1.000000e+00 : f32
    %broadcast_in_dim3A_30 = vector.broadcast %broadcast_in_dim3A_29 : f32 to vector<16xf32>
    %swap3A_31 = arith.constant 80 : index
    %swap3A_32 = tpu.vector_load %arg6[%swap3A_31] {strides = array<i32>} : memref<128xf32, #tpu.memory_space<vmem>>, vector<16xf32>,
    %swap3A_33 = vector.shape_cast %swap3A_32 : vector<16xf32> to vector<16xf32>
    %swap3A_34 = vector.shape_cast %broadcast_in_dim3A_30 : vector<16xf32> to vector<16xf32>
    tpu.vector_store %arg6[%swap3A_31], %swap3A_34 {strides = array<i32>} : memref<128xf32, #tpu.memory_space<vmem>>, vector<16xf32>,
    %broadcast_in_dim3A_35 = arith.constant 1.000000e+00 : f32
    %broadcast_in_dim3A_36 = vector.broadcast %broadcast_in_dim3A_35 : f32 to vector<16xf32>
    %swap3A_37 = arith.constant 96 : index
    %swap3A_38 = tpu.vector_load %arg6[%swap3A_37] {strides = array<i32>} : memref<128xf32, #tpu.memory_space<vmem>>, vector<16xf32>,
    %swap3A_39 = vector.shape_cast %swap3A_38 : vector<16xf32> to vector<16xf32>
    %swap3A_40 = vector.shape_cast %broadcast_in_dim3A_36 : vector<16xf32> to vector<16xf32>
    tpu.vector_store %arg6[%swap3A_37], %swap3A_40 {strides = array<i32>} : memref<128xf32, #tpu.memory_space<vmem>>, vector<16xf32>,
    %broadcast_in_dim3A_41 = arith.constant 1.000000e+00 : f32
    %broadcast_in_dim3A_42 = vector.broadcast %broadcast_in_dim3A_41 : f32 to vector<16xf32>
    %swap3A_43 = arith.constant 112 : index
    %swap3A_44 = tpu.vector_load %arg6[%swap3A_43] {strides = array<i32>} : memref<128xf32, #tpu.memory_space<vmem>>, vector<16xf32>,
    %swap3A_45 = vector.shape_cast %swap3A_44 : vector<16xf32> to vector<16xf32>
    %swap3A_46 = vector.shape_cast %broadcast_in_dim3A_42 : vector<16xf32> to vector<16xf32>
    tpu.vector_store %arg6[%swap3A_43], %swap3A_46 {strides = array<i32>} : memref<128xf32, #tpu.memory_space<vmem>>, vector<16xf32>,
    %broadcast_in_dim3A_47 = arith.constant 0.000000e+00 : f32
    %broadcast_in_dim3A_48 = vector.broadcast %broadcast_in_dim3A_47 : f32 to vector<16xf32>
    %swap3A_49 = arith.constant 0 : index
    %swap3A_50 = tpu.vector_load %arg7[%swap3A_49] {strides = array<i32>} : memref<640xf32, #tpu.memory_space<vmem>>, vector<16xf32>,
    %swap3A_51 = vector.shape_cast %swap3A_50 : vector<16xf32> to vector<16xf32>
    %swap3A_52 = vector.shape_cast %broadcast_in_dim3A_48 : vector<16xf32> to vector<16xf32>
    tpu.vector_store %arg7[%swap3A_49], %swap3A_52 {strides = array<i32>} : memref<640xf32, #tpu.memory_space<vmem>>, vector<16xf32>,
    %broadcast_in_dim3A_53 = arith.constant 0.000000e+00 : f32
    %broadcast_in_dim3A_54 = vector.broadcast %broadcast_in_dim3A_53 : f32 to vector<16xf32>
    %swap3A_55 = arith.constant 16 : index
    %swap3A_56 = tpu.vector_load %arg7[%swap3A_55] {strides = array<i32>} : memref<640xf32, #tpu.memory_space<vmem>>, vector<16xf32>,
    %swap3A_57 = vector.shape_cast %swap3A_56 : vector<16xf32> to vector<16xf32>
    %swap3A_58 = vector.shape_cast %broadcast_in_dim3A_54 : vector<16xf32> to vector<16xf32>
    tpu.vector_store %arg7[%swap3A_55], %swap3A_58 {strides = array<i32>} : memref<640xf32, #tpu.memory_space<vmem>>, vector<16xf32>,
    %broadcast_in_dim3A_59 = arith.constant 0.000000e+00 : f32
    %broadcast_in_dim3A_60 = vector.broadcast %broadcast_in_dim3A_59 : f32 to vector<16xf32>
    %swap3A_61 = arith.constant 32 : index
    %swap3A_62 = tpu.vector_load %arg7[%swap3A_61] {strides = array<i32>} : memref<640xf32, #tpu.memory_space<vmem>>, vector<16xf32>,
    %swap3A_63 = vector.shape_cast %swap3A_62 : vector<16xf32> to vector<16xf32>
    %swap3A_64 = vector.shape_cast %broadcast_in_dim3A_60 : vector<16xf32> to vector<16xf32>
    tpu.vector_store %arg7[%swap3A_61], %swap3A_64 {strides = array<i32>} : memref<640xf32, #tpu.memory_space<vmem>>, vector<16xf32>,
    %broadcast_in_dim3A_65 = arith.constant 0.000000e+00 : f32
    %broadcast_in_dim3A_66 = vector.broadcast %broadcast_in_dim3A_65 : f32 to vector<16xf32>
    %swap3A_67 = arith.constant 48 : index
    %swap3A_68 = tpu.vector_load %arg7[%swap3A_67] {strides = array<i32>} : memref<640xf32, #tpu.memory_space<vmem>>, vector<16xf32>,
    %swap3A_69 = vector.shape_cast %swap3A_68 : vector<16xf32> to vector<16xf32>
    %swap3A_70 = vector.shape_cast %broadcast_in_dim3A_66 : vector<16xf32> to vector<16xf32>
    tpu.vector_store %arg7[%swap3A_67], %swap3A_70 {strides = array<i32>} : memref<640xf32, #tpu.memory_space<vmem>>, vector<16xf32>,
    %broadcast_in_dim3A_71 = arith.constant 0.000000e+00 : f32
    %broadcast_in_dim3A_72 = vector.broadcast %broadcast_in_dim3A_71 : f32 to vector<16xf32>
    %swap3A_73 = arith.constant 64 : index
    %swap3A_74 = tpu.vector_load %arg7[%swap3A_73] {strides = array<i32>} : memref<640xf32, #tpu.memory_space<vmem>>, vector<16xf32>,
    %swap3A_75 = vector.shape_cast %swap3A_74 : vector<16xf32> to vector<16xf32>
    %swap3A_76 = vector.shape_cast %broadcast_in_dim3A_72 : vector<16xf32> to vector<16xf32>
    tpu.vector_store %arg7[%swap3A_73], %swap3A_76 {strides = array<i32>} : memref<640xf32, #tpu.memory_space<vmem>>, vector<16xf32>,
    %broadcast_in_dim3A_77 = arith.constant 0.000000e+00 : f32
    %broadcast_in_dim3A_78 = vector.broadcast %broadcast_in_dim3A_77 : f32 to vector<16xf32>
    %swap3A_79 = arith.constant 80 : index
    %swap3A_80 = tpu.vector_load %arg7[%swap3A_79] {strides = array<i32>} : memref<640xf32, #tpu.memory_space<vmem>>, vector<16xf32>,
    %swap3A_81 = vector.shape_cast %swap3A_80 : vector<16xf32> to vector<16xf32>
    %swap3A_82 = vector.shape_cast %broadcast_in_dim3A_78 : vector<16xf32> to vector<16xf32>
    tpu.vector_store %arg7[%swap3A_79], %swap3A_82 {strides = array<i32>} : memref<640xf32, #tpu.memory_space<vmem>>, vector<16xf32>,
    %broadcast_in_dim3A_83 = arith.constant 0.000000e+00 : f32
    %broadcast_in_dim3A_84 = vector.broadcast %broadcast_in_dim3A_83 : f32 to vector<16xf32>
    %swap3A_85 = arith.constant 96 : index
    %swap3A_86 = tpu.vector_load %arg7[%swap3A_85] {strides = array<i32>} : memref<640xf32, #tpu.memory_space<vmem>>, vector<16xf32>,
    %swap3A_87 = vector.shape_cast %swap3A_86 : vector<16xf32> to vector<16xf32>
    %swap3A_88 = vector.shape_cast %broadcast_in_dim3A_84 : vector<16xf32> to vector<16xf32>
    tpu.vector_store %arg7[%swap3A_85], %swap3A_88 {strides = array<i32>} : memref<640xf32, #tpu.memory_space<vmem>>, vector<16xf32>,
    %broadcast_in_dim3A_89 = arith.constant 0.000000e+00 : f32
    %broadcast_in_dim3A_90 = vector.broadcast %broadcast_in_dim3A_89 : f32 to vector<16xf32>
    %swap3A_91 = arith.constant 112 : index
    %swap3A_92 = tpu.vector_load %arg7[%swap3A_91] {strides = array<i32>} : memref<640xf32, #tpu.memory_space<vmem>>, vector<16xf32>,
    %swap3A_93 = vector.shape_cast %swap3A_92 : vector<16xf32> to vector<16xf32>
    %swap3A_94 = vector.shape_cast %broadcast_in_dim3A_90 : vector<16xf32> to vector<16xf32>
    tpu.vector_store %arg7[%swap3A_91], %swap3A_94 {strides = array<i32>} : memref<640xf32, #tpu.memory_space<vmem>>, vector<16xf32>,
    %broadcast_in_dim3A_95 = arith.constant 0.000000e+00 : f32
    %broadcast_in_dim3A_96 = vector.broadcast %broadcast_in_dim3A_95 : f32 to vector<16xf32>
    %swap3A_97 = arith.constant 128 : index
    %swap3A_98 = tpu.vector_load %arg7[%swap3A_97] {strides = array<i32>} : memref<640xf32, #tpu.memory_space<vmem>>, vector<16xf32>,
    %swap3A_99 = vector.shape_cast %swap3A_98 : vector<16xf32> to vector<16xf32>
    %swap3A_100 = vector.shape_cast %broadcast_in_dim3A_96 : vector<16xf32> to vector<16xf32>
    tpu.vector_store %arg7[%swap3A_97], %swap3A_100 {strides = array<i32>} : memref<640xf32, #tpu.memory_space<vmem>>, vector<16xf32>,
    %broadcast_in_dim3A_101 = arith.constant 0.000000e+00 : f32
    %broadcast_in_dim3A_102 = vector.broadcast %broadcast_in_dim3A_101 : f32 to vector<16xf32>
    %swap3A_103 = arith.constant 144 : index
    %swap3A_104 = tpu.vector_load %arg7[%swap3A_103] {strides = array<i32>} : memref<640xf32, #tpu.memory_space<vmem>>, vector<16xf32>,
    %swap3A_105 = vector.shape_cast %swap3A_104 : vector<16xf32> to vector<16xf32>
    %swap3A_106 = vector.shape_cast %broadcast_in_dim3A_102 : vector<16xf32> to vector<16xf32>
    tpu.vector_store %arg7[%swap3A_103], %swap3A_106 {strides = array<i32>} : memref<640xf32, #tpu.memory_space<vmem>>, vector<16xf32>,
    %broadcast_in_dim3A_107 = arith.constant 0.000000e+00 : f32
    %broadcast_in_dim3A_108 = vector.broadcast %broadcast_in_dim3A_107 : f32 to vector<16xf32>
    %swap3A_109 = arith.constant 160 : index
    %swap3A_110 = tpu.vector_load %arg7[%swap3A_109] {strides = array<i32>} : memref<640xf32, #tpu.memory_space<vmem>>, vector<16xf32>,
    %swap3A_111 = vector.shape_cast %swap3A_110 : vector<16xf32> to vector<16xf32>
    %swap3A_112 = vector.shape_cast %broadcast_in_dim3A_108 : vector<16xf32> to vector<16xf32>
    tpu.vector_store %arg7[%swap3A_109], %swap3A_112 {strides = array<i32>} : memref<640xf32, #tpu.memory_space<vmem>>, vector<16xf32>,
    %broadcast_in_dim3A_113 = arith.constant 0.000000e+00 : f32
    %broadcast_in_dim3A_114 = vector.broadcast %broadcast_in_dim3A_113 : f32 to vector<16xf32>
    %swap3A_115 = arith.constant 176 : index
    %swap3A_116 = tpu.vector_load %arg7[%swap3A_115] {strides = array<i32>} : memref<640xf32, #tpu.memory_space<vmem>>, vector<16xf32>,
    %swap3A_117 = vector.shape_cast %swap3A_116 : vector<16xf32> to vector<16xf32>
    %swap3A_118 = vector.shape_cast %broadcast_in_dim3A_114 : vector<16xf32> to vector<16xf32>
    tpu.vector_store %arg7[%swap3A_115], %swap3A_118 {strides = array<i32>} : memref<640xf32, #tpu.memory_space<vmem>>, vector<16xf32>,
    %broadcast_in_dim3A_119 = arith.constant 0.000000e+00 : f32
    %broadcast_in_dim3A_120 = vector.broadcast %broadcast_in_dim3A_119 : f32 to vector<16xf32>
    %swap3A_121 = arith.constant 192 : index
    %swap3A_122 = tpu.vector_load %arg7[%swap3A_121] {strides = array<i32>} : memref<640xf32, #tpu.memory_space<vmem>>, vector<16xf32>,
    %swap3A_123 = vector.shape_cast %swap3A_122 : vector<16xf32> to vector<16xf32>
    %swap3A_124 = vector.shape_cast %broadcast_in_dim3A_120 : vector<16xf32> to vector<16xf32>
    tpu.vector_store %arg7[%swap3A_121], %swap3A_124 {strides = array<i32>} : memref<640xf32, #tpu.memory_space<vmem>>, vector<16xf32>,
    %broadcast_in_dim3A_125 = arith.constant 0.000000e+00 : f32
    %broadcast_in_dim3A_126 = vector.broadcast %broadcast_in_dim3A_125 : f32 to vector<16xf32>
    %swap3A_127 = arith.constant 208 : index
    %swap3A_128 = tpu.vector_load %arg7[%swap3A_127] {strides = array<i32>} : memref<640xf32, #tpu.memory_space<vmem>>, vector<16xf32>,
    %swap3A_129 = vector.shape_cast %swap3A_128 : vector<16xf32> to vector<16xf32>
    %swap3A_130 = vector.shape_cast %broadcast_in_dim3A_126 : vector<16xf32> to vector<16xf32>
    tpu.vector_store %arg7[%swap3A_127], %swap3A_130 {strides = array<i32>} : memref<640xf32, #tpu.memory_space<vmem>>, vector<16xf32>,
    %broadcast_in_dim3A_131 = arith.constant 0.000000e+00 : f32
    %broadcast_in_dim3A_132 = vector.broadcast %broadcast_in_dim3A_131 : f32 to vector<16xf32>
    %swap3A_133 = arith.constant 224 : index
    %swap3A_134 = tpu.vector_load %arg7[%swap3A_133] {strides = array<i32>} : memref<640xf32, #tpu.memory_space<vmem>>, vector<16xf32>,
    %swap3A_135 = vector.shape_cast %swap3A_134 : vector<16xf32> to vector<16xf32>
    %swap3A_136 = vector.shape_cast %broadcast_in_dim3A_132 : vector<16xf32> to vector<16xf32>
    tpu.vector_store %arg7[%swap3A_133], %swap3A_136 {strides = array<i32>} : memref<640xf32, #tpu.memory_space<vmem>>, vector<16xf32>,
    %broadcast_in_dim3A_137 = arith.constant 0.000000e+00 : f32
    %broadcast_in_dim3A_138 = vector.broadcast %broadcast_in_dim3A_137 : f32 to vector<16xf32>
    %swap3A_139 = arith.constant 240 : index
    %swap3A_140 = tpu.vector_load %arg7[%swap3A_139] {strides = array<i32>} : memref<640xf32, #tpu.memory_space<vmem>>, vector<16xf32>,
    %swap3A_141 = vector.shape_cast %swap3A_140 : vector<16xf32> to vector<16xf32>
    %swap3A_142 = vector.shape_cast %broadcast_in_dim3A_138 : vector<16xf32> to vector<16xf32>
    tpu.vector_store %arg7[%swap3A_139], %swap3A_142 {strides = array<i32>} : memref<640xf32, #tpu.memory_space<vmem>>, vector<16xf32>,
    %broadcast_in_dim3A_143 = arith.constant 0.000000e+00 : f32
    %broadcast_in_dim3A_144 = vector.broadcast %broadcast_in_dim3A_143 : f32 to vector<16xf32>
    %swap3A_145 = arith.constant 256 : index
    %swap3A_146 = tpu.vector_load %arg7[%swap3A_145] {strides = array<i32>} : memref<640xf32, #tpu.memory_space<vmem>>, vector<16xf32>,
    %swap3A_147 = vector.shape_cast %swap3A_146 : vector<16xf32> to vector<16xf32>
    %swap3A_148 = vector.shape_cast %broadcast_in_dim3A_144 : vector<16xf32> to vector<16xf32>
    tpu.vector_store %arg7[%swap3A_145], %swap3A_148 {strides = array<i32>} : memref<640xf32, #tpu.memory_space<vmem>>, vector<16xf32>,
    %broadcast_in_dim3A_149 = arith.constant 0.000000e+00 : f32
    %broadcast_in_dim3A_150 = vector.broadcast %broadcast_in_dim3A_149 : f32 to vector<16xf32>
    %swap3A_151 = arith.constant 272 : index
    %swap3A_152 = tpu.vector_load %arg7[%swap3A_151] {strides = array<i32>} : memref<640xf32, #tpu.memory_space<vmem>>, vector<16xf32>,
    %swap3A_153 = vector.shape_cast %swap3A_152 : vector<16xf32> to vector<16xf32>
    %swap3A_154 = vector.shape_cast %broadcast_in_dim3A_150 : vector<16xf32> to vector<16xf32>
    tpu.vector_store %arg7[%swap3A_151], %swap3A_154 {strides = array<i32>} : memref<640xf32, #tpu.memory_space<vmem>>, vector<16xf32>,
    %broadcast_in_dim3A_155 = arith.constant 0.000000e+00 : f32
    %broadcast_in_dim3A_156 = vector.broadcast %broadcast_in_dim3A_155 : f32 to vector<16xf32>
    %swap3A_157 = arith.constant 288 : index
    %swap3A_158 = tpu.vector_load %arg7[%swap3A_157] {strides = array<i32>} : memref<640xf32, #tpu.memory_space<vmem>>, vector<16xf32>,
    %swap3A_159 = vector.shape_cast %swap3A_158 : vector<16xf32> to vector<16xf32>
    %swap3A_160 = vector.shape_cast %broadcast_in_dim3A_156 : vector<16xf32> to vector<16xf32>
    tpu.vector_store %arg7[%swap3A_157], %swap3A_160 {strides = array<i32>} : memref<640xf32, #tpu.memory_space<vmem>>, vector<16xf32>,
    %broadcast_in_dim3A_161 = arith.constant 0.000000e+00 : f32
    %broadcast_in_dim3A_162 = vector.broadcast %broadcast_in_dim3A_161 : f32 to vector<16xf32>
    %swap3A_163 = arith.constant 304 : index
    %swap3A_164 = tpu.vector_load %arg7[%swap3A_163] {strides = array<i32>} : memref<640xf32, #tpu.memory_space<vmem>>, vector<16xf32>,
    %swap3A_165 = vector.shape_cast %swap3A_164 : vector<16xf32> to vector<16xf32>
    %swap3A_166 = vector.shape_cast %broadcast_in_dim3A_162 : vector<16xf32> to vector<16xf32>
    tpu.vector_store %arg7[%swap3A_163], %swap3A_166 {strides = array<i32>} : memref<640xf32, #tpu.memory_space<vmem>>, vector<16xf32>,
    %broadcast_in_dim3A_167 = arith.constant 0.000000e+00 : f32
    %broadcast_in_dim3A_168 = vector.broadcast %broadcast_in_dim3A_167 : f32 to vector<16xf32>
    %swap3A_169 = arith.constant 320 : index
    %swap3A_170 = tpu.vector_load %arg7[%swap3A_169] {strides = array<i32>} : memref<640xf32, #tpu.memory_space<vmem>>, vector<16xf32>,
    %swap3A_171 = vector.shape_cast %swap3A_170 : vector<16xf32> to vector<16xf32>
    %swap3A_172 = vector.shape_cast %broadcast_in_dim3A_168 : vector<16xf32> to vector<16xf32>
    tpu.vector_store %arg7[%swap3A_169], %swap3A_172 {strides = array<i32>} : memref<640xf32, #tpu.memory_space<vmem>>, vector<16xf32>,
    %broadcast_in_dim3A_173 = arith.constant 0.000000e+00 : f32
    %broadcast_in_dim3A_174 = vector.broadcast %broadcast_in_dim3A_173 : f32 to vector<16xf32>
    %swap3A_175 = arith.constant 336 : index
    %swap3A_176 = tpu.vector_load %arg7[%swap3A_175] {strides = array<i32>} : memref<640xf32, #tpu.memory_space<vmem>>, vector<16xf32>,
    %swap3A_177 = vector.shape_cast %swap3A_176 : vector<16xf32> to vector<16xf32>
    %swap3A_178 = vector.shape_cast %broadcast_in_dim3A_174 : vector<16xf32> to vector<16xf32>
    tpu.vector_store %arg7[%swap3A_175], %swap3A_178 {strides = array<i32>} : memref<640xf32, #tpu.memory_space<vmem>>, vector<16xf32>,
    %broadcast_in_dim3A_179 = arith.constant 0.000000e+00 : f32
    %broadcast_in_dim3A_180 = vector.broadcast %broadcast_in_dim3A_179 : f32 to vector<16xf32>
    %swap3A_181 = arith.constant 352 : index
    %swap3A_182 = tpu.vector_load %arg7[%swap3A_181] {strides = array<i32>} : memref<640xf32, #tpu.memory_space<vmem>>, vector<16xf32>,
    %swap3A_183 = vector.shape_cast %swap3A_182 : vector<16xf32> to vector<16xf32>
    %swap3A_184 = vector.shape_cast %broadcast_in_dim3A_180 : vector<16xf32> to vector<16xf32>
    tpu.vector_store %arg7[%swap3A_181], %swap3A_184 {strides = array<i32>} : memref<640xf32, #tpu.memory_space<vmem>>, vector<16xf32>,
    %broadcast_in_dim3A_185 = arith.constant 0.000000e+00 : f32
    %broadcast_in_dim3A_186 = vector.broadcast %broadcast_in_dim3A_185 : f32 to vector<16xf32>
    %swap3A_187 = arith.constant 368 : index
    %swap3A_188 = tpu.vector_load %arg7[%swap3A_187] {strides = array<i32>} : memref<640xf32, #tpu.memory_space<vmem>>, vector<16xf32>,
    %swap3A_189 = vector.shape_cast %swap3A_188 : vector<16xf32> to vector<16xf32>
    %swap3A_190 = vector.shape_cast %broadcast_in_dim3A_186 : vector<16xf32> to vector<16xf32>
    tpu.vector_store %arg7[%swap3A_187], %swap3A_190 {strides = array<i32>} : memref<640xf32, #tpu.memory_space<vmem>>, vector<16xf32>,
    %broadcast_in_dim3A_191 = arith.constant 0.000000e+00 : f32
    %broadcast_in_dim3A_192 = vector.broadcast %broadcast_in_dim3A_191 : f32 to vector<16xf32>
    %swap3A_193 = arith.constant 384 : index
    %swap3A_194 = tpu.vector_load %arg7[%swap3A_193] {strides = array<i32>} : memref<640xf32, #tpu.memory_space<vmem>>, vector<16xf32>,
    %swap3A_195 = vector.shape_cast %swap3A_194 : vector<16xf32> to vector<16xf32>
    %swap3A_196 = vector.shape_cast %broadcast_in_dim3A_192 : vector<16xf32> to vector<16xf32>
    tpu.vector_store %arg7[%swap3A_193], %swap3A_196 {strides = array<i32>} : memref<640xf32, #tpu.memory_space<vmem>>, vector<16xf32>,
    %broadcast_in_dim3A_197 = arith.constant 0.000000e+00 : f32
    %broadcast_in_dim3A_198 = vector.broadcast %broadcast_in_dim3A_197 : f32 to vector<16xf32>
    %swap3A_199 = arith.constant 400 : index
    %swap3A_200 = tpu.vector_load %arg7[%swap3A_199] {strides = array<i32>} : memref<640xf32, #tpu.memory_space<vmem>>, vector<16xf32>,
    %swap3A_201 = vector.shape_cast %swap3A_200 : vector<16xf32> to vector<16xf32>
    %swap3A_202 = vector.shape_cast %broadcast_in_dim3A_198 : vector<16xf32> to vector<16xf32>
    tpu.vector_store %arg7[%swap3A_199], %swap3A_202 {strides = array<i32>} : memref<640xf32, #tpu.memory_space<vmem>>, vector<16xf32>,
    %broadcast_in_dim3A_203 = arith.constant 0.000000e+00 : f32
    %broadcast_in_dim3A_204 = vector.broadcast %broadcast_in_dim3A_203 : f32 to vector<16xf32>
    %swap3A_205 = arith.constant 416 : index
    %swap3A_206 = tpu.vector_load %arg7[%swap3A_205] {strides = array<i32>} : memref<640xf32, #tpu.memory_space<vmem>>, vector<16xf32>,
    %swap3A_207 = vector.shape_cast %swap3A_206 : vector<16xf32> to vector<16xf32>
    %swap3A_208 = vector.shape_cast %broadcast_in_dim3A_204 : vector<16xf32> to vector<16xf32>
    tpu.vector_store %arg7[%swap3A_205], %swap3A_208 {strides = array<i32>} : memref<640xf32, #tpu.memory_space<vmem>>, vector<16xf32>,
    %broadcast_in_dim3A_209 = arith.constant 0.000000e+00 : f32
    %broadcast_in_dim3A_210 = vector.broadcast %broadcast_in_dim3A_209 : f32 to vector<16xf32>
    %swap3A_211 = arith.constant 432 : index
    %swap3A_212 = tpu.vector_load %arg7[%swap3A_211] {strides = array<i32>} : memref<640xf32, #tpu.memory_space<vmem>>, vector<16xf32>,
    %swap3A_213 = vector.shape_cast %swap3A_212 : vector<16xf32> to vector<16xf32>
    %swap3A_214 = vector.shape_cast %broadcast_in_dim3A_210 : vector<16xf32> to vector<16xf32>
    tpu.vector_store %arg7[%swap3A_211], %swap3A_214 {strides = array<i32>} : memref<640xf32, #tpu.memory_space<vmem>>, vector<16xf32>,
    %broadcast_in_dim3A_215 = arith.constant 0.000000e+00 : f32
    %broadcast_in_dim3A_216 = vector.broadcast %broadcast_in_dim3A_215 : f32 to vector<16xf32>
    %swap3A_217 = arith.constant 448 : index
    %swap3A_218 = tpu.vector_load %arg7[%swap3A_217] {strides = array<i32>} : memref<640xf32, #tpu.memory_space<vmem>>, vector<16xf32>,
    %swap3A_219 = vector.shape_cast %swap3A_218 : vector<16xf32> to vector<16xf32>
    %swap3A_220 = vector.shape_cast %broadcast_in_dim3A_216 : vector<16xf32> to vector<16xf32>
    tpu.vector_store %arg7[%swap3A_217], %swap3A_220 {strides = array<i32>} : memref<640xf32, #tpu.memory_space<vmem>>, vector<16xf32>,
    %broadcast_in_dim3A_221 = arith.constant 0.000000e+00 : f32
    %broadcast_in_dim3A_222 = vector.broadcast %broadcast_in_dim3A_221 : f32 to vector<16xf32>
    %swap3A_223 = arith.constant 464 : index
    %swap3A_224 = tpu.vector_load %arg7[%swap3A_223] {strides = array<i32>} : memref<640xf32, #tpu.memory_space<vmem>>, vector<16xf32>,
    %swap3A_225 = vector.shape_cast %swap3A_224 : vector<16xf32> to vector<16xf32>
    %swap3A_226 = vector.shape_cast %broadcast_in_dim3A_222 : vector<16xf32> to vector<16xf32>
    tpu.vector_store %arg7[%swap3A_223], %swap3A_226 {strides = array<i32>} : memref<640xf32, #tpu.memory_space<vmem>>, vector<16xf32>,
    %broadcast_in_dim3A_227 = arith.constant 0.000000e+00 : f32
    %broadcast_in_dim3A_228 = vector.broadcast %broadcast_in_dim3A_227 : f32 to vector<16xf32>
    %swap3A_229 = arith.constant 480 : index
    %swap3A_230 = tpu.vector_load %arg7[%swap3A_229] {strides = array<i32>} : memref<640xf32, #tpu.memory_space<vmem>>, vector<16xf32>,
    %swap3A_231 = vector.shape_cast %swap3A_230 : vector<16xf32> to vector<16xf32>
    %swap3A_232 = vector.shape_cast %broadcast_in_dim3A_228 : vector<16xf32> to vector<16xf32>
    tpu.vector_store %arg7[%swap3A_229], %swap3A_232 {strides = array<i32>} : memref<640xf32, #tpu.memory_space<vmem>>, vector<16xf32>,
    %broadcast_in_dim3A_233 = arith.constant 0.000000e+00 : f32
    %broadcast_in_dim3A_234 = vector.broadcast %broadcast_in_dim3A_233 : f32 to vector<16xf32>
    %swap3A_235 = arith.constant 496 : index
    %swap3A_236 = tpu.vector_load %arg7[%swap3A_235] {strides = array<i32>} : memref<640xf32, #tpu.memory_space<vmem>>, vector<16xf32>,
    %swap3A_237 = vector.shape_cast %swap3A_236 : vector<16xf32> to vector<16xf32>
    %swap3A_238 = vector.shape_cast %broadcast_in_dim3A_234 : vector<16xf32> to vector<16xf32>
    tpu.vector_store %arg7[%swap3A_235], %swap3A_238 {strides = array<i32>} : memref<640xf32, #tpu.memory_space<vmem>>, vector<16xf32>,
    %broadcast_in_dim3A_239 = arith.constant 0.000000e+00 : f32
    %broadcast_in_dim3A_240 = vector.broadcast %broadcast_in_dim3A_239 : f32 to vector<16xf32>
    %swap3A_241 = arith.constant 512 : index
    %swap3A_242 = tpu.vector_load %arg7[%swap3A_241] {strides = array<i32>} : memref<640xf32, #tpu.memory_space<vmem>>, vector<16xf32>,
    %swap3A_243 = vector.shape_cast %swap3A_242 : vector<16xf32> to vector<16xf32>
    %swap3A_244 = vector.shape_cast %broadcast_in_dim3A_240 : vector<16xf32> to vector<16xf32>
    tpu.vector_store %arg7[%swap3A_241], %swap3A_244 {strides = array<i32>} : memref<640xf32, #tpu.memory_space<vmem>>, vector<16xf32>,
    %broadcast_in_dim3A_245 = arith.constant 0.000000e+00 : f32
    %broadcast_in_dim3A_246 = vector.broadcast %broadcast_in_dim3A_245 : f32 to vector<16xf32>
    %swap3A_247 = arith.constant 528 : index
    %swap3A_248 = tpu.vector_load %arg7[%swap3A_247] {strides = array<i32>} : memref<640xf32, #tpu.memory_space<vmem>>, vector<16xf32>,
    %swap3A_249 = vector.shape_cast %swap3A_248 : vector<16xf32> to vector<16xf32>
    %swap3A_250 = vector.shape_cast %broadcast_in_dim3A_246 : vector<16xf32> to vector<16xf32>
    tpu.vector_store %arg7[%swap3A_247], %swap3A_250 {strides = array<i32>} : memref<640xf32, #tpu.memory_space<vmem>>, vector<16xf32>,
    %broadcast_in_dim3A_251 = arith.constant 0.000000e+00 : f32
    %broadcast_in_dim3A_252 = vector.broadcast %broadcast_in_dim3A_251 : f32 to vector<16xf32>
    %swap3A_253 = arith.constant 544 : index
    %swap3A_254 = tpu.vector_load %arg7[%swap3A_253] {strides = array<i32>} : memref<640xf32, #tpu.memory_space<vmem>>, vector<16xf32>,
    %swap3A_255 = vector.shape_cast %swap3A_254 : vector<16xf32> to vector<16xf32>
    %swap3A_256 = vector.shape_cast %broadcast_in_dim3A_252 : vector<16xf32> to vector<16xf32>
    tpu.vector_store %arg7[%swap3A_253], %swap3A_256 {strides = array<i32>} : memref<640xf32, #tpu.memory_space<vmem>>, vector<16xf32>,
    %broadcast_in_dim3A_257 = arith.constant 0.000000e+00 : f32
    %broadcast_in_dim3A_258 = vector.broadcast %broadcast_in_dim3A_257 : f32 to vector<16xf32>
    %swap3A_259 = arith.constant 560 : index
    %swap3A_260 = tpu.vector_load %arg7[%swap3A_259] {strides = array<i32>} : memref<640xf32, #tpu.memory_space<vmem>>, vector<16xf32>,
    %swap3A_261 = vector.shape_cast %swap3A_260 : vector<16xf32> to vector<16xf32>
    %swap3A_262 = vector.shape_cast %broadcast_in_dim3A_258 : vector<16xf32> to vector<16xf32>
    tpu.vector_store %arg7[%swap3A_259], %swap3A_262 {strides = array<i32>} : memref<640xf32, #tpu.memory_space<vmem>>, vector<16xf32>,
    %broadcast_in_dim3A_263 = arith.constant 0.000000e+00 : f32
    %broadcast_in_dim3A_264 = vector.broadcast %broadcast_in_dim3A_263 : f32 to vector<16xf32>
    %swap3A_265 = arith.constant 576 : index
    %swap3A_266 = tpu.vector_load %arg7[%swap3A_265] {strides = array<i32>} : memref<640xf32, #tpu.memory_space<vmem>>, vector<16xf32>,
    %swap3A_267 = vector.shape_cast %swap3A_266 : vector<16xf32> to vector<16xf32>
    %swap3A_268 = vector.shape_cast %broadcast_in_dim3A_264 : vector<16xf32> to vector<16xf32>
    tpu.vector_store %arg7[%swap3A_265], %swap3A_268 {strides = array<i32>} : memref<640xf32, #tpu.memory_space<vmem>>, vector<16xf32>,
    %broadcast_in_dim3A_269 = arith.constant 0.000000e+00 : f32
    %broadcast_in_dim3A_270 = vector.broadcast %broadcast_in_dim3A_269 : f32 to vector<16xf32>
    %swap3A_271 = arith.constant 592 : index
    %swap3A_272 = tpu.vector_load %arg7[%swap3A_271] {strides = array<i32>} : memref<640xf32, #tpu.memory_space<vmem>>, vector<16xf32>,
    %swap3A_273 = vector.shape_cast %swap3A_272 : vector<16xf32> to vector<16xf32>
    %swap3A_274 = vector.shape_cast %broadcast_in_dim3A_270 : vector<16xf32> to vector<16xf32>
    tpu.vector_store %arg7[%swap3A_271], %swap3A_274 {strides = array<i32>} : memref<640xf32, #tpu.memory_space<vmem>>, vector<16xf32>,
    %broadcast_in_dim3A_275 = arith.constant 0.000000e+00 : f32
    %broadcast_in_dim3A_276 = vector.broadcast %broadcast_in_dim3A_275 : f32 to vector<16xf32>
    %swap3A_277 = arith.constant 608 : index
    %swap3A_278 = tpu.vector_load %arg7[%swap3A_277] {strides = array<i32>} : memref<640xf32, #tpu.memory_space<vmem>>, vector<16xf32>,
    %swap3A_279 = vector.shape_cast %swap3A_278 : vector<16xf32> to vector<16xf32>
    %swap3A_280 = vector.shape_cast %broadcast_in_dim3A_276 : vector<16xf32> to vector<16xf32>
    tpu.vector_store %arg7[%swap3A_277], %swap3A_280 {strides = array<i32>} : memref<640xf32, #tpu.memory_space<vmem>>, vector<16xf32>,
    %broadcast_in_dim3A_281 = arith.constant 0.000000e+00 : f32
    %broadcast_in_dim3A_282 = vector.broadcast %broadcast_in_dim3A_281 : f32 to vector<16xf32>
    %swap3A_283 = arith.constant 624 : index
    %swap3A_284 = tpu.vector_load %arg7[%swap3A_283] {strides = array<i32>} : memref<640xf32, #tpu.memory_space<vmem>>, vector<16xf32>,
    %swap3A_285 = vector.shape_cast %swap3A_284 : vector<16xf32> to vector<16xf32>
    %swap3A_286 = vector.shape_cast %broadcast_in_dim3A_282 : vector<16xf32> to vector<16xf32>
    tpu.vector_store %arg7[%swap3A_283], %swap3A_286 {strides = array<i32>} : memref<640xf32, #tpu.memory_space<vmem>>, vector<16xf32>,
    %mul3A_287 = arith.constant 640 : i32
    %mul3A_288 = arith.muli %arg1, %mul3A_287 : i32
    "tpu.region"() ({
      %run_scoped3A = tpu.sem_alloc : memref<!tpu.dma_semaphore, #tpu.memory_space<semaphore_mem>>
      %dma_start3A = tpu.memref_slice %arg8[%mul3A_288] : memref<10240xf32, #tpu.memory_space<vmem_shared>> -> memref<640xf32, #tpu.memory_space<vmem_shared>>
      %dma_start3A_302 = tpu.memref_slice %arg8[%mul3A_288] : memref<10240xf32, #tpu.memory_space<vmem_shared>> -> memref<640xf32, #tpu.memory_space<vmem_shared>>
      tpu.enqueue_dma source(%arg7 : memref<640xf32, #tpu.memory_space<vmem>>) target(%dma_start3A_302 : memref<640xf32, #tpu.memory_space<vmem_shared>>) target_semaphore(%run_scoped3A : memref<!tpu.dma_semaphore, #tpu.memory_space<semaphore_mem>>)
      %dma_wait3A = tpu.memref_slice %arg8[%mul3A_288] : memref<10240xf32, #tpu.memory_space<vmem_shared>> -> memref<640xf32, #tpu.memory_space<vmem_shared>>
      %dma_wait3A_303 = tpu.memref_slice %arg8[%mul3A_288] : memref<10240xf32, #tpu.memory_space<vmem_shared>> -> memref<640xf32, #tpu.memory_space<vmem_shared>>
      tpu.wait_dma2 semaphore(%run_scoped3A : memref<!tpu.dma_semaphore, #tpu.memory_space<semaphore_mem>>) src(%arg7 : memref<640xf32, #tpu.memory_space<vmem>>) dst(%dma_wait3A_303 : memref<640xf32, #tpu.memory_space<vmem_shared>>)
      tpu.yield
    }) : () -> ()
    "tpu.region"() ({
      %run_scoped3A = tpu.sem_alloc : memref<!tpu.dma_semaphore, #tpu.memory_space<semaphore_mem>>
      %dma_start3A = arith.constant 0 : i32
      %dma_start3A_302 = arith.constant 0 : i32
      %dma_start3A_303 = tpu.memref_slice %arg2[%add3A, %dma_start3A, %dma_start3A_302] : memref<32x80x128xi32, #tpu.memory_space<hbm>> -> memref<1x80x128xi32, #tpu.memory_space<hbm>>
      %dma_start3A_304 = tpu.memref_squeeze %dma_start3A_303 : memref<1x80x128xi32, #tpu.memory_space<hbm>> -> memref<80x128xi32, #tpu.memory_space<hbm>>
      %dma_start3A_305 = arith.constant 0 : i32
      %dma_start3A_306 = arith.constant 0 : i32
      %dma_start3A_307 = tpu.memref_slice %arg2[%add3A, %dma_start3A_305, %dma_start3A_306] : memref<32x80x128xi32, #tpu.memory_space<hbm>> -> memref<1x80x128xi32, #tpu.memory_space<hbm>>
      %dma_start3A_308 = tpu.memref_squeeze %dma_start3A_307 : memref<1x80x128xi32, #tpu.memory_space<hbm>> -> memref<80x128xi32, #tpu.memory_space<hbm>>
      tpu.enqueue_dma source(%dma_start3A_308 : memref<80x128xi32, #tpu.memory_space<hbm>>) target(%arg5 : memref<80x128xi32, #tpu.memory_space<vmem>>) target_semaphore(%run_scoped3A : memref<!tpu.dma_semaphore, #tpu.memory_space<semaphore_mem>>)
      %dma_wait3A = arith.constant 0 : i32
      %dma_wait3A_309 = arith.constant 0 : i32
      %dma_wait3A_310 = tpu.memref_slice %arg2[%add3A, %dma_wait3A, %dma_wait3A_309] : memref<32x80x128xi32, #tpu.memory_space<hbm>> -> memref<1x80x128xi32, #tpu.memory_space<hbm>>
      %dma_wait3A_311 = tpu.memref_squeeze %dma_wait3A_310 : memref<1x80x128xi32, #tpu.memory_space<hbm>> -> memref<80x128xi32, #tpu.memory_space<hbm>>
      %dma_wait3A_312 = arith.constant 0 : i32
      %dma_wait3A_313 = arith.constant 0 : i32
      %dma_wait3A_314 = tpu.memref_slice %arg2[%add3A, %dma_wait3A_312, %dma_wait3A_313] : memref<32x80x128xi32, #tpu.memory_space<hbm>> -> memref<1x80x128xi32, #tpu.memory_space<hbm>>
      %dma_wait3A_315 = tpu.memref_squeeze %dma_wait3A_314 : memref<1x80x128xi32, #tpu.memory_space<hbm>> -> memref<80x128xi32, #tpu.memory_space<hbm>>
      tpu.wait_dma2 semaphore(%run_scoped3A : memref<!tpu.dma_semaphore, #tpu.memory_space<semaphore_mem>>) src(%dma_wait3A_315 : memref<80x128xi32, #tpu.memory_space<hbm>>) dst(%arg5 : memref<80x128xi32, #tpu.memory_space<vmem>>)
      tpu.yield
    }) : () -> ()
    %barrier3A = arith.constant 0 : index
    tpu.barrier barrier_id(%barrier3A)
    %scan3A = arith.constant 0 : i32
    %scan3A_289 = arith.constant 0 : i32
    %scan3A_290 = arith.constant 80 : i32
    %scan3A_291 = arith.addi %scan3A_289, %scan3A_290 : i32
    %scan3A_292 = arith.constant 1 : i32
    scf.for %scan3A_302 = %scan3A_289 to %scan3A_291 step %scan3A_292  : i32 {
      "tpu.region"() ({
        %run_scoped3A = tpu.sem_alloc : memref<!tpu.dma_semaphore, #tpu.memory_space<semaphore_mem>>
        %dma_start3A = arith.constant 0 : i32
        %dma_start3A_303 = tpu.memref_slice %arg5[%scan3A_302, %dma_start3A] : memref<80x128xi32, #tpu.memory_space<vmem>> -> memref<1x128xi32, #tpu.memory_space<vmem>>
        %dma_start3A_304 = tpu.memref_squeeze %dma_start3A_303 : memref<1x128xi32, #tpu.memory_space<vmem>> -> memref<128xi32, #tpu.memory_space<vmem>>
        %dma_start3A_305 = arith.constant 0 : i32
        %dma_start3A_306 = tpu.memref_slice %arg8[%dma_start3A_305] : memref<10240xf32, #tpu.memory_space<vmem_shared>> -> memref<10240xf32, #tpu.memory_space<vmem_shared>>
        tpu.enqueue_indirect_dma source(%arg6 : memref<128xf32, #tpu.memory_space<vmem>>) target(%dma_start3A_306 : memref<10240xf32, #tpu.memory_space<vmem_shared>>) offsets(%dma_start3A_304 : memref<128xi32, #tpu.memory_space<vmem>>) semaphore(%run_scoped3A : memref<!tpu.dma_semaphore, #tpu.memory_space<semaphore_mem>>) {add = true}
        %dma_wait3A = arith.constant 0 : i32
        %dma_wait3A_307 = tpu.memref_slice %arg5[%scan3A_302, %dma_wait3A] : memref<80x128xi32, #tpu.memory_space<vmem>> -> memref<1x128xi32, #tpu.memory_space<vmem>>
        %dma_wait3A_308 = tpu.memref_squeeze %dma_wait3A_307 : memref<1x128xi32, #tpu.memory_space<vmem>> -> memref<128xi32, #tpu.memory_space<vmem>>
        %dma_wait3A_309 = arith.constant 0 : i32
        %dma_wait3A_310 = tpu.memref_slice %arg8[%dma_wait3A_309] : memref<10240xf32, #tpu.memory_space<vmem_shared>> -> memref<10240xf32, #tpu.memory_space<vmem_shared>>
        tpu.wait_indirect_dma semaphore(%run_scoped3A : memref<!tpu.dma_semaphore, #tpu.memory_space<semaphore_mem>>) src(%arg6 : memref<128xf32, #tpu.memory_space<vmem>>) dst(%dma_wait3A_310 : memref<10240xf32, #tpu.memory_space<vmem_shared>>)
        tpu.yield
      }) : () -> ()
    }
    %scan3A_293 = arith.constant 80 : i32
    %barrier3A_294 = arith.constant 0 : index
    tpu.barrier barrier_id(%barrier3A_294)
    %eq3A = arith.constant 0 : i32
    %eq3A_295 = arith.cmpi eq, %arg0, %eq3A : i32
    %convert_element_type3A = arith.extui %eq3A_295 : i1 to i32
    %cond3A = arith.constant 0 : i32
    %cond3A_296 = arith.cmpi ne, %convert_element_type3A, %cond3A : i32
    scf.if %cond3A_296 {
      "tpu.region"() ({
        %run_scoped3A = tpu.sem_alloc : memref<!tpu.dma_semaphore, #tpu.memory_space<semaphore_mem>>
        %dma_start3A = tpu.memref_slice %arg3[%mul3A_288] : memref<10240xf32, #tpu.memory_space<hbm>> -> memref<640xf32, #tpu.memory_space<hbm>>
        %dma_start3A_302 = tpu.memref_slice %arg8[%mul3A_288] : memref<10240xf32, #tpu.memory_space<vmem_shared>> -> memref<640xf32, #tpu.memory_space<vmem_shared>>
        tpu.enqueue_dma source(%dma_start3A_302 : memref<640xf32, #tpu.memory_space<vmem_shared>>) target(%dma_start3A : memref<640xf32, #tpu.memory_space<hbm>>) target_semaphore(%run_scoped3A : memref<!tpu.dma_semaphore, #tpu.memory_space<semaphore_mem>>)
        %dma_wait3A = tpu.memref_slice %arg3[%mul3A_288] : memref<10240xf32, #tpu.memory_space<hbm>> -> memref<640xf32, #tpu.memory_space<hbm>>
        %dma_wait3A_303 = tpu.memref_slice %arg8[%mul3A_288] : memref<10240xf32, #tpu.memory_space<vmem_shared>> -> memref<640xf32, #tpu.memory_space<vmem_shared>>
        tpu.wait_dma2 semaphore(%run_scoped3A : memref<!tpu.dma_semaphore, #tpu.memory_space<semaphore_mem>>) src(%dma_wait3A_303 : memref<640xf32, #tpu.memory_space<vmem_shared>>) dst(%dma_wait3A : memref<640xf32, #tpu.memory_space<hbm>>)
        tpu.yield
      }) : () -> ()
    } else {
    }
    %eq3A_297 = arith.constant 1 : i32
    %eq3A_298 = arith.cmpi eq, %arg0, %eq3A_297 : i32
    %convert_element_type3A_299 = arith.extui %eq3A_298 : i1 to i32
    %cond3A_300 = arith.constant 0 : i32
    %cond3A_301 = arith.cmpi ne, %convert_element_type3A_299, %cond3A_300 : i32
    scf.if %cond3A_301 {
      "tpu.region"() ({
        %run_scoped3A = tpu.sem_alloc : memref<!tpu.dma_semaphore, #tpu.memory_space<semaphore_mem>>
        %dma_start3A = tpu.memref_slice %arg4[%mul3A_288] : memref<10240xf32, #tpu.memory_space<hbm>> -> memref<640xf32, #tpu.memory_space<hbm>>
        %dma_start3A_302 = tpu.memref_slice %arg8[%mul3A_288] : memref<10240xf32, #tpu.memory_space<vmem_shared>> -> memref<640xf32, #tpu.memory_space<vmem_shared>>
        tpu.enqueue_dma source(%dma_start3A_302 : memref<640xf32, #tpu.memory_space<vmem_shared>>) target(%dma_start3A : memref<640xf32, #tpu.memory_space<hbm>>) target_semaphore(%run_scoped3A : memref<!tpu.dma_semaphore, #tpu.memory_space<semaphore_mem>>)
        %dma_wait3A = tpu.memref_slice %arg4[%mul3A_288] : memref<10240xf32, #tpu.memory_space<hbm>> -> memref<640xf32, #tpu.memory_space<hbm>>
        %dma_wait3A_303 = tpu.memref_slice %arg8[%mul3A_288] : memref<10240xf32, #tpu.memory_space<vmem_shared>> -> memref<640xf32, #tpu.memory_space<vmem_shared>>
        tpu.wait_dma2 semaphore(%run_scoped3A : memref<!tpu.dma_semaphore, #tpu.memory_space<semaphore_mem>>) src(%dma_wait3A_303 : memref<640xf32, #tpu.memory_space<vmem_shared>>) dst(%dma_wait3A : memref<640xf32, #tpu.memory_space<hbm>>)
        tpu.yield
      }) : () -> ()
    } else {
    }
    return
  }
}

#map = affine_map<(d0, d1) -> (0, 0)>
#map1 = affine_map<(d0, d1) -> (0, 0, 0)>
module attributes {stable_mosaic.version = 14 : i64} {
  func.func @agg_kernel(%arg0: i32, %arg1: i32, %arg2: memref<10000x32xf32, #tpu.memory_space<hbm>>, %arg3: memref<32x80x128xi32, #tpu.memory_space<hbm>>, %arg4: memref<32x80x128xi32, #tpu.memory_space<hbm>>, %arg5: memref<10240x32xf32, #tpu.memory_space<hbm>>, %arg6: memref<10240x32xf32, #tpu.memory_space<hbm>>, %arg7: memref<82x128xi32, #tpu.memory_space<vmem>>, %arg8: memref<80x128xi32, #tpu.memory_space<vmem>>, %arg9: memref<128x32xf32, #tpu.memory_space<vmem>>, %arg10: memref<128x32xf32, #tpu.memory_space<vmem>>, %arg11: memref<128x32xf32, #tpu.memory_space<vmem>>, %arg12: memref<128x32xf32, #tpu.memory_space<vmem>>, %arg13: memref<128x32xf32, #tpu.memory_space<vmem>>, %arg14: memref<10000x32xf32, #tpu.memory_space<vmem_shared>>, %arg15: memref<10240x32xf32, #tpu.memory_space<vmem_shared>>, %arg16: memref<!tpu.dma_semaphore, #tpu.memory_space<semaphore_mem>>, %arg17: memref<!tpu.dma_semaphore, #tpu.memory_space<semaphore_mem>>, %arg18: memref<!tpu.dma_semaphore, #tpu.memory_space<semaphore_mem>>, %arg19: memref<!tpu.dma_semaphore, #tpu.memory_space<semaphore_mem>>, %arg20: memref<!tpu.dma_semaphore, #tpu.memory_space<semaphore_mem>>, %arg21: memref<!tpu.dma_semaphore, #tpu.memory_space<semaphore_mem>>, %arg22: memref<!tpu.dma_semaphore, #tpu.memory_space<semaphore_mem>>, %arg23: memref<!tpu.dma_semaphore, #tpu.memory_space<semaphore_mem>>) attributes {dimension_semantics = [#tpu.dimension_semantics<core_parallel>, #tpu.dimension_semantics<subcore_parallel>], iteration_bounds = array<i64: 2, 16>, scalar_prefetch = 0 : i64, scratch_operands = 17 : i64, tpu.core_type = #tpu.core_type<sc_vector_subcore>, window_params = [{transform_indices = #map}, {transform_indices = #map1}, {transform_indices = #map1}, {transform_indices = #map}, {transform_indices = #map}]} {
    %mul3A = arith.constant 16 : i32
    %mul3A_0 = arith.muli %arg0, %mul3A : i32
    %add3A = arith.addi %mul3A_0, %arg1 : i32
    %scan3A = arith.constant 0 : i32
    %scan3A_1 = arith.constant 0 : i32
    %scan3A_2 = arith.constant 128 : i32
    %scan3A_3 = arith.addi %scan3A_1, %scan3A_2 : i32
    %scan3A_4 = arith.constant 1 : i32
    scf.for %scan3A_210 = %scan3A_1 to %scan3A_3 step %scan3A_4  : i32 {
      %broadcast_in_dim3A_211 = arith.constant 0.000000e+00 : f32
      %broadcast_in_dim3A_212 = vector.broadcast %broadcast_in_dim3A_211 : f32 to vector<16xf32>
      %swap3A_213 = arith.index_cast %scan3A_210 : i32 to index
      %swap3A_214 = arith.constant 0 : index
      %swap3A_215 = tpu.vector_load %arg13[%swap3A_213, %swap3A_214] {strides = array<i32>} : memref<128x32xf32, #tpu.memory_space<vmem>>, vector<1x16xf32>,
      %swap3A_216 = vector.shape_cast %swap3A_215 : vector<1x16xf32> to vector<16xf32>
      %swap3A_217 = vector.shape_cast %broadcast_in_dim3A_212 : vector<16xf32> to vector<1x16xf32>
      tpu.vector_store %arg13[%swap3A_213, %swap3A_214], %swap3A_217 {strides = array<i32>} : memref<128x32xf32, #tpu.memory_space<vmem>>, vector<1x16xf32>,
      %broadcast_in_dim3A_218 = arith.constant 0.000000e+00 : f32
      %broadcast_in_dim3A_219 = vector.broadcast %broadcast_in_dim3A_218 : f32 to vector<16xf32>
      %swap3A_220 = arith.index_cast %scan3A_210 : i32 to index
      %swap3A_221 = arith.constant 16 : index
      %swap3A_222 = tpu.vector_load %arg13[%swap3A_220, %swap3A_221] {strides = array<i32>} : memref<128x32xf32, #tpu.memory_space<vmem>>, vector<1x16xf32>,
      %swap3A_223 = vector.shape_cast %swap3A_222 : vector<1x16xf32> to vector<16xf32>
      %swap3A_224 = vector.shape_cast %broadcast_in_dim3A_219 : vector<16xf32> to vector<1x16xf32>
      tpu.vector_store %arg13[%swap3A_220, %swap3A_221], %swap3A_224 {strides = array<i32>} : memref<128x32xf32, #tpu.memory_space<vmem>>, vector<1x16xf32>,
    }
    %scan3A_5 = arith.constant 128 : i32
    %mul3A_6 = arith.constant 640 : i32
    %mul3A_7 = arith.muli %arg1, %mul3A_6 : i32
    %add3A_8 = arith.constant 0 : i32
    %add3A_9 = arith.addi %mul3A_7, %add3A_8 : i32
    "tpu.region"() ({
      %run_scoped3A = tpu.sem_alloc : memref<!tpu.dma_semaphore, #tpu.memory_space<semaphore_mem>>
      %dma_start3A_210 = arith.constant 0 : i32
      %dma_start3A_211 = tpu.memref_slice %arg15[%add3A_9, %dma_start3A_210] : memref<10240x32xf32, #tpu.memory_space<vmem_shared>> -> memref<128x32xf32, #tpu.memory_space<vmem_shared>>
      %dma_start3A_212 = arith.constant 0 : i32
      %dma_start3A_213 = tpu.memref_slice %arg15[%add3A_9, %dma_start3A_212] : memref<10240x32xf32, #tpu.memory_space<vmem_shared>> -> memref<128x32xf32, #tpu.memory_space<vmem_shared>>
      tpu.enqueue_dma source(%arg13 : memref<128x32xf32, #tpu.memory_space<vmem>>) target(%dma_start3A_213 : memref<128x32xf32, #tpu.memory_space<vmem_shared>>) target_semaphore(%run_scoped3A : memref<!tpu.dma_semaphore, #tpu.memory_space<semaphore_mem>>)
      %dma_wait3A_214 = arith.constant 0 : i32
      %dma_wait3A_215 = tpu.memref_slice %arg15[%add3A_9, %dma_wait3A_214] : memref<10240x32xf32, #tpu.memory_space<vmem_shared>> -> memref<128x32xf32, #tpu.memory_space<vmem_shared>>
      %dma_wait3A_216 = arith.constant 0 : i32
      %dma_wait3A_217 = tpu.memref_slice %arg15[%add3A_9, %dma_wait3A_216] : memref<10240x32xf32, #tpu.memory_space<vmem_shared>> -> memref<128x32xf32, #tpu.memory_space<vmem_shared>>
      tpu.wait_dma2 semaphore(%run_scoped3A : memref<!tpu.dma_semaphore, #tpu.memory_space<semaphore_mem>>) src(%arg13 : memref<128x32xf32, #tpu.memory_space<vmem>>) dst(%dma_wait3A_217 : memref<128x32xf32, #tpu.memory_space<vmem_shared>>)
      tpu.yield
    }) : () -> ()
    %mul3A_10 = arith.constant 640 : i32
    %mul3A_11 = arith.muli %arg1, %mul3A_10 : i32
    %add3A_12 = arith.constant 128 : i32
    %add3A_13 = arith.addi %mul3A_11, %add3A_12 : i32
    "tpu.region"() ({
      %run_scoped3A = tpu.sem_alloc : memref<!tpu.dma_semaphore, #tpu.memory_space<semaphore_mem>>
      %dma_start3A_210 = arith.constant 0 : i32
      %dma_start3A_211 = tpu.memref_slice %arg15[%add3A_13, %dma_start3A_210] : memref<10240x32xf32, #tpu.memory_space<vmem_shared>> -> memref<128x32xf32, #tpu.memory_space<vmem_shared>>
      %dma_start3A_212 = arith.constant 0 : i32
      %dma_start3A_213 = tpu.memref_slice %arg15[%add3A_13, %dma_start3A_212] : memref<10240x32xf32, #tpu.memory_space<vmem_shared>> -> memref<128x32xf32, #tpu.memory_space<vmem_shared>>
      tpu.enqueue_dma source(%arg13 : memref<128x32xf32, #tpu.memory_space<vmem>>) target(%dma_start3A_213 : memref<128x32xf32, #tpu.memory_space<vmem_shared>>) target_semaphore(%run_scoped3A : memref<!tpu.dma_semaphore, #tpu.memory_space<semaphore_mem>>)
      %dma_wait3A_214 = arith.constant 0 : i32
      %dma_wait3A_215 = tpu.memref_slice %arg15[%add3A_13, %dma_wait3A_214] : memref<10240x32xf32, #tpu.memory_space<vmem_shared>> -> memref<128x32xf32, #tpu.memory_space<vmem_shared>>
      %dma_wait3A_216 = arith.constant 0 : i32
      %dma_wait3A_217 = tpu.memref_slice %arg15[%add3A_13, %dma_wait3A_216] : memref<10240x32xf32, #tpu.memory_space<vmem_shared>> -> memref<128x32xf32, #tpu.memory_space<vmem_shared>>
      tpu.wait_dma2 semaphore(%run_scoped3A : memref<!tpu.dma_semaphore, #tpu.memory_space<semaphore_mem>>) src(%arg13 : memref<128x32xf32, #tpu.memory_space<vmem>>) dst(%dma_wait3A_217 : memref<128x32xf32, #tpu.memory_space<vmem_shared>>)
      tpu.yield
    }) : () -> ()
    %mul3A_14 = arith.constant 640 : i32
    %mul3A_15 = arith.muli %arg1, %mul3A_14 : i32
    %add3A_16 = arith.constant 256 : i32
    %add3A_17 = arith.addi %mul3A_15, %add3A_16 : i32
    "tpu.region"() ({
      %run_scoped3A = tpu.sem_alloc : memref<!tpu.dma_semaphore, #tpu.memory_space<semaphore_mem>>
      %dma_start3A_210 = arith.constant 0 : i32
      %dma_start3A_211 = tpu.memref_slice %arg15[%add3A_17, %dma_start3A_210] : memref<10240x32xf32, #tpu.memory_space<vmem_shared>> -> memref<128x32xf32, #tpu.memory_space<vmem_shared>>
      %dma_start3A_212 = arith.constant 0 : i32
      %dma_start3A_213 = tpu.memref_slice %arg15[%add3A_17, %dma_start3A_212] : memref<10240x32xf32, #tpu.memory_space<vmem_shared>> -> memref<128x32xf32, #tpu.memory_space<vmem_shared>>
      tpu.enqueue_dma source(%arg13 : memref<128x32xf32, #tpu.memory_space<vmem>>) target(%dma_start3A_213 : memref<128x32xf32, #tpu.memory_space<vmem_shared>>) target_semaphore(%run_scoped3A : memref<!tpu.dma_semaphore, #tpu.memory_space<semaphore_mem>>)
      %dma_wait3A_214 = arith.constant 0 : i32
      %dma_wait3A_215 = tpu.memref_slice %arg15[%add3A_17, %dma_wait3A_214] : memref<10240x32xf32, #tpu.memory_space<vmem_shared>> -> memref<128x32xf32, #tpu.memory_space<vmem_shared>>
      %dma_wait3A_216 = arith.constant 0 : i32
      %dma_wait3A_217 = tpu.memref_slice %arg15[%add3A_17, %dma_wait3A_216] : memref<10240x32xf32, #tpu.memory_space<vmem_shared>> -> memref<128x32xf32, #tpu.memory_space<vmem_shared>>
      tpu.wait_dma2 semaphore(%run_scoped3A : memref<!tpu.dma_semaphore, #tpu.memory_space<semaphore_mem>>) src(%arg13 : memref<128x32xf32, #tpu.memory_space<vmem>>) dst(%dma_wait3A_217 : memref<128x32xf32, #tpu.memory_space<vmem_shared>>)
      tpu.yield
    }) : () -> ()
    %mul3A_18 = arith.constant 640 : i32
    %mul3A_19 = arith.muli %arg1, %mul3A_18 : i32
    %add3A_20 = arith.constant 384 : i32
    %add3A_21 = arith.addi %mul3A_19, %add3A_20 : i32
    "tpu.region"() ({
      %run_scoped3A = tpu.sem_alloc : memref<!tpu.dma_semaphore, #tpu.memory_space<semaphore_mem>>
      %dma_start3A_210 = arith.constant 0 : i32
      %dma_start3A_211 = tpu.memref_slice %arg15[%add3A_21, %dma_start3A_210] : memref<10240x32xf32, #tpu.memory_space<vmem_shared>> -> memref<128x32xf32, #tpu.memory_space<vmem_shared>>
      %dma_start3A_212 = arith.constant 0 : i32
      %dma_start3A_213 = tpu.memref_slice %arg15[%add3A_21, %dma_start3A_212] : memref<10240x32xf32, #tpu.memory_space<vmem_shared>> -> memref<128x32xf32, #tpu.memory_space<vmem_shared>>
      tpu.enqueue_dma source(%arg13 : memref<128x32xf32, #tpu.memory_space<vmem>>) target(%dma_start3A_213 : memref<128x32xf32, #tpu.memory_space<vmem_shared>>) target_semaphore(%run_scoped3A : memref<!tpu.dma_semaphore, #tpu.memory_space<semaphore_mem>>)
      %dma_wait3A_214 = arith.constant 0 : i32
      %dma_wait3A_215 = tpu.memref_slice %arg15[%add3A_21, %dma_wait3A_214] : memref<10240x32xf32, #tpu.memory_space<vmem_shared>> -> memref<128x32xf32, #tpu.memory_space<vmem_shared>>
      %dma_wait3A_216 = arith.constant 0 : i32
      %dma_wait3A_217 = tpu.memref_slice %arg15[%add3A_21, %dma_wait3A_216] : memref<10240x32xf32, #tpu.memory_space<vmem_shared>> -> memref<128x32xf32, #tpu.memory_space<vmem_shared>>
      tpu.wait_dma2 semaphore(%run_scoped3A : memref<!tpu.dma_semaphore, #tpu.memory_space<semaphore_mem>>) src(%arg13 : memref<128x32xf32, #tpu.memory_space<vmem>>) dst(%dma_wait3A_217 : memref<128x32xf32, #tpu.memory_space<vmem_shared>>)
      tpu.yield
    }) : () -> ()
    %mul3A_22 = arith.constant 640 : i32
    %mul3A_23 = arith.muli %arg1, %mul3A_22 : i32
    %add3A_24 = arith.constant 512 : i32
    %add3A_25 = arith.addi %mul3A_23, %add3A_24 : i32
    "tpu.region"() ({
      %run_scoped3A = tpu.sem_alloc : memref<!tpu.dma_semaphore, #tpu.memory_space<semaphore_mem>>
      %dma_start3A_210 = arith.constant 0 : i32
      %dma_start3A_211 = tpu.memref_slice %arg15[%add3A_25, %dma_start3A_210] : memref<10240x32xf32, #tpu.memory_space<vmem_shared>> -> memref<128x32xf32, #tpu.memory_space<vmem_shared>>
      %dma_start3A_212 = arith.constant 0 : i32
      %dma_start3A_213 = tpu.memref_slice %arg15[%add3A_25, %dma_start3A_212] : memref<10240x32xf32, #tpu.memory_space<vmem_shared>> -> memref<128x32xf32, #tpu.memory_space<vmem_shared>>
      tpu.enqueue_dma source(%arg13 : memref<128x32xf32, #tpu.memory_space<vmem>>) target(%dma_start3A_213 : memref<128x32xf32, #tpu.memory_space<vmem_shared>>) target_semaphore(%run_scoped3A : memref<!tpu.dma_semaphore, #tpu.memory_space<semaphore_mem>>)
      %dma_wait3A_214 = arith.constant 0 : i32
      %dma_wait3A_215 = tpu.memref_slice %arg15[%add3A_25, %dma_wait3A_214] : memref<10240x32xf32, #tpu.memory_space<vmem_shared>> -> memref<128x32xf32, #tpu.memory_space<vmem_shared>>
      %dma_wait3A_216 = arith.constant 0 : i32
      %dma_wait3A_217 = tpu.memref_slice %arg15[%add3A_25, %dma_wait3A_216] : memref<10240x32xf32, #tpu.memory_space<vmem_shared>> -> memref<128x32xf32, #tpu.memory_space<vmem_shared>>
      tpu.wait_dma2 semaphore(%run_scoped3A : memref<!tpu.dma_semaphore, #tpu.memory_space<semaphore_mem>>) src(%arg13 : memref<128x32xf32, #tpu.memory_space<vmem>>) dst(%dma_wait3A_217 : memref<128x32xf32, #tpu.memory_space<vmem_shared>>)
      tpu.yield
    }) : () -> ()
    %mul3A_26 = arith.constant 625 : i32
    %mul3A_27 = arith.muli %arg1, %mul3A_26 : i32
    "tpu.region"() ({
      %run_scoped3A = tpu.sem_alloc : memref<!tpu.dma_semaphore, #tpu.memory_space<semaphore_mem>>
      %dma_start3A_210 = arith.constant 0 : i32
      %dma_start3A_211 = tpu.memref_slice %arg14[%mul3A_27, %dma_start3A_210] : memref<10000x32xf32, #tpu.memory_space<vmem_shared>> -> memref<625x32xf32, #tpu.memory_space<vmem_shared>>
      %dma_start3A_212 = arith.constant 0 : i32
      %dma_start3A_213 = tpu.memref_slice %arg2[%mul3A_27, %dma_start3A_212] : memref<10000x32xf32, #tpu.memory_space<hbm>> -> memref<625x32xf32, #tpu.memory_space<hbm>>
      tpu.enqueue_dma source(%dma_start3A_213 : memref<625x32xf32, #tpu.memory_space<hbm>>) target(%dma_start3A_211 : memref<625x32xf32, #tpu.memory_space<vmem_shared>>) target_semaphore(%run_scoped3A : memref<!tpu.dma_semaphore, #tpu.memory_space<semaphore_mem>>)
      %dma_wait3A_214 = arith.constant 0 : i32
      %dma_wait3A_215 = tpu.memref_slice %arg14[%mul3A_27, %dma_wait3A_214] : memref<10000x32xf32, #tpu.memory_space<vmem_shared>> -> memref<625x32xf32, #tpu.memory_space<vmem_shared>>
      %dma_wait3A_216 = arith.constant 0 : i32
      %dma_wait3A_217 = tpu.memref_slice %arg2[%mul3A_27, %dma_wait3A_216] : memref<10000x32xf32, #tpu.memory_space<hbm>> -> memref<625x32xf32, #tpu.memory_space<hbm>>
      tpu.wait_dma2 semaphore(%run_scoped3A : memref<!tpu.dma_semaphore, #tpu.memory_space<semaphore_mem>>) src(%dma_wait3A_217 : memref<625x32xf32, #tpu.memory_space<hbm>>) dst(%dma_wait3A_215 : memref<625x32xf32, #tpu.memory_space<vmem_shared>>)
      tpu.yield
    }) : () -> ()
    "tpu.region"() ({
      %run_scoped3A = tpu.sem_alloc : memref<!tpu.dma_semaphore, #tpu.memory_space<semaphore_mem>>
      %dma_start3A_210 = arith.constant 0 : i32
      %dma_start3A_211 = arith.constant 0 : i32
      %dma_start3A_212 = tpu.memref_slice %arg7[%dma_start3A_210, %dma_start3A_211] : memref<82x128xi32, #tpu.memory_space<vmem>> -> memref<80x128xi32, #tpu.memory_space<vmem>>
      %dma_start3A_213 = arith.constant 0 : i32
      %dma_start3A_214 = arith.constant 0 : i32
      %dma_start3A_215 = tpu.memref_slice %arg3[%add3A, %dma_start3A_213, %dma_start3A_214] : memref<32x80x128xi32, #tpu.memory_space<hbm>> -> memref<1x80x128xi32, #tpu.memory_space<hbm>>
      %dma_start3A_216 = tpu.memref_squeeze %dma_start3A_215 : memref<1x80x128xi32, #tpu.memory_space<hbm>> -> memref<80x128xi32, #tpu.memory_space<hbm>>
      %dma_start3A_217 = arith.constant 0 : i32
      %dma_start3A_218 = arith.constant 0 : i32
      %dma_start3A_219 = tpu.memref_slice %arg7[%dma_start3A_217, %dma_start3A_218] : memref<82x128xi32, #tpu.memory_space<vmem>> -> memref<80x128xi32, #tpu.memory_space<vmem>>
      %dma_start3A_220 = arith.constant 0 : i32
      %dma_start3A_221 = arith.constant 0 : i32
      %dma_start3A_222 = tpu.memref_slice %arg3[%add3A, %dma_start3A_220, %dma_start3A_221] : memref<32x80x128xi32, #tpu.memory_space<hbm>> -> memref<1x80x128xi32, #tpu.memory_space<hbm>>
      %dma_start3A_223 = tpu.memref_squeeze %dma_start3A_222 : memref<1x80x128xi32, #tpu.memory_space<hbm>> -> memref<80x128xi32, #tpu.memory_space<hbm>>
      tpu.enqueue_dma source(%dma_start3A_223 : memref<80x128xi32, #tpu.memory_space<hbm>>) target(%dma_start3A_219 : memref<80x128xi32, #tpu.memory_space<vmem>>) target_semaphore(%run_scoped3A : memref<!tpu.dma_semaphore, #tpu.memory_space<semaphore_mem>>)
      %dma_wait3A_224 = arith.constant 0 : i32
      %dma_wait3A_225 = arith.constant 0 : i32
      %dma_wait3A_226 = tpu.memref_slice %arg7[%dma_wait3A_224, %dma_wait3A_225] : memref<82x128xi32, #tpu.memory_space<vmem>> -> memref<80x128xi32, #tpu.memory_space<vmem>>
      %dma_wait3A_227 = arith.constant 0 : i32
      %dma_wait3A_228 = arith.constant 0 : i32
      %dma_wait3A_229 = tpu.memref_slice %arg3[%add3A, %dma_wait3A_227, %dma_wait3A_228] : memref<32x80x128xi32, #tpu.memory_space<hbm>> -> memref<1x80x128xi32, #tpu.memory_space<hbm>>
      %dma_wait3A_230 = tpu.memref_squeeze %dma_wait3A_229 : memref<1x80x128xi32, #tpu.memory_space<hbm>> -> memref<80x128xi32, #tpu.memory_space<hbm>>
      %dma_wait3A_231 = arith.constant 0 : i32
      %dma_wait3A_232 = arith.constant 0 : i32
      %dma_wait3A_233 = tpu.memref_slice %arg7[%dma_wait3A_231, %dma_wait3A_232] : memref<82x128xi32, #tpu.memory_space<vmem>> -> memref<80x128xi32, #tpu.memory_space<vmem>>
      %dma_wait3A_234 = arith.constant 0 : i32
      %dma_wait3A_235 = arith.constant 0 : i32
      %dma_wait3A_236 = tpu.memref_slice %arg3[%add3A, %dma_wait3A_234, %dma_wait3A_235] : memref<32x80x128xi32, #tpu.memory_space<hbm>> -> memref<1x80x128xi32, #tpu.memory_space<hbm>>
      %dma_wait3A_237 = tpu.memref_squeeze %dma_wait3A_236 : memref<1x80x128xi32, #tpu.memory_space<hbm>> -> memref<80x128xi32, #tpu.memory_space<hbm>>
      tpu.wait_dma2 semaphore(%run_scoped3A : memref<!tpu.dma_semaphore, #tpu.memory_space<semaphore_mem>>) src(%dma_wait3A_237 : memref<80x128xi32, #tpu.memory_space<hbm>>) dst(%dma_wait3A_233 : memref<80x128xi32, #tpu.memory_space<vmem>>)
      tpu.yield
    }) : () -> ()
    %broadcast_in_dim3A = arith.constant 0 : i32
    %broadcast_in_dim3A_28 = vector.broadcast %broadcast_in_dim3A : i32 to vector<16xi32>
    %swap3A = arith.constant 80 : i32
    %swap3A_29 = arith.index_cast %swap3A : i32 to index
    %swap3A_30 = arith.constant 0 : index
    %swap3A_31 = tpu.vector_load %arg7[%swap3A_29, %swap3A_30] {strides = array<i32>} : memref<82x128xi32, #tpu.memory_space<vmem>>, vector<1x16xi32>,
    %swap3A_32 = vector.shape_cast %swap3A_31 : vector<1x16xi32> to vector<16xi32>
    %swap3A_33 = vector.shape_cast %broadcast_in_dim3A_28 : vector<16xi32> to vector<1x16xi32>
    tpu.vector_store %arg7[%swap3A_29, %swap3A_30], %swap3A_33 {strides = array<i32>} : memref<82x128xi32, #tpu.memory_space<vmem>>, vector<1x16xi32>,
    %broadcast_in_dim3A_34 = arith.constant 0 : i32
    %broadcast_in_dim3A_35 = vector.broadcast %broadcast_in_dim3A_34 : i32 to vector<16xi32>
    %swap3A_36 = arith.constant 80 : i32
    %swap3A_37 = arith.index_cast %swap3A_36 : i32 to index
    %swap3A_38 = arith.constant 16 : index
    %swap3A_39 = tpu.vector_load %arg7[%swap3A_37, %swap3A_38] {strides = array<i32>} : memref<82x128xi32, #tpu.memory_space<vmem>>, vector<1x16xi32>,
    %swap3A_40 = vector.shape_cast %swap3A_39 : vector<1x16xi32> to vector<16xi32>
    %swap3A_41 = vector.shape_cast %broadcast_in_dim3A_35 : vector<16xi32> to vector<1x16xi32>
    tpu.vector_store %arg7[%swap3A_37, %swap3A_38], %swap3A_41 {strides = array<i32>} : memref<82x128xi32, #tpu.memory_space<vmem>>, vector<1x16xi32>,
    %broadcast_in_dim3A_42 = arith.constant 0 : i32
    %broadcast_in_dim3A_43 = vector.broadcast %broadcast_in_dim3A_42 : i32 to vector<16xi32>
    %swap3A_44 = arith.constant 80 : i32
    %swap3A_45 = arith.index_cast %swap3A_44 : i32 to index
    %swap3A_46 = arith.constant 32 : index
    %swap3A_47 = tpu.vector_load %arg7[%swap3A_45, %swap3A_46] {strides = array<i32>} : memref<82x128xi32, #tpu.memory_space<vmem>>, vector<1x16xi32>,
    %swap3A_48 = vector.shape_cast %swap3A_47 : vector<1x16xi32> to vector<16xi32>
    %swap3A_49 = vector.shape_cast %broadcast_in_dim3A_43 : vector<16xi32> to vector<1x16xi32>
    tpu.vector_store %arg7[%swap3A_45, %swap3A_46], %swap3A_49 {strides = array<i32>} : memref<82x128xi32, #tpu.memory_space<vmem>>, vector<1x16xi32>,
    %broadcast_in_dim3A_50 = arith.constant 0 : i32
    %broadcast_in_dim3A_51 = vector.broadcast %broadcast_in_dim3A_50 : i32 to vector<16xi32>
    %swap3A_52 = arith.constant 80 : i32
    %swap3A_53 = arith.index_cast %swap3A_52 : i32 to index
    %swap3A_54 = arith.constant 48 : index
    %swap3A_55 = tpu.vector_load %arg7[%swap3A_53, %swap3A_54] {strides = array<i32>} : memref<82x128xi32, #tpu.memory_space<vmem>>, vector<1x16xi32>,
    %swap3A_56 = vector.shape_cast %swap3A_55 : vector<1x16xi32> to vector<16xi32>
    %swap3A_57 = vector.shape_cast %broadcast_in_dim3A_51 : vector<16xi32> to vector<1x16xi32>
    tpu.vector_store %arg7[%swap3A_53, %swap3A_54], %swap3A_57 {strides = array<i32>} : memref<82x128xi32, #tpu.memory_space<vmem>>, vector<1x16xi32>,
    %broadcast_in_dim3A_58 = arith.constant 0 : i32
    %broadcast_in_dim3A_59 = vector.broadcast %broadcast_in_dim3A_58 : i32 to vector<16xi32>
    %swap3A_60 = arith.constant 80 : i32
    %swap3A_61 = arith.index_cast %swap3A_60 : i32 to index
    %swap3A_62 = arith.constant 64 : index
    %swap3A_63 = tpu.vector_load %arg7[%swap3A_61, %swap3A_62] {strides = array<i32>} : memref<82x128xi32, #tpu.memory_space<vmem>>, vector<1x16xi32>,
    %swap3A_64 = vector.shape_cast %swap3A_63 : vector<1x16xi32> to vector<16xi32>
    %swap3A_65 = vector.shape_cast %broadcast_in_dim3A_59 : vector<16xi32> to vector<1x16xi32>
    tpu.vector_store %arg7[%swap3A_61, %swap3A_62], %swap3A_65 {strides = array<i32>} : memref<82x128xi32, #tpu.memory_space<vmem>>, vector<1x16xi32>,
    %broadcast_in_dim3A_66 = arith.constant 0 : i32
    %broadcast_in_dim3A_67 = vector.broadcast %broadcast_in_dim3A_66 : i32 to vector<16xi32>
    %swap3A_68 = arith.constant 80 : i32
    %swap3A_69 = arith.index_cast %swap3A_68 : i32 to index
    %swap3A_70 = arith.constant 80 : index
    %swap3A_71 = tpu.vector_load %arg7[%swap3A_69, %swap3A_70] {strides = array<i32>} : memref<82x128xi32, #tpu.memory_space<vmem>>, vector<1x16xi32>,
    %swap3A_72 = vector.shape_cast %swap3A_71 : vector<1x16xi32> to vector<16xi32>
    %swap3A_73 = vector.shape_cast %broadcast_in_dim3A_67 : vector<16xi32> to vector<1x16xi32>
    tpu.vector_store %arg7[%swap3A_69, %swap3A_70], %swap3A_73 {strides = array<i32>} : memref<82x128xi32, #tpu.memory_space<vmem>>, vector<1x16xi32>,
    %broadcast_in_dim3A_74 = arith.constant 0 : i32
    %broadcast_in_dim3A_75 = vector.broadcast %broadcast_in_dim3A_74 : i32 to vector<16xi32>
    %swap3A_76 = arith.constant 80 : i32
    %swap3A_77 = arith.index_cast %swap3A_76 : i32 to index
    %swap3A_78 = arith.constant 96 : index
    %swap3A_79 = tpu.vector_load %arg7[%swap3A_77, %swap3A_78] {strides = array<i32>} : memref<82x128xi32, #tpu.memory_space<vmem>>, vector<1x16xi32>,
    %swap3A_80 = vector.shape_cast %swap3A_79 : vector<1x16xi32> to vector<16xi32>
    %swap3A_81 = vector.shape_cast %broadcast_in_dim3A_75 : vector<16xi32> to vector<1x16xi32>
    tpu.vector_store %arg7[%swap3A_77, %swap3A_78], %swap3A_81 {strides = array<i32>} : memref<82x128xi32, #tpu.memory_space<vmem>>, vector<1x16xi32>,
    %broadcast_in_dim3A_82 = arith.constant 0 : i32
    %broadcast_in_dim3A_83 = vector.broadcast %broadcast_in_dim3A_82 : i32 to vector<16xi32>
    %swap3A_84 = arith.constant 80 : i32
    %swap3A_85 = arith.index_cast %swap3A_84 : i32 to index
    %swap3A_86 = arith.constant 112 : index
    %swap3A_87 = tpu.vector_load %arg7[%swap3A_85, %swap3A_86] {strides = array<i32>} : memref<82x128xi32, #tpu.memory_space<vmem>>, vector<1x16xi32>,
    %swap3A_88 = vector.shape_cast %swap3A_87 : vector<1x16xi32> to vector<16xi32>
    %swap3A_89 = vector.shape_cast %broadcast_in_dim3A_83 : vector<16xi32> to vector<1x16xi32>
    tpu.vector_store %arg7[%swap3A_85, %swap3A_86], %swap3A_89 {strides = array<i32>} : memref<82x128xi32, #tpu.memory_space<vmem>>, vector<1x16xi32>,
    %broadcast_in_dim3A_90 = arith.constant 0 : i32
    %broadcast_in_dim3A_91 = vector.broadcast %broadcast_in_dim3A_90 : i32 to vector<16xi32>
    %swap3A_92 = arith.constant 81 : i32
    %swap3A_93 = arith.index_cast %swap3A_92 : i32 to index
    %swap3A_94 = arith.constant 0 : index
    %swap3A_95 = tpu.vector_load %arg7[%swap3A_93, %swap3A_94] {strides = array<i32>} : memref<82x128xi32, #tpu.memory_space<vmem>>, vector<1x16xi32>,
    %swap3A_96 = vector.shape_cast %swap3A_95 : vector<1x16xi32> to vector<16xi32>
    %swap3A_97 = vector.shape_cast %broadcast_in_dim3A_91 : vector<16xi32> to vector<1x16xi32>
    tpu.vector_store %arg7[%swap3A_93, %swap3A_94], %swap3A_97 {strides = array<i32>} : memref<82x128xi32, #tpu.memory_space<vmem>>, vector<1x16xi32>,
    %broadcast_in_dim3A_98 = arith.constant 0 : i32
    %broadcast_in_dim3A_99 = vector.broadcast %broadcast_in_dim3A_98 : i32 to vector<16xi32>
    %swap3A_100 = arith.constant 81 : i32
    %swap3A_101 = arith.index_cast %swap3A_100 : i32 to index
    %swap3A_102 = arith.constant 16 : index
    %swap3A_103 = tpu.vector_load %arg7[%swap3A_101, %swap3A_102] {strides = array<i32>} : memref<82x128xi32, #tpu.memory_space<vmem>>, vector<1x16xi32>,
    %swap3A_104 = vector.shape_cast %swap3A_103 : vector<1x16xi32> to vector<16xi32>
    %swap3A_105 = vector.shape_cast %broadcast_in_dim3A_99 : vector<16xi32> to vector<1x16xi32>
    tpu.vector_store %arg7[%swap3A_101, %swap3A_102], %swap3A_105 {strides = array<i32>} : memref<82x128xi32, #tpu.memory_space<vmem>>, vector<1x16xi32>,
    %broadcast_in_dim3A_106 = arith.constant 0 : i32
    %broadcast_in_dim3A_107 = vector.broadcast %broadcast_in_dim3A_106 : i32 to vector<16xi32>
    %swap3A_108 = arith.constant 81 : i32
    %swap3A_109 = arith.index_cast %swap3A_108 : i32 to index
    %swap3A_110 = arith.constant 32 : index
    %swap3A_111 = tpu.vector_load %arg7[%swap3A_109, %swap3A_110] {strides = array<i32>} : memref<82x128xi32, #tpu.memory_space<vmem>>, vector<1x16xi32>,
    %swap3A_112 = vector.shape_cast %swap3A_111 : vector<1x16xi32> to vector<16xi32>
    %swap3A_113 = vector.shape_cast %broadcast_in_dim3A_107 : vector<16xi32> to vector<1x16xi32>
    tpu.vector_store %arg7[%swap3A_109, %swap3A_110], %swap3A_113 {strides = array<i32>} : memref<82x128xi32, #tpu.memory_space<vmem>>, vector<1x16xi32>,
    %broadcast_in_dim3A_114 = arith.constant 0 : i32
    %broadcast_in_dim3A_115 = vector.broadcast %broadcast_in_dim3A_114 : i32 to vector<16xi32>
    %swap3A_116 = arith.constant 81 : i32
    %swap3A_117 = arith.index_cast %swap3A_116 : i32 to index
    %swap3A_118 = arith.constant 48 : index
    %swap3A_119 = tpu.vector_load %arg7[%swap3A_117, %swap3A_118] {strides = array<i32>} : memref<82x128xi32, #tpu.memory_space<vmem>>, vector<1x16xi32>,
    %swap3A_120 = vector.shape_cast %swap3A_119 : vector<1x16xi32> to vector<16xi32>
    %swap3A_121 = vector.shape_cast %broadcast_in_dim3A_115 : vector<16xi32> to vector<1x16xi32>
    tpu.vector_store %arg7[%swap3A_117, %swap3A_118], %swap3A_121 {strides = array<i32>} : memref<82x128xi32, #tpu.memory_space<vmem>>, vector<1x16xi32>,
    %broadcast_in_dim3A_122 = arith.constant 0 : i32
    %broadcast_in_dim3A_123 = vector.broadcast %broadcast_in_dim3A_122 : i32 to vector<16xi32>
    %swap3A_124 = arith.constant 81 : i32
    %swap3A_125 = arith.index_cast %swap3A_124 : i32 to index
    %swap3A_126 = arith.constant 64 : index
    %swap3A_127 = tpu.vector_load %arg7[%swap3A_125, %swap3A_126] {strides = array<i32>} : memref<82x128xi32, #tpu.memory_space<vmem>>, vector<1x16xi32>,
    %swap3A_128 = vector.shape_cast %swap3A_127 : vector<1x16xi32> to vector<16xi32>
    %swap3A_129 = vector.shape_cast %broadcast_in_dim3A_123 : vector<16xi32> to vector<1x16xi32>
    tpu.vector_store %arg7[%swap3A_125, %swap3A_126], %swap3A_129 {strides = array<i32>} : memref<82x128xi32, #tpu.memory_space<vmem>>, vector<1x16xi32>,
    %broadcast_in_dim3A_130 = arith.constant 0 : i32
    %broadcast_in_dim3A_131 = vector.broadcast %broadcast_in_dim3A_130 : i32 to vector<16xi32>
    %swap3A_132 = arith.constant 81 : i32
    %swap3A_133 = arith.index_cast %swap3A_132 : i32 to index
    %swap3A_134 = arith.constant 80 : index
    %swap3A_135 = tpu.vector_load %arg7[%swap3A_133, %swap3A_134] {strides = array<i32>} : memref<82x128xi32, #tpu.memory_space<vmem>>, vector<1x16xi32>,
    %swap3A_136 = vector.shape_cast %swap3A_135 : vector<1x16xi32> to vector<16xi32>
    %swap3A_137 = vector.shape_cast %broadcast_in_dim3A_131 : vector<16xi32> to vector<1x16xi32>
    tpu.vector_store %arg7[%swap3A_133, %swap3A_134], %swap3A_137 {strides = array<i32>} : memref<82x128xi32, #tpu.memory_space<vmem>>, vector<1x16xi32>,
    %broadcast_in_dim3A_138 = arith.constant 0 : i32
    %broadcast_in_dim3A_139 = vector.broadcast %broadcast_in_dim3A_138 : i32 to vector<16xi32>
    %swap3A_140 = arith.constant 81 : i32
    %swap3A_141 = arith.index_cast %swap3A_140 : i32 to index
    %swap3A_142 = arith.constant 96 : index
    %swap3A_143 = tpu.vector_load %arg7[%swap3A_141, %swap3A_142] {strides = array<i32>} : memref<82x128xi32, #tpu.memory_space<vmem>>, vector<1x16xi32>,
    %swap3A_144 = vector.shape_cast %swap3A_143 : vector<1x16xi32> to vector<16xi32>
    %swap3A_145 = vector.shape_cast %broadcast_in_dim3A_139 : vector<16xi32> to vector<1x16xi32>
    tpu.vector_store %arg7[%swap3A_141, %swap3A_142], %swap3A_145 {strides = array<i32>} : memref<82x128xi32, #tpu.memory_space<vmem>>, vector<1x16xi32>,
    %broadcast_in_dim3A_146 = arith.constant 0 : i32
    %broadcast_in_dim3A_147 = vector.broadcast %broadcast_in_dim3A_146 : i32 to vector<16xi32>
    %swap3A_148 = arith.constant 81 : i32
    %swap3A_149 = arith.index_cast %swap3A_148 : i32 to index
    %swap3A_150 = arith.constant 112 : index
    %swap3A_151 = tpu.vector_load %arg7[%swap3A_149, %swap3A_150] {strides = array<i32>} : memref<82x128xi32, #tpu.memory_space<vmem>>, vector<1x16xi32>,
    %swap3A_152 = vector.shape_cast %swap3A_151 : vector<1x16xi32> to vector<16xi32>
    %swap3A_153 = vector.shape_cast %broadcast_in_dim3A_147 : vector<16xi32> to vector<1x16xi32>
    tpu.vector_store %arg7[%swap3A_149, %swap3A_150], %swap3A_153 {strides = array<i32>} : memref<82x128xi32, #tpu.memory_space<vmem>>, vector<1x16xi32>,
    "tpu.region"() ({
      %run_scoped3A = tpu.sem_alloc : memref<!tpu.dma_semaphore, #tpu.memory_space<semaphore_mem>>
      %dma_start3A_210 = arith.constant 0 : i32
      %dma_start3A_211 = arith.constant 0 : i32
      %dma_start3A_212 = tpu.memref_slice %arg4[%add3A, %dma_start3A_210, %dma_start3A_211] : memref<32x80x128xi32, #tpu.memory_space<hbm>> -> memref<1x80x128xi32, #tpu.memory_space<hbm>>
      %dma_start3A_213 = tpu.memref_squeeze %dma_start3A_212 : memref<1x80x128xi32, #tpu.memory_space<hbm>> -> memref<80x128xi32, #tpu.memory_space<hbm>>
      %dma_start3A_214 = arith.constant 0 : i32
      %dma_start3A_215 = arith.constant 0 : i32
      %dma_start3A_216 = tpu.memref_slice %arg4[%add3A, %dma_start3A_214, %dma_start3A_215] : memref<32x80x128xi32, #tpu.memory_space<hbm>> -> memref<1x80x128xi32, #tpu.memory_space<hbm>>
      %dma_start3A_217 = tpu.memref_squeeze %dma_start3A_216 : memref<1x80x128xi32, #tpu.memory_space<hbm>> -> memref<80x128xi32, #tpu.memory_space<hbm>>
      tpu.enqueue_dma source(%dma_start3A_217 : memref<80x128xi32, #tpu.memory_space<hbm>>) target(%arg8 : memref<80x128xi32, #tpu.memory_space<vmem>>) target_semaphore(%run_scoped3A : memref<!tpu.dma_semaphore, #tpu.memory_space<semaphore_mem>>)
      %dma_wait3A_218 = arith.constant 0 : i32
      %dma_wait3A_219 = arith.constant 0 : i32
      %dma_wait3A_220 = tpu.memref_slice %arg4[%add3A, %dma_wait3A_218, %dma_wait3A_219] : memref<32x80x128xi32, #tpu.memory_space<hbm>> -> memref<1x80x128xi32, #tpu.memory_space<hbm>>
      %dma_wait3A_221 = tpu.memref_squeeze %dma_wait3A_220 : memref<1x80x128xi32, #tpu.memory_space<hbm>> -> memref<80x128xi32, #tpu.memory_space<hbm>>
      %dma_wait3A_222 = arith.constant 0 : i32
      %dma_wait3A_223 = arith.constant 0 : i32
      %dma_wait3A_224 = tpu.memref_slice %arg4[%add3A, %dma_wait3A_222, %dma_wait3A_223] : memref<32x80x128xi32, #tpu.memory_space<hbm>> -> memref<1x80x128xi32, #tpu.memory_space<hbm>>
      %dma_wait3A_225 = tpu.memref_squeeze %dma_wait3A_224 : memref<1x80x128xi32, #tpu.memory_space<hbm>> -> memref<80x128xi32, #tpu.memory_space<hbm>>
      tpu.wait_dma2 semaphore(%run_scoped3A : memref<!tpu.dma_semaphore, #tpu.memory_space<semaphore_mem>>) src(%dma_wait3A_225 : memref<80x128xi32, #tpu.memory_space<hbm>>) dst(%arg8 : memref<80x128xi32, #tpu.memory_space<vmem>>)
      tpu.yield
    }) : () -> ()
    %barrier3A = arith.constant 0 : index
    tpu.barrier barrier_id(%barrier3A)
    %dma_start3A = arith.constant 0 : i32
    %dma_start3A_154 = arith.constant 0 : i32
    %dma_start3A_155 = tpu.memref_slice %arg7[%dma_start3A, %dma_start3A_154] : memref<82x128xi32, #tpu.memory_space<vmem>> -> memref<1x128xi32, #tpu.memory_space<vmem>>
    %dma_start3A_156 = tpu.memref_squeeze %dma_start3A_155 : memref<1x128xi32, #tpu.memory_space<vmem>> -> memref<128xi32, #tpu.memory_space<vmem>>
    %dma_start3A_157 = arith.constant 0 : i32
    %dma_start3A_158 = arith.constant 0 : i32
    %dma_start3A_159 = tpu.memref_slice %arg14[%dma_start3A_157, %dma_start3A_158] : memref<10000x32xf32, #tpu.memory_space<vmem_shared>> -> memref<10000x32xf32, #tpu.memory_space<vmem_shared>>
    tpu.enqueue_indirect_dma source(%dma_start3A_159 : memref<10000x32xf32, #tpu.memory_space<vmem_shared>>) target(%arg9 : memref<128x32xf32, #tpu.memory_space<vmem>>) offsets(%dma_start3A_156 : memref<128xi32, #tpu.memory_space<vmem>>) semaphore(%arg16 : memref<!tpu.dma_semaphore, #tpu.memory_space<semaphore_mem>>)
    %dma_start3A_160 = arith.constant 1 : i32
    %dma_start3A_161 = arith.constant 0 : i32
    %dma_start3A_162 = tpu.memref_slice %arg7[%dma_start3A_160, %dma_start3A_161] : memref<82x128xi32, #tpu.memory_space<vmem>> -> memref<1x128xi32, #tpu.memory_space<vmem>>
    %dma_start3A_163 = tpu.memref_squeeze %dma_start3A_162 : memref<1x128xi32, #tpu.memory_space<vmem>> -> memref<128xi32, #tpu.memory_space<vmem>>
    %dma_start3A_164 = arith.constant 0 : i32
    %dma_start3A_165 = arith.constant 0 : i32
    %dma_start3A_166 = tpu.memref_slice %arg14[%dma_start3A_164, %dma_start3A_165] : memref<10000x32xf32, #tpu.memory_space<vmem_shared>> -> memref<10000x32xf32, #tpu.memory_space<vmem_shared>>
    tpu.enqueue_indirect_dma source(%dma_start3A_166 : memref<10000x32xf32, #tpu.memory_space<vmem_shared>>) target(%arg10 : memref<128x32xf32, #tpu.memory_space<vmem>>) offsets(%dma_start3A_163 : memref<128xi32, #tpu.memory_space<vmem>>) semaphore(%arg17 : memref<!tpu.dma_semaphore, #tpu.memory_space<semaphore_mem>>)
    %scan3A_167 = arith.constant 0 : i32
    %scan3A_168 = arith.constant 0 : i32
    %scan3A_169 = arith.constant 20 : i32
    %scan3A_170 = arith.addi %scan3A_168, %scan3A_169 : i32
    %scan3A_171 = arith.constant 1 : i32
    scf.for %scan3A_210 = %scan3A_168 to %scan3A_170 step %scan3A_171  : i32 {
      %mul3A_211 = arith.constant 4 : i32
      %mul3A_212 = arith.muli %mul3A_211, %scan3A_210 : i32
      %add3A_213 = arith.constant 0 : i32
      %add3A_214 = arith.addi %mul3A_212, %add3A_213 : i32
      %dma_wait3A_215 = arith.constant 0 : i32
      %dma_wait3A_216 = tpu.memref_slice %arg7[%add3A_214, %dma_wait3A_215] : memref<82x128xi32, #tpu.memory_space<vmem>> -> memref<1x128xi32, #tpu.memory_space<vmem>>
      %dma_wait3A_217 = tpu.memref_squeeze %dma_wait3A_216 : memref<1x128xi32, #tpu.memory_space<vmem>> -> memref<128xi32, #tpu.memory_space<vmem>>
      %dma_wait3A_218 = arith.constant 0 : i32
      %dma_wait3A_219 = arith.constant 0 : i32
      %dma_wait3A_220 = tpu.memref_slice %arg14[%dma_wait3A_218, %dma_wait3A_219] : memref<10000x32xf32, #tpu.memory_space<vmem_shared>> -> memref<10000x32xf32, #tpu.memory_space<vmem_shared>>
      tpu.wait_indirect_dma semaphore(%arg16 : memref<!tpu.dma_semaphore, #tpu.memory_space<semaphore_mem>>) src(%dma_wait3A_220 : memref<10000x32xf32, #tpu.memory_space<vmem_shared>>) dst(%arg9 : memref<128x32xf32, #tpu.memory_space<vmem>>)
      %dma_start3A_221 = arith.constant 0 : i32
      %dma_start3A_222 = tpu.memref_slice %arg8[%add3A_214, %dma_start3A_221] : memref<80x128xi32, #tpu.memory_space<vmem>> -> memref<1x128xi32, #tpu.memory_space<vmem>>
      %dma_start3A_223 = tpu.memref_squeeze %dma_start3A_222 : memref<1x128xi32, #tpu.memory_space<vmem>> -> memref<128xi32, #tpu.memory_space<vmem>>
      %dma_start3A_224 = arith.constant 0 : i32
      %dma_start3A_225 = arith.constant 0 : i32
      %dma_start3A_226 = tpu.memref_slice %arg15[%dma_start3A_224, %dma_start3A_225] : memref<10240x32xf32, #tpu.memory_space<vmem_shared>> -> memref<10240x32xf32, #tpu.memory_space<vmem_shared>>
      tpu.enqueue_indirect_dma source(%arg9 : memref<128x32xf32, #tpu.memory_space<vmem>>) target(%dma_start3A_226 : memref<10240x32xf32, #tpu.memory_space<vmem_shared>>) offsets(%dma_start3A_223 : memref<128xi32, #tpu.memory_space<vmem>>) semaphore(%arg20 : memref<!tpu.dma_semaphore, #tpu.memory_space<semaphore_mem>>) {add = true}
      %gt3A = arith.constant 0 : i32
      %gt3A_227 = arith.cmpi sgt, %scan3A_210, %gt3A : i32
      %or3A = arith.constant false
      %or3A_228 = arith.ori %gt3A_227, %or3A : i1
      %convert_element_type3A_229 = arith.extui %or3A_228 : i1 to i32
      %cond3A_230 = arith.constant 0 : i32
      %cond3A_231 = arith.cmpi ne, %convert_element_type3A_229, %cond3A_230 : i32
      scf.if %cond3A_231 {
        %dma_wait3A_333 = arith.constant 0 : i32
        %dma_wait3A_334 = tpu.memref_slice %arg8[%add3A_214, %dma_wait3A_333] : memref<80x128xi32, #tpu.memory_space<vmem>> -> memref<1x128xi32, #tpu.memory_space<vmem>>
        %dma_wait3A_335 = tpu.memref_squeeze %dma_wait3A_334 : memref<1x128xi32, #tpu.memory_space<vmem>> -> memref<128xi32, #tpu.memory_space<vmem>>
        %dma_wait3A_336 = arith.constant 0 : i32
        %dma_wait3A_337 = arith.constant 0 : i32
        %dma_wait3A_338 = tpu.memref_slice %arg15[%dma_wait3A_336, %dma_wait3A_337] : memref<10240x32xf32, #tpu.memory_space<vmem_shared>> -> memref<10240x32xf32, #tpu.memory_space<vmem_shared>>
        tpu.wait_indirect_dma semaphore(%arg22 : memref<!tpu.dma_semaphore, #tpu.memory_space<semaphore_mem>>) src(%arg11 : memref<128x32xf32, #tpu.memory_space<vmem>>) dst(%dma_wait3A_338 : memref<10240x32xf32, #tpu.memory_space<vmem_shared>>)
      } else {
      }
      %add3A_232 = arith.constant 2 : i32
      %add3A_233 = arith.addi %add3A_214, %add3A_232 : i32
      %dma_start3A_234 = arith.constant 0 : i32
      %dma_start3A_235 = tpu.memref_slice %arg7[%add3A_233, %dma_start3A_234] : memref<82x128xi32, #tpu.memory_space<vmem>> -> memref<1x128xi32, #tpu.memory_space<vmem>>
      %dma_start3A_236 = tpu.memref_squeeze %dma_start3A_235 : memref<1x128xi32, #tpu.memory_space<vmem>> -> memref<128xi32, #tpu.memory_space<vmem>>
      %dma_start3A_237 = arith.constant 0 : i32
      %dma_start3A_238 = arith.constant 0 : i32
      %dma_start3A_239 = tpu.memref_slice %arg14[%dma_start3A_237, %dma_start3A_238] : memref<10000x32xf32, #tpu.memory_space<vmem_shared>> -> memref<10000x32xf32, #tpu.memory_space<vmem_shared>>
      tpu.enqueue_indirect_dma source(%dma_start3A_239 : memref<10000x32xf32, #tpu.memory_space<vmem_shared>>) target(%arg11 : memref<128x32xf32, #tpu.memory_space<vmem>>) offsets(%dma_start3A_236 : memref<128xi32, #tpu.memory_space<vmem>>) semaphore(%arg18 : memref<!tpu.dma_semaphore, #tpu.memory_space<semaphore_mem>>)
      %mul3A_240 = arith.constant 4 : i32
      %mul3A_241 = arith.muli %mul3A_240, %scan3A_210 : i32
      %add3A_242 = arith.constant 1 : i32
      %add3A_243 = arith.addi %mul3A_241, %add3A_242 : i32
      %dma_wait3A_244 = arith.constant 0 : i32
      %dma_wait3A_245 = tpu.memref_slice %arg7[%add3A_243, %dma_wait3A_244] : memref<82x128xi32, #tpu.memory_space<vmem>> -> memref<1x128xi32, #tpu.memory_space<vmem>>
      %dma_wait3A_246 = tpu.memref_squeeze %dma_wait3A_245 : memref<1x128xi32, #tpu.memory_space<vmem>> -> memref<128xi32, #tpu.memory_space<vmem>>
      %dma_wait3A_247 = arith.constant 0 : i32
      %dma_wait3A_248 = arith.constant 0 : i32
      %dma_wait3A_249 = tpu.memref_slice %arg14[%dma_wait3A_247, %dma_wait3A_248] : memref<10000x32xf32, #tpu.memory_space<vmem_shared>> -> memref<10000x32xf32, #tpu.memory_space<vmem_shared>>
      tpu.wait_indirect_dma semaphore(%arg17 : memref<!tpu.dma_semaphore, #tpu.memory_space<semaphore_mem>>) src(%dma_wait3A_249 : memref<10000x32xf32, #tpu.memory_space<vmem_shared>>) dst(%arg10 : memref<128x32xf32, #tpu.memory_space<vmem>>)
      %dma_start3A_250 = arith.constant 0 : i32
      %dma_start3A_251 = tpu.memref_slice %arg8[%add3A_243, %dma_start3A_250] : memref<80x128xi32, #tpu.memory_space<vmem>> -> memref<1x128xi32, #tpu.memory_space<vmem>>
      %dma_start3A_252 = tpu.memref_squeeze %dma_start3A_251 : memref<1x128xi32, #tpu.memory_space<vmem>> -> memref<128xi32, #tpu.memory_space<vmem>>
      %dma_start3A_253 = arith.constant 0 : i32
      %dma_start3A_254 = arith.constant 0 : i32
      %dma_start3A_255 = tpu.memref_slice %arg15[%dma_start3A_253, %dma_start3A_254] : memref<10240x32xf32, #tpu.memory_space<vmem_shared>> -> memref<10240x32xf32, #tpu.memory_space<vmem_shared>>
      tpu.enqueue_indirect_dma source(%arg10 : memref<128x32xf32, #tpu.memory_space<vmem>>) target(%dma_start3A_255 : memref<10240x32xf32, #tpu.memory_space<vmem_shared>>) offsets(%dma_start3A_252 : memref<128xi32, #tpu.memory_space<vmem>>) semaphore(%arg21 : memref<!tpu.dma_semaphore, #tpu.memory_space<semaphore_mem>>) {add = true}
      %gt3A_256 = arith.constant 0 : i32
      %gt3A_257 = arith.cmpi sgt, %scan3A_210, %gt3A_256 : i32
      %or3A_258 = arith.constant false
      %or3A_259 = arith.ori %gt3A_257, %or3A_258 : i1
      %convert_element_type3A_260 = arith.extui %or3A_259 : i1 to i32
      %cond3A_261 = arith.constant 0 : i32
      %cond3A_262 = arith.cmpi ne, %convert_element_type3A_260, %cond3A_261 : i32
      scf.if %cond3A_262 {
        %dma_wait3A_333 = arith.constant 0 : i32
        %dma_wait3A_334 = tpu.memref_slice %arg8[%add3A_243, %dma_wait3A_333] : memref<80x128xi32, #tpu.memory_space<vmem>> -> memref<1x128xi32, #tpu.memory_space<vmem>>
        %dma_wait3A_335 = tpu.memref_squeeze %dma_wait3A_334 : memref<1x128xi32, #tpu.memory_space<vmem>> -> memref<128xi32, #tpu.memory_space<vmem>>
        %dma_wait3A_336 = arith.constant 0 : i32
        %dma_wait3A_337 = arith.constant 0 : i32
        %dma_wait3A_338 = tpu.memref_slice %arg15[%dma_wait3A_336, %dma_wait3A_337] : memref<10240x32xf32, #tpu.memory_space<vmem_shared>> -> memref<10240x32xf32, #tpu.memory_space<vmem_shared>>
        tpu.wait_indirect_dma semaphore(%arg23 : memref<!tpu.dma_semaphore, #tpu.memory_space<semaphore_mem>>) src(%arg12 : memref<128x32xf32, #tpu.memory_space<vmem>>) dst(%dma_wait3A_338 : memref<10240x32xf32, #tpu.memory_space<vmem_shared>>)
      } else {
      }
      %add3A_263 = arith.constant 2 : i32
      %add3A_264 = arith.addi %add3A_243, %add3A_263 : i32
      %dma_start3A_265 = arith.constant 0 : i32
      %dma_start3A_266 = tpu.memref_slice %arg7[%add3A_264, %dma_start3A_265] : memref<82x128xi32, #tpu.memory_space<vmem>> -> memref<1x128xi32, #tpu.memory_space<vmem>>
      %dma_start3A_267 = tpu.memref_squeeze %dma_start3A_266 : memref<1x128xi32, #tpu.memory_space<vmem>> -> memref<128xi32, #tpu.memory_space<vmem>>
      %dma_start3A_268 = arith.constant 0 : i32
      %dma_start3A_269 = arith.constant 0 : i32
      %dma_start3A_270 = tpu.memref_slice %arg14[%dma_start3A_268, %dma_start3A_269] : memref<10000x32xf32, #tpu.memory_space<vmem_shared>> -> memref<10000x32xf32, #tpu.memory_space<vmem_shared>>
      tpu.enqueue_indirect_dma source(%dma_start3A_270 : memref<10000x32xf32, #tpu.memory_space<vmem_shared>>) target(%arg12 : memref<128x32xf32, #tpu.memory_space<vmem>>) offsets(%dma_start3A_267 : memref<128xi32, #tpu.memory_space<vmem>>) semaphore(%arg19 : memref<!tpu.dma_semaphore, #tpu.memory_space<semaphore_mem>>)
      %mul3A_271 = arith.constant 4 : i32
      %mul3A_272 = arith.muli %mul3A_271, %scan3A_210 : i32
      %add3A_273 = arith.constant 2 : i32
      %add3A_274 = arith.addi %mul3A_272, %add3A_273 : i32
      %dma_wait3A_275 = arith.constant 0 : i32
      %dma_wait3A_276 = tpu.memref_slice %arg7[%add3A_274, %dma_wait3A_275] : memref<82x128xi32, #tpu.memory_space<vmem>> -> memref<1x128xi32, #tpu.memory_space<vmem>>
      %dma_wait3A_277 = tpu.memref_squeeze %dma_wait3A_276 : memref<1x128xi32, #tpu.memory_space<vmem>> -> memref<128xi32, #tpu.memory_space<vmem>>
      %dma_wait3A_278 = arith.constant 0 : i32
      %dma_wait3A_279 = arith.constant 0 : i32
      %dma_wait3A_280 = tpu.memref_slice %arg14[%dma_wait3A_278, %dma_wait3A_279] : memref<10000x32xf32, #tpu.memory_space<vmem_shared>> -> memref<10000x32xf32, #tpu.memory_space<vmem_shared>>
      tpu.wait_indirect_dma semaphore(%arg18 : memref<!tpu.dma_semaphore, #tpu.memory_space<semaphore_mem>>) src(%dma_wait3A_280 : memref<10000x32xf32, #tpu.memory_space<vmem_shared>>) dst(%arg11 : memref<128x32xf32, #tpu.memory_space<vmem>>)
      %dma_start3A_281 = arith.constant 0 : i32
      %dma_start3A_282 = tpu.memref_slice %arg8[%add3A_274, %dma_start3A_281] : memref<80x128xi32, #tpu.memory_space<vmem>> -> memref<1x128xi32, #tpu.memory_space<vmem>>
      %dma_start3A_283 = tpu.memref_squeeze %dma_start3A_282 : memref<1x128xi32, #tpu.memory_space<vmem>> -> memref<128xi32, #tpu.memory_space<vmem>>
      %dma_start3A_284 = arith.constant 0 : i32
      %dma_start3A_285 = arith.constant 0 : i32
      %dma_start3A_286 = tpu.memref_slice %arg15[%dma_start3A_284, %dma_start3A_285] : memref<10240x32xf32, #tpu.memory_space<vmem_shared>> -> memref<10240x32xf32, #tpu.memory_space<vmem_shared>>
      tpu.enqueue_indirect_dma source(%arg11 : memref<128x32xf32, #tpu.memory_space<vmem>>) target(%dma_start3A_286 : memref<10240x32xf32, #tpu.memory_space<vmem_shared>>) offsets(%dma_start3A_283 : memref<128xi32, #tpu.memory_space<vmem>>) semaphore(%arg22 : memref<!tpu.dma_semaphore, #tpu.memory_space<semaphore_mem>>) {add = true}
      %gt3A_287 = arith.constant 0 : i32
      %gt3A_288 = arith.cmpi sgt, %scan3A_210, %gt3A_287 : i32
      %or3A_289 = arith.constant true
      %or3A_290 = arith.ori %gt3A_288, %or3A_289 : i1
      %convert_element_type3A_291 = arith.extui %or3A_290 : i1 to i32
      %cond3A_292 = arith.constant 0 : i32
      %cond3A_293 = arith.cmpi ne, %convert_element_type3A_291, %cond3A_292 : i32
      scf.if %cond3A_293 {
        %dma_wait3A_333 = arith.constant 0 : i32
        %dma_wait3A_334 = tpu.memref_slice %arg8[%add3A_274, %dma_wait3A_333] : memref<80x128xi32, #tpu.memory_space<vmem>> -> memref<1x128xi32, #tpu.memory_space<vmem>>
        %dma_wait3A_335 = tpu.memref_squeeze %dma_wait3A_334 : memref<1x128xi32, #tpu.memory_space<vmem>> -> memref<128xi32, #tpu.memory_space<vmem>>
        %dma_wait3A_336 = arith.constant 0 : i32
        %dma_wait3A_337 = arith.constant 0 : i32
        %dma_wait3A_338 = tpu.memref_slice %arg15[%dma_wait3A_336, %dma_wait3A_337] : memref<10240x32xf32, #tpu.memory_space<vmem_shared>> -> memref<10240x32xf32, #tpu.memory_space<vmem_shared>>
        tpu.wait_indirect_dma semaphore(%arg20 : memref<!tpu.dma_semaphore, #tpu.memory_space<semaphore_mem>>) src(%arg9 : memref<128x32xf32, #tpu.memory_space<vmem>>) dst(%dma_wait3A_338 : memref<10240x32xf32, #tpu.memory_space<vmem_shared>>)
      } else {
      }
      %add3A_294 = arith.constant 2 : i32
      %add3A_295 = arith.addi %add3A_274, %add3A_294 : i32
      %dma_start3A_296 = arith.constant 0 : i32
      %dma_start3A_297 = tpu.memref_slice %arg7[%add3A_295, %dma_start3A_296] : memref<82x128xi32, #tpu.memory_space<vmem>> -> memref<1x128xi32, #tpu.memory_space<vmem>>
      %dma_start3A_298 = tpu.memref_squeeze %dma_start3A_297 : memref<1x128xi32, #tpu.memory_space<vmem>> -> memref<128xi32, #tpu.memory_space<vmem>>
      %dma_start3A_299 = arith.constant 0 : i32
      %dma_start3A_300 = arith.constant 0 : i32
      %dma_start3A_301 = tpu.memref_slice %arg14[%dma_start3A_299, %dma_start3A_300] : memref<10000x32xf32, #tpu.memory_space<vmem_shared>> -> memref<10000x32xf32, #tpu.memory_space<vmem_shared>>
      tpu.enqueue_indirect_dma source(%dma_start3A_301 : memref<10000x32xf32, #tpu.memory_space<vmem_shared>>) target(%arg9 : memref<128x32xf32, #tpu.memory_space<vmem>>) offsets(%dma_start3A_298 : memref<128xi32, #tpu.memory_space<vmem>>) semaphore(%arg16 : memref<!tpu.dma_semaphore, #tpu.memory_space<semaphore_mem>>)
      %mul3A_302 = arith.constant 4 : i32
      %mul3A_303 = arith.muli %mul3A_302, %scan3A_210 : i32
      %add3A_304 = arith.constant 3 : i32
      %add3A_305 = arith.addi %mul3A_303, %add3A_304 : i32
      %dma_wait3A_306 = arith.constant 0 : i32
      %dma_wait3A_307 = tpu.memref_slice %arg7[%add3A_305, %dma_wait3A_306] : memref<82x128xi32, #tpu.memory_space<vmem>> -> memref<1x128xi32, #tpu.memory_space<vmem>>
      %dma_wait3A_308 = tpu.memref_squeeze %dma_wait3A_307 : memref<1x128xi32, #tpu.memory_space<vmem>> -> memref<128xi32, #tpu.memory_space<vmem>>
      %dma_wait3A_309 = arith.constant 0 : i32
      %dma_wait3A_310 = arith.constant 0 : i32
      %dma_wait3A_311 = tpu.memref_slice %arg14[%dma_wait3A_309, %dma_wait3A_310] : memref<10000x32xf32, #tpu.memory_space<vmem_shared>> -> memref<10000x32xf32, #tpu.memory_space<vmem_shared>>
      tpu.wait_indirect_dma semaphore(%arg19 : memref<!tpu.dma_semaphore, #tpu.memory_space<semaphore_mem>>) src(%dma_wait3A_311 : memref<10000x32xf32, #tpu.memory_space<vmem_shared>>) dst(%arg12 : memref<128x32xf32, #tpu.memory_space<vmem>>)
      %dma_start3A_312 = arith.constant 0 : i32
      %dma_start3A_313 = tpu.memref_slice %arg8[%add3A_305, %dma_start3A_312] : memref<80x128xi32, #tpu.memory_space<vmem>> -> memref<1x128xi32, #tpu.memory_space<vmem>>
      %dma_start3A_314 = tpu.memref_squeeze %dma_start3A_313 : memref<1x128xi32, #tpu.memory_space<vmem>> -> memref<128xi32, #tpu.memory_space<vmem>>
      %dma_start3A_315 = arith.constant 0 : i32
      %dma_start3A_316 = arith.constant 0 : i32
      %dma_start3A_317 = tpu.memref_slice %arg15[%dma_start3A_315, %dma_start3A_316] : memref<10240x32xf32, #tpu.memory_space<vmem_shared>> -> memref<10240x32xf32, #tpu.memory_space<vmem_shared>>
      tpu.enqueue_indirect_dma source(%arg12 : memref<128x32xf32, #tpu.memory_space<vmem>>) target(%dma_start3A_317 : memref<10240x32xf32, #tpu.memory_space<vmem_shared>>) offsets(%dma_start3A_314 : memref<128xi32, #tpu.memory_space<vmem>>) semaphore(%arg23 : memref<!tpu.dma_semaphore, #tpu.memory_space<semaphore_mem>>) {add = true}
      %gt3A_318 = arith.constant 0 : i32
      %gt3A_319 = arith.cmpi sgt, %scan3A_210, %gt3A_318 : i32
      %or3A_320 = arith.constant true
      %or3A_321 = arith.ori %gt3A_319, %or3A_320 : i1
      %convert_element_type3A_322 = arith.extui %or3A_321 : i1 to i32
      %cond3A_323 = arith.constant 0 : i32
      %cond3A_324 = arith.cmpi ne, %convert_element_type3A_322, %cond3A_323 : i32
      scf.if %cond3A_324 {
        %dma_wait3A_333 = arith.constant 0 : i32
        %dma_wait3A_334 = tpu.memref_slice %arg8[%add3A_305, %dma_wait3A_333] : memref<80x128xi32, #tpu.memory_space<vmem>> -> memref<1x128xi32, #tpu.memory_space<vmem>>
        %dma_wait3A_335 = tpu.memref_squeeze %dma_wait3A_334 : memref<1x128xi32, #tpu.memory_space<vmem>> -> memref<128xi32, #tpu.memory_space<vmem>>
        %dma_wait3A_336 = arith.constant 0 : i32
        %dma_wait3A_337 = arith.constant 0 : i32
        %dma_wait3A_338 = tpu.memref_slice %arg15[%dma_wait3A_336, %dma_wait3A_337] : memref<10240x32xf32, #tpu.memory_space<vmem_shared>> -> memref<10240x32xf32, #tpu.memory_space<vmem_shared>>
        tpu.wait_indirect_dma semaphore(%arg21 : memref<!tpu.dma_semaphore, #tpu.memory_space<semaphore_mem>>) src(%arg10 : memref<128x32xf32, #tpu.memory_space<vmem>>) dst(%dma_wait3A_338 : memref<10240x32xf32, #tpu.memory_space<vmem_shared>>)
      } else {
      }
      %add3A_325 = arith.constant 2 : i32
      %add3A_326 = arith.addi %add3A_305, %add3A_325 : i32
      %dma_start3A_327 = arith.constant 0 : i32
      %dma_start3A_328 = tpu.memref_slice %arg7[%add3A_326, %dma_start3A_327] : memref<82x128xi32, #tpu.memory_space<vmem>> -> memref<1x128xi32, #tpu.memory_space<vmem>>
      %dma_start3A_329 = tpu.memref_squeeze %dma_start3A_328 : memref<1x128xi32, #tpu.memory_space<vmem>> -> memref<128xi32, #tpu.memory_space<vmem>>
      %dma_start3A_330 = arith.constant 0 : i32
      %dma_start3A_331 = arith.constant 0 : i32
      %dma_start3A_332 = tpu.memref_slice %arg14[%dma_start3A_330, %dma_start3A_331] : memref<10000x32xf32, #tpu.memory_space<vmem_shared>> -> memref<10000x32xf32, #tpu.memory_space<vmem_shared>>
      tpu.enqueue_indirect_dma source(%dma_start3A_332 : memref<10000x32xf32, #tpu.memory_space<vmem_shared>>) target(%arg10 : memref<128x32xf32, #tpu.memory_space<vmem>>) offsets(%dma_start3A_329 : memref<128xi32, #tpu.memory_space<vmem>>) semaphore(%arg17 : memref<!tpu.dma_semaphore, #tpu.memory_space<semaphore_mem>>)
    }
    %scan3A_172 = arith.constant 20 : i32
    %dma_wait3A = arith.constant 80 : i32
    %dma_wait3A_173 = arith.constant 0 : i32
    %dma_wait3A_174 = tpu.memref_slice %arg7[%dma_wait3A, %dma_wait3A_173] : memref<82x128xi32, #tpu.memory_space<vmem>> -> memref<1x128xi32, #tpu.memory_space<vmem>>
    %dma_wait3A_175 = tpu.memref_squeeze %dma_wait3A_174 : memref<1x128xi32, #tpu.memory_space<vmem>> -> memref<128xi32, #tpu.memory_space<vmem>>
    %dma_wait3A_176 = arith.constant 0 : i32
    %dma_wait3A_177 = arith.constant 0 : i32
    %dma_wait3A_178 = tpu.memref_slice %arg14[%dma_wait3A_176, %dma_wait3A_177] : memref<10000x32xf32, #tpu.memory_space<vmem_shared>> -> memref<10000x32xf32, #tpu.memory_space<vmem_shared>>
    tpu.wait_indirect_dma semaphore(%arg16 : memref<!tpu.dma_semaphore, #tpu.memory_space<semaphore_mem>>) src(%dma_wait3A_178 : memref<10000x32xf32, #tpu.memory_space<vmem_shared>>) dst(%arg9 : memref<128x32xf32, #tpu.memory_space<vmem>>)
    %dma_wait3A_179 = arith.constant 81 : i32
    %dma_wait3A_180 = arith.constant 0 : i32
    %dma_wait3A_181 = tpu.memref_slice %arg7[%dma_wait3A_179, %dma_wait3A_180] : memref<82x128xi32, #tpu.memory_space<vmem>> -> memref<1x128xi32, #tpu.memory_space<vmem>>
    %dma_wait3A_182 = tpu.memref_squeeze %dma_wait3A_181 : memref<1x128xi32, #tpu.memory_space<vmem>> -> memref<128xi32, #tpu.memory_space<vmem>>
    %dma_wait3A_183 = arith.constant 0 : i32
    %dma_wait3A_184 = arith.constant 0 : i32
    %dma_wait3A_185 = tpu.memref_slice %arg14[%dma_wait3A_183, %dma_wait3A_184] : memref<10000x32xf32, #tpu.memory_space<vmem_shared>> -> memref<10000x32xf32, #tpu.memory_space<vmem_shared>>
    tpu.wait_indirect_dma semaphore(%arg17 : memref<!tpu.dma_semaphore, #tpu.memory_space<semaphore_mem>>) src(%dma_wait3A_185 : memref<10000x32xf32, #tpu.memory_space<vmem_shared>>) dst(%arg10 : memref<128x32xf32, #tpu.memory_space<vmem>>)
    %dma_wait3A_186 = arith.constant 0 : i32
    %dma_wait3A_187 = arith.constant 0 : i32
    %dma_wait3A_188 = tpu.memref_slice %arg8[%dma_wait3A_186, %dma_wait3A_187] : memref<80x128xi32, #tpu.memory_space<vmem>> -> memref<1x128xi32, #tpu.memory_space<vmem>>
    %dma_wait3A_189 = tpu.memref_squeeze %dma_wait3A_188 : memref<1x128xi32, #tpu.memory_space<vmem>> -> memref<128xi32, #tpu.memory_space<vmem>>
    %dma_wait3A_190 = arith.constant 0 : i32
    %dma_wait3A_191 = arith.constant 0 : i32
    %dma_wait3A_192 = tpu.memref_slice %arg15[%dma_wait3A_190, %dma_wait3A_191] : memref<10240x32xf32, #tpu.memory_space<vmem_shared>> -> memref<10240x32xf32, #tpu.memory_space<vmem_shared>>
    tpu.wait_indirect_dma semaphore(%arg22 : memref<!tpu.dma_semaphore, #tpu.memory_space<semaphore_mem>>) src(%arg11 : memref<128x32xf32, #tpu.memory_space<vmem>>) dst(%dma_wait3A_192 : memref<10240x32xf32, #tpu.memory_space<vmem_shared>>)
    %dma_wait3A_193 = arith.constant 0 : i32
    %dma_wait3A_194 = arith.constant 0 : i32
    %dma_wait3A_195 = tpu.memref_slice %arg8[%dma_wait3A_193, %dma_wait3A_194] : memref<80x128xi32, #tpu.memory_space<vmem>> -> memref<1x128xi32, #tpu.memory_space<vmem>>
    %dma_wait3A_196 = tpu.memref_squeeze %dma_wait3A_195 : memref<1x128xi32, #tpu.memory_space<vmem>> -> memref<128xi32, #tpu.memory_space<vmem>>
    %dma_wait3A_197 = arith.constant 0 : i32
    %dma_wait3A_198 = arith.constant 0 : i32
    %dma_wait3A_199 = tpu.memref_slice %arg15[%dma_wait3A_197, %dma_wait3A_198] : memref<10240x32xf32, #tpu.memory_space<vmem_shared>> -> memref<10240x32xf32, #tpu.memory_space<vmem_shared>>
    tpu.wait_indirect_dma semaphore(%arg23 : memref<!tpu.dma_semaphore, #tpu.memory_space<semaphore_mem>>) src(%arg12 : memref<128x32xf32, #tpu.memory_space<vmem>>) dst(%dma_wait3A_199 : memref<10240x32xf32, #tpu.memory_space<vmem_shared>>)
    %barrier3A_200 = arith.constant 0 : index
    tpu.barrier barrier_id(%barrier3A_200)
    %mul3A_201 = arith.constant 640 : i32
    %mul3A_202 = arith.muli %arg1, %mul3A_201 : i32
    %eq3A = arith.constant 0 : i32
    %eq3A_203 = arith.cmpi eq, %arg0, %eq3A : i32
    %convert_element_type3A = arith.extui %eq3A_203 : i1 to i32
    %cond3A = arith.constant 0 : i32
    %cond3A_204 = arith.cmpi ne, %convert_element_type3A, %cond3A : i32
    scf.if %cond3A_204 {
      "tpu.region"() ({
        %run_scoped3A = tpu.sem_alloc : memref<!tpu.dma_semaphore, #tpu.memory_space<semaphore_mem>>
        %dma_start3A_210 = arith.constant 0 : i32
        %dma_start3A_211 = tpu.memref_slice %arg5[%mul3A_202, %dma_start3A_210] : memref<10240x32xf32, #tpu.memory_space<hbm>> -> memref<640x32xf32, #tpu.memory_space<hbm>>
        %dma_start3A_212 = arith.constant 0 : i32
        %dma_start3A_213 = tpu.memref_slice %arg15[%mul3A_202, %dma_start3A_212] : memref<10240x32xf32, #tpu.memory_space<vmem_shared>> -> memref<640x32xf32, #tpu.memory_space<vmem_shared>>
        tpu.enqueue_dma source(%dma_start3A_213 : memref<640x32xf32, #tpu.memory_space<vmem_shared>>) target(%dma_start3A_211 : memref<640x32xf32, #tpu.memory_space<hbm>>) target_semaphore(%run_scoped3A : memref<!tpu.dma_semaphore, #tpu.memory_space<semaphore_mem>>)
        %dma_wait3A_214 = arith.constant 0 : i32
        %dma_wait3A_215 = tpu.memref_slice %arg5[%mul3A_202, %dma_wait3A_214] : memref<10240x32xf32, #tpu.memory_space<hbm>> -> memref<640x32xf32, #tpu.memory_space<hbm>>
        %dma_wait3A_216 = arith.constant 0 : i32
        %dma_wait3A_217 = tpu.memref_slice %arg15[%mul3A_202, %dma_wait3A_216] : memref<10240x32xf32, #tpu.memory_space<vmem_shared>> -> memref<640x32xf32, #tpu.memory_space<vmem_shared>>
        tpu.wait_dma2 semaphore(%run_scoped3A : memref<!tpu.dma_semaphore, #tpu.memory_space<semaphore_mem>>) src(%dma_wait3A_217 : memref<640x32xf32, #tpu.memory_space<vmem_shared>>) dst(%dma_wait3A_215 : memref<640x32xf32, #tpu.memory_space<hbm>>)
        tpu.yield
      }) : () -> ()
    } else {
    }
    %eq3A_205 = arith.constant 1 : i32
    %eq3A_206 = arith.cmpi eq, %arg0, %eq3A_205 : i32
    %convert_element_type3A_207 = arith.extui %eq3A_206 : i1 to i32
    %cond3A_208 = arith.constant 0 : i32
    %cond3A_209 = arith.cmpi ne, %convert_element_type3A_207, %cond3A_208 : i32
    scf.if %cond3A_209 {
      "tpu.region"() ({
        %run_scoped3A = tpu.sem_alloc : memref<!tpu.dma_semaphore, #tpu.memory_space<semaphore_mem>>
        %dma_start3A_210 = arith.constant 0 : i32
        %dma_start3A_211 = tpu.memref_slice %arg6[%mul3A_202, %dma_start3A_210] : memref<10240x32xf32, #tpu.memory_space<hbm>> -> memref<640x32xf32, #tpu.memory_space<hbm>>
        %dma_start3A_212 = arith.constant 0 : i32
        %dma_start3A_213 = tpu.memref_slice %arg15[%mul3A_202, %dma_start3A_212] : memref<10240x32xf32, #tpu.memory_space<vmem_shared>> -> memref<640x32xf32, #tpu.memory_space<vmem_shared>>
        tpu.enqueue_dma source(%dma_start3A_213 : memref<640x32xf32, #tpu.memory_space<vmem_shared>>) target(%dma_start3A_211 : memref<640x32xf32, #tpu.memory_space<hbm>>) target_semaphore(%run_scoped3A : memref<!tpu.dma_semaphore, #tpu.memory_space<semaphore_mem>>)
        %dma_wait3A_214 = arith.constant 0 : i32
        %dma_wait3A_215 = tpu.memref_slice %arg6[%mul3A_202, %dma_wait3A_214] : memref<10240x32xf32, #tpu.memory_space<hbm>> -> memref<640x32xf32, #tpu.memory_space<hbm>>
        %dma_wait3A_216 = arith.constant 0 : i32
        %dma_wait3A_217 = tpu.memref_slice %arg15[%mul3A_202, %dma_wait3A_216] : memref<10240x32xf32, #tpu.memory_space<vmem_shared>> -> memref<640x32xf32, #tpu.memory_space<vmem_shared>>
        tpu.wait_dma2 semaphore(%run_scoped3A : memref<!tpu.dma_semaphore, #tpu.memory_space<semaphore_mem>>) src(%dma_wait3A_217 : memref<640x32xf32, #tpu.memory_space<vmem_shared>>) dst(%dma_wait3A_215 : memref<640x32xf32, #tpu.memory_space<hbm>>)
        tpu.yield
      }) : () -> ()
    } else {
    }
    return
  }
}

module attributes {stable_mosaic.version = 14 : i64} {
  func.func @_g1_body(%arg0: i32, %arg1: memref<1024x128xf32, #tpu.memory_space<vmem>>, %arg2: memref<128x32xf32, #tpu.memory_space<vmem>>, %arg3: memref<1024x1xf32, #tpu.memory_space<vmem>>, %arg4: memref<1024x1xf32, #tpu.memory_space<vmem>>, %arg5: memref<1024x32xf32, #tpu.memory_space<vmem>>) attributes {dimension_semantics = [#tpu.dimension_semantics<arbitrary>], iteration_bounds = array<i64: 10>, scalar_prefetch = 0 : i64, scratch_operands = 0 : i64, tpu.core_type = #tpu.core_type<tc>, window_params = [{transform_indices = @transform_0, window_bounds = array<i64: 1024, 128>}, {pipeline_mode = #tpu.pipeline_mode<synchronous>, transform_indices = @transform_1, window_bounds = array<i64: 128, 32>}, {transform_indices = @transform_2, window_bounds = array<i64: 1024, 1>}, {transform_indices = @transform_3, window_bounds = array<i64: 1024, 1>}, {transform_indices = @transform_4, window_bounds = array<i64: 1024, 32>}]} {
    %get3A = arith.constant 0 : index
    %get3A_0 = arith.constant 0 : index
    %get3A_1 = vector.load %arg3[%get3A, %get3A_0] : memref<1024x1xf32, #tpu.memory_space<vmem>>, vector<1024x1xf32>
    %add3A = arith.constant 1.000000e+00 : f32
    %add3A_2 = vector.broadcast %add3A : f32 to vector<1024x1xf32>
    %add3A_3 = arith.addf %add3A_2, %get3A_1 : vector<1024x1xf32>
    %get3A_4 = arith.constant 0 : index
    %get3A_5 = arith.constant 0 : index
    %get3A_6 = vector.load %arg4[%get3A_4, %get3A_5] : memref<1024x1xf32, #tpu.memory_space<vmem>>, vector<1024x1xf32>
    %add3A_7 = arith.addf %add3A_3, %get3A_6 : vector<1024x1xf32>
    %rsqrt3A = math.rsqrt %add3A_7 : vector<1024x1xf32>
    %get3A_8 = arith.constant 0 : index
    %get3A_9 = arith.constant 0 : index
    %get3A_10 = vector.load %arg1[%get3A_8, %get3A_9] : memref<1024x128xf32, #tpu.memory_space<vmem>>, vector<1024x128xf32>
    %get3A_11 = arith.constant 0 : index
    %get3A_12 = arith.constant 0 : index
    %get3A_13 = vector.load %arg2[%get3A_11, %get3A_12] : memref<128x32xf32, #tpu.memory_space<vmem>>, vector<128x32xf32>
    %dot_general3A = arith.constant dense<0.000000e+00> : vector<1024x32xf32>
    %dot_general3A_14 = tpu.matmul %get3A_10, %get3A_13, %dot_general3A {dimension_numbers = #tpu.dot_dimension_numbers<[1], [0], [0], [1], [0, 0, 1, 1], [], []>, transpose_lhs_hint = false} : vector<1024x128xf32>, vector<128x32xf32>, vector<1024x32xf32> -> vector<1024x32xf32>
    %mul3A = vector.broadcast %rsqrt3A : vector<1024x1xf32> to vector<1024x32xf32>
    %mul3A_15 = arith.mulf %dot_general3A_14, %mul3A : vector<1024x32xf32>
    %swap3A = arith.constant 0 : index
    %swap3A_16 = arith.constant 0 : index
    %swap3A_17 = vector.load %arg5[%swap3A, %swap3A_16] : memref<1024x32xf32, #tpu.memory_space<vmem>>, vector<1024x32xf32>
    tpu.vector_store %arg5[%swap3A, %swap3A_16], %mul3A_15 {strides = array<i32>} : memref<1024x32xf32, #tpu.memory_space<vmem>>, vector<1024x32xf32>,
    return
  }
  func.func @transform_0(%arg0: i32) -> (i32, i32) {
    %c0_i32 = arith.constant 0 : i32
    %c0_i32_0 = arith.constant 0 : i32
    return %arg0, %c0_i32 : i32, i32
  }
  func.func @transform_1(%arg0: i32) -> (i32, i32) {
    %c0_i32 = arith.constant 0 : i32
    %c0_i32_0 = arith.constant 0 : i32
    %c0_i32_1 = arith.constant 0 : i32
    return %c0_i32, %c0_i32_0 : i32, i32
  }
  func.func @transform_2(%arg0: i32) -> (i32, i32) {
    %c0_i32 = arith.constant 0 : i32
    %c0_i32_0 = arith.constant 0 : i32
    return %arg0, %c0_i32 : i32, i32
  }
  func.func @transform_3(%arg0: i32) -> (i32, i32) {
    %c0_i32 = arith.constant 0 : i32
    %c0_i32_0 = arith.constant 0 : i32
    return %arg0, %c0_i32 : i32, i32
  }
  func.func @transform_4(%arg0: i32) -> (i32, i32) {
    %c0_i32 = arith.constant 0 : i32
    %c0_i32_0 = arith.constant 0 : i32
    return %arg0, %c0_i32 : i32, i32
  }
}

module attributes {stable_mosaic.version = 14 : i64} {
  func.func @_layer_body(%arg0: i32, %arg1: memref<1024x32xf32, #tpu.memory_space<vmem>>, %arg2: memref<1024x32xf32, #tpu.memory_space<vmem>>, %arg3: memref<1024x32xf32, #tpu.memory_space<vmem>>, %arg4: memref<1024x1xf32, #tpu.memory_space<vmem>>, %arg5: memref<1024x1xf32, #tpu.memory_space<vmem>>, %arg6: memref<32x32xf32, #tpu.memory_space<vmem>>, %arg7: memref<1x32xf32, #tpu.memory_space<vmem>>, %arg8: memref<1024x32xf32, #tpu.memory_space<vmem>>) attributes {dimension_semantics = [#tpu.dimension_semantics<arbitrary>], iteration_bounds = array<i64: 10>, scalar_prefetch = 0 : i64, scratch_operands = 0 : i64, tpu.core_type = #tpu.core_type<tc>, window_params = [{transform_indices = @transform_0, window_bounds = array<i64: 1024, 32>}, {transform_indices = @transform_1, window_bounds = array<i64: 1024, 32>}, {transform_indices = @transform_2, window_bounds = array<i64: 1024, 32>}, {transform_indices = @transform_3, window_bounds = array<i64: 1024, 1>}, {transform_indices = @transform_4, window_bounds = array<i64: 1024, 1>}, {pipeline_mode = #tpu.pipeline_mode<synchronous>, transform_indices = @transform_5, window_bounds = array<i64: 32, 32>}, {pipeline_mode = #tpu.pipeline_mode<synchronous>, transform_indices = @transform_6, window_bounds = array<i64: 1, 32>}, {transform_indices = @transform_7, window_bounds = array<i64: 1024, 32>}]} {
    %get3A = arith.constant 0 : index
    %get3A_0 = arith.constant 0 : index
    %get3A_1 = vector.load %arg4[%get3A, %get3A_0] : memref<1024x1xf32, #tpu.memory_space<vmem>>, vector<1024x1xf32>
    %add3A = arith.constant 1.000000e+00 : f32
    %add3A_2 = vector.broadcast %add3A : f32 to vector<1024x1xf32>
    %add3A_3 = arith.addf %add3A_2, %get3A_1 : vector<1024x1xf32>
    %get3A_4 = arith.constant 0 : index
    %get3A_5 = arith.constant 0 : index
    %get3A_6 = vector.load %arg5[%get3A_4, %get3A_5] : memref<1024x1xf32, #tpu.memory_space<vmem>>, vector<1024x1xf32>
    %add3A_7 = arith.addf %add3A_3, %get3A_6 : vector<1024x1xf32>
    %rsqrt3A = math.rsqrt %add3A_7 : vector<1024x1xf32>
    %get3A_8 = arith.constant 0 : index
    %get3A_9 = arith.constant 0 : index
    %get3A_10 = vector.load %arg1[%get3A_8, %get3A_9] : memref<1024x32xf32, #tpu.memory_space<vmem>>, vector<1024x32xf32>
    %get3A_11 = arith.constant 0 : index
    %get3A_12 = arith.constant 0 : index
    %get3A_13 = vector.load %arg2[%get3A_11, %get3A_12] : memref<1024x32xf32, #tpu.memory_space<vmem>>, vector<1024x32xf32>
    %add3A_14 = arith.addf %get3A_10, %get3A_13 : vector<1024x32xf32>
    %get3A_15 = arith.constant 0 : index
    %get3A_16 = arith.constant 0 : index
    %get3A_17 = vector.load %arg3[%get3A_15, %get3A_16] : memref<1024x32xf32, #tpu.memory_space<vmem>>, vector<1024x32xf32>
    %add3A_18 = arith.addf %add3A_14, %get3A_17 : vector<1024x32xf32>
    %mul3A = vector.broadcast %rsqrt3A : vector<1024x1xf32> to vector<1024x32xf32>
    %mul3A_19 = arith.mulf %add3A_18, %mul3A : vector<1024x32xf32>
    %get3A_20 = arith.constant 0 : index
    %get3A_21 = arith.constant 0 : index
    %get3A_22 = vector.load %arg7[%get3A_20, %get3A_21] : memref<1x32xf32, #tpu.memory_space<vmem>>, vector<1x32xf32>
    %add3A_23 = vector.broadcast %get3A_22 : vector<1x32xf32> to vector<1024x32xf32>
    %add3A_24 = arith.addf %mul3A_19, %add3A_23 : vector<1024x32xf32>
    %max3A = arith.constant 0.000000e+00 : f32
    %max3A_25 = vector.broadcast %max3A : f32 to vector<1024x32xf32>
    %max3A_26 = arith.maximumf %add3A_24, %max3A_25 : vector<1024x32xf32>
    %get3A_27 = arith.constant 0 : index
    %get3A_28 = arith.constant 0 : index
    %get3A_29 = vector.load %arg6[%get3A_27, %get3A_28] : memref<32x32xf32, #tpu.memory_space<vmem>>, vector<32x32xf32>
    %dot_general3A = arith.constant dense<0.000000e+00> : vector<1024x32xf32>
    %dot_general3A_30 = tpu.matmul %max3A_26, %get3A_29, %dot_general3A {dimension_numbers = #tpu.dot_dimension_numbers<[1], [0], [0], [1], [0, 0, 1, 1], [], []>, transpose_lhs_hint = false} : vector<1024x32xf32>, vector<32x32xf32>, vector<1024x32xf32> -> vector<1024x32xf32>
    %mul3A_31 = vector.broadcast %rsqrt3A : vector<1024x1xf32> to vector<1024x32xf32>
    %mul3A_32 = arith.mulf %dot_general3A_30, %mul3A_31 : vector<1024x32xf32>
    %swap3A = arith.constant 0 : index
    %swap3A_33 = arith.constant 0 : index
    %swap3A_34 = vector.load %arg8[%swap3A, %swap3A_33] : memref<1024x32xf32, #tpu.memory_space<vmem>>, vector<1024x32xf32>
    tpu.vector_store %arg8[%swap3A, %swap3A_33], %mul3A_32 {strides = array<i32>} : memref<1024x32xf32, #tpu.memory_space<vmem>>, vector<1024x32xf32>,
    return
  }
  func.func @transform_0(%arg0: i32) -> (i32, i32) {
    %c0_i32 = arith.constant 0 : i32
    %c0_i32_0 = arith.constant 0 : i32
    return %arg0, %c0_i32 : i32, i32
  }
  func.func @transform_1(%arg0: i32) -> (i32, i32) {
    %c0_i32 = arith.constant 0 : i32
    %c0_i32_0 = arith.constant 0 : i32
    return %arg0, %c0_i32 : i32, i32
  }
  func.func @transform_2(%arg0: i32) -> (i32, i32) {
    %c0_i32 = arith.constant 0 : i32
    %c0_i32_0 = arith.constant 0 : i32
    return %arg0, %c0_i32 : i32, i32
  }
  func.func @transform_3(%arg0: i32) -> (i32, i32) {
    %c0_i32 = arith.constant 0 : i32
    %c0_i32_0 = arith.constant 0 : i32
    return %arg0, %c0_i32 : i32, i32
  }
  func.func @transform_4(%arg0: i32) -> (i32, i32) {
    %c0_i32 = arith.constant 0 : i32
    %c0_i32_0 = arith.constant 0 : i32
    return %arg0, %c0_i32 : i32, i32
  }
  func.func @transform_5(%arg0: i32) -> (i32, i32) {
    %c0_i32 = arith.constant 0 : i32
    %c0_i32_0 = arith.constant 0 : i32
    %c0_i32_1 = arith.constant 0 : i32
    return %c0_i32, %c0_i32_0 : i32, i32
  }
  func.func @transform_6(%arg0: i32) -> (i32, i32) {
    %c0_i32 = arith.constant 0 : i32
    %c0_i32_0 = arith.constant 0 : i32
    %c0_i32_1 = arith.constant 0 : i32
    return %c0_i32, %c0_i32_0 : i32, i32
  }
  func.func @transform_7(%arg0: i32) -> (i32, i32) {
    %c0_i32 = arith.constant 0 : i32
    %c0_i32_0 = arith.constant 0 : i32
    return %arg0, %c0_i32 : i32, i32
  }
}

module attributes {stable_mosaic.version = 14 : i64} {
  func.func @_final_body(%arg0: i32, %arg1: memref<1024x32xf32, #tpu.memory_space<vmem>>, %arg2: memref<1024x32xf32, #tpu.memory_space<vmem>>, %arg3: memref<1024x32xf32, #tpu.memory_space<vmem>>, %arg4: memref<1024x1xf32, #tpu.memory_space<vmem>>, %arg5: memref<1024x1xf32, #tpu.memory_space<vmem>>, %arg6: memref<1x32xf32, #tpu.memory_space<vmem>>, %arg7: memref<32x10xf32, #tpu.memory_space<vmem>>, %arg8: memref<1x10xf32, #tpu.memory_space<vmem>>, %arg9: memref<1024x10xf32, #tpu.memory_space<vmem>>) attributes {dimension_semantics = [#tpu.dimension_semantics<arbitrary>], iteration_bounds = array<i64: 10>, scalar_prefetch = 0 : i64, scratch_operands = 0 : i64, tpu.core_type = #tpu.core_type<tc>, window_params = [{transform_indices = @transform_0, window_bounds = array<i64: 1024, 32>}, {transform_indices = @transform_1, window_bounds = array<i64: 1024, 32>}, {transform_indices = @transform_2, window_bounds = array<i64: 1024, 32>}, {transform_indices = @transform_3, window_bounds = array<i64: 1024, 1>}, {transform_indices = @transform_4, window_bounds = array<i64: 1024, 1>}, {pipeline_mode = #tpu.pipeline_mode<synchronous>, transform_indices = @transform_5, window_bounds = array<i64: 1, 32>}, {pipeline_mode = #tpu.pipeline_mode<synchronous>, transform_indices = @transform_6, window_bounds = array<i64: 32, 10>}, {pipeline_mode = #tpu.pipeline_mode<synchronous>, transform_indices = @transform_7, window_bounds = array<i64: 1, 10>}, {transform_indices = @transform_8, window_bounds = array<i64: 1024, 10>}]} {
    %get3A = arith.constant 0 : index
    %get3A_0 = arith.constant 0 : index
    %get3A_1 = vector.load %arg4[%get3A, %get3A_0] : memref<1024x1xf32, #tpu.memory_space<vmem>>, vector<1024x1xf32>
    %add3A = arith.constant 1.000000e+00 : f32
    %add3A_2 = vector.broadcast %add3A : f32 to vector<1024x1xf32>
    %add3A_3 = arith.addf %add3A_2, %get3A_1 : vector<1024x1xf32>
    %get3A_4 = arith.constant 0 : index
    %get3A_5 = arith.constant 0 : index
    %get3A_6 = vector.load %arg5[%get3A_4, %get3A_5] : memref<1024x1xf32, #tpu.memory_space<vmem>>, vector<1024x1xf32>
    %add3A_7 = arith.addf %add3A_3, %get3A_6 : vector<1024x1xf32>
    %rsqrt3A = math.rsqrt %add3A_7 : vector<1024x1xf32>
    %get3A_8 = arith.constant 0 : index
    %get3A_9 = arith.constant 0 : index
    %get3A_10 = vector.load %arg1[%get3A_8, %get3A_9] : memref<1024x32xf32, #tpu.memory_space<vmem>>, vector<1024x32xf32>
    %get3A_11 = arith.constant 0 : index
    %get3A_12 = arith.constant 0 : index
    %get3A_13 = vector.load %arg2[%get3A_11, %get3A_12] : memref<1024x32xf32, #tpu.memory_space<vmem>>, vector<1024x32xf32>
    %add3A_14 = arith.addf %get3A_10, %get3A_13 : vector<1024x32xf32>
    %get3A_15 = arith.constant 0 : index
    %get3A_16 = arith.constant 0 : index
    %get3A_17 = vector.load %arg3[%get3A_15, %get3A_16] : memref<1024x32xf32, #tpu.memory_space<vmem>>, vector<1024x32xf32>
    %add3A_18 = arith.addf %add3A_14, %get3A_17 : vector<1024x32xf32>
    %mul3A = vector.broadcast %rsqrt3A : vector<1024x1xf32> to vector<1024x32xf32>
    %mul3A_19 = arith.mulf %add3A_18, %mul3A : vector<1024x32xf32>
    %get3A_20 = arith.constant 0 : index
    %get3A_21 = arith.constant 0 : index
    %get3A_22 = vector.load %arg6[%get3A_20, %get3A_21] : memref<1x32xf32, #tpu.memory_space<vmem>>, vector<1x32xf32>
    %add3A_23 = vector.broadcast %get3A_22 : vector<1x32xf32> to vector<1024x32xf32>
    %add3A_24 = arith.addf %mul3A_19, %add3A_23 : vector<1024x32xf32>
    %max3A = arith.constant 0.000000e+00 : f32
    %max3A_25 = vector.broadcast %max3A : f32 to vector<1024x32xf32>
    %max3A_26 = arith.maximumf %add3A_24, %max3A_25 : vector<1024x32xf32>
    %get3A_27 = arith.constant 0 : index
    %get3A_28 = arith.constant 0 : index
    %get3A_29 = vector.load %arg7[%get3A_27, %get3A_28] : memref<32x10xf32, #tpu.memory_space<vmem>>, vector<32x10xf32>
    %dot_general3A = arith.constant dense<0.000000e+00> : vector<1024x10xf32>
    %dot_general3A_30 = tpu.matmul %max3A_26, %get3A_29, %dot_general3A {dimension_numbers = #tpu.dot_dimension_numbers<[1], [0], [0], [1], [0, 0, 1, 1], [], []>, transpose_lhs_hint = false} : vector<1024x32xf32>, vector<32x10xf32>, vector<1024x10xf32> -> vector<1024x10xf32>
    %get3A_31 = arith.constant 0 : index
    %get3A_32 = arith.constant 0 : index
    %get3A_33 = vector.load %arg8[%get3A_31, %get3A_32] : memref<1x10xf32, #tpu.memory_space<vmem>>, vector<1x10xf32>
    %add3A_34 = vector.broadcast %get3A_33 : vector<1x10xf32> to vector<1024x10xf32>
    %add3A_35 = arith.addf %dot_general3A_30, %add3A_34 : vector<1024x10xf32>
    %swap3A = arith.constant 0 : index
    %swap3A_36 = arith.constant 0 : index
    %swap3A_37 = vector.load %arg9[%swap3A, %swap3A_36] : memref<1024x10xf32, #tpu.memory_space<vmem>>, vector<1024x10xf32>
    tpu.vector_store %arg9[%swap3A, %swap3A_36], %add3A_35 {strides = array<i32>} : memref<1024x10xf32, #tpu.memory_space<vmem>>, vector<1024x10xf32>,
    return
  }
  func.func @transform_0(%arg0: i32) -> (i32, i32) {
    %c0_i32 = arith.constant 0 : i32
    %c0_i32_0 = arith.constant 0 : i32
    return %arg0, %c0_i32 : i32, i32
  }
  func.func @transform_1(%arg0: i32) -> (i32, i32) {
    %c0_i32 = arith.constant 0 : i32
    %c0_i32_0 = arith.constant 0 : i32
    return %arg0, %c0_i32 : i32, i32
  }
  func.func @transform_2(%arg0: i32) -> (i32, i32) {
    %c0_i32 = arith.constant 0 : i32
    %c0_i32_0 = arith.constant 0 : i32
    return %arg0, %c0_i32 : i32, i32
  }
  func.func @transform_3(%arg0: i32) -> (i32, i32) {
    %c0_i32 = arith.constant 0 : i32
    %c0_i32_0 = arith.constant 0 : i32
    return %arg0, %c0_i32 : i32, i32
  }
  func.func @transform_4(%arg0: i32) -> (i32, i32) {
    %c0_i32 = arith.constant 0 : i32
    %c0_i32_0 = arith.constant 0 : i32
    return %arg0, %c0_i32 : i32, i32
  }
  func.func @transform_5(%arg0: i32) -> (i32, i32) {
    %c0_i32 = arith.constant 0 : i32
    %c0_i32_0 = arith.constant 0 : i32
    %c0_i32_1 = arith.constant 0 : i32
    return %c0_i32, %c0_i32_0 : i32, i32
  }
  func.func @transform_6(%arg0: i32) -> (i32, i32) {
    %c0_i32 = arith.constant 0 : i32
    %c0_i32_0 = arith.constant 0 : i32
    %c0_i32_1 = arith.constant 0 : i32
    return %c0_i32, %c0_i32_0 : i32, i32
  }
  func.func @transform_7(%arg0: i32) -> (i32, i32) {
    %c0_i32 = arith.constant 0 : i32
    %c0_i32_0 = arith.constant 0 : i32
    %c0_i32_1 = arith.constant 0 : i32
    return %c0_i32, %c0_i32_0 : i32, i32
  }
  func.func @transform_8(%arg0: i32) -> (i32, i32) {
    %c0_i32 = arith.constant 0 : i32
    %c0_i32_0 = arith.constant 0 : i32
    return %arg0, %c0_i32 : i32, i32
  }
}

</mosaic_0001>

<sc_bundles>
// kernel: kernel.11.cloned.1.call-start
scs
__scs_entry_jumppad:
0x0: {  	(pc) =	sbr.rel $0x88, $3  }
0x1: {  	(tag) =	ssettag $0x0;
	lr =	simm.s32 $0x1  }
0x2: {  	[smem:$0x3F99] =	sst lr;
	_ =	strace $0xD0000000  }
0x3: {  	_ = 	snop  }
0x4: {  	_ = 	snop  }
0x5: {  	_ = 	snop  }
0x6: {  	_ = 	snop  }
0x7: {  	_ = 	snop  }
__scs_overlays_trampoline_lowered:
0x8: {  	[smem:$0x3FA8] =	sst s0  }
0x9: {  	[smem:$0x3FA9] =	sst s1  }
0xa: {  	[smem:$0x3FAA] =	sst s2  }
0xb: {  	[smem:$0x3FAB] =	sst s3  }
0xc: {  	[smem:$0x3FAC] =	sst s4  }
0xd: {  	[smem:$0x3FAD] =	sst s5  }
0xe: {  	[smem:$0x3FAE] =	sst s6  }
0xf: {  	[smem:$0x3FAF] =	sst s7  }
0x10: {  	[smem:$0x3FB0] =	sst s8  }
0x11: {  	[smem:$0x3FB1] =	sst s9;
	s0 =	simm.s32 @!p0 $0x0  }
0x12: {  	s1 =	sld [smem:$0x3F97];
	s0 =	simm.s32 @p0 $0x1  }
0x13: {  	[smem:$0x3FB2] =	sst s0;
	s0 =	simm.s32 @!p1 $0x0  }
0x14: {  	s2 =	sld [smem:$0x3F96];
	s0 =	simm.s32 @p1 $0x1  }
0x15: {  	[smem:$0x3FB3] =	sst s0;
	s0 =	simm.s32 @!p2 $0x0  }
0x16: {  	s3 =	sld [smem:$0x3FDB];
	s0 =	simm.s32 @p2 $0x1  }
0x17: {  	s4 =	simm.s32 $0x1BF5;
	[smem:$0x3FB5] =	sst s0  }
0x18: {  	s0 =	sld [smem:$0x3F98];
	_ =	swait.ge [sflag:s4], $0x0  }
0x19: {  	s7 =	sld [smem:$0x3F99]  }
0x1a: {  	s8 =	sadd.s32 $0xFFFFE003, lr  }
0x1b: {  	s9 =	sadd.s32 $0xFFFFFEF7, lr;
	s5 =	simm.s32 $0xFFFFFFFF;
	p2 =	slt.u32 s8, $0xFFFFF086  }
0x1c: {  	p1 =	slt.u32 s9, $0xF7A;
	s5 =	simm.s32 @!p2 $0x0  }
0x1d: {  	s5 =	simm.s32 @p1 $0x1;
	p0 =	seq.s32 s7, s2  }
0x1e: {  	s7 =	smul.u32 @!p0 $0xF7A, s2;
	p2 =	seq.s32 @!p0 s5, $0x0  }
0x1f: {  	s9 =	smul.u32 $0xF7A, s1;
	s8 =	simm.s32 @!p0 $0x1BF5;
	p2 =	por !p2, p0  }
0x20: {  	[sflag:s8] =	ssyncset.s32 @!p0 $0xFFFFF086;
	s6 =	sadd.s32 @!p0 s3, s7;
	s7 =	simm.s32 @!p0 $0x108  }
0x21: {  	s3 =	sadd.s32 s3, s9;
	s6 =	sadd.s32 @!p0 $0x88, s6;
	s7 =	simm.s32 @p2 $0x1082  }
0x22: {  	[simem:s7], [sflag:s8] =	dma.local @!p0 [hbm:s6], $0xF7A  }
0x23: {  	s9 =	sor.u32 $0xD0000000, s2;
	s6 =	simm.s32 $0x108;
	_ =	swait.ge @!p0 [sflag:s8], $0x0  }
0x24: {  	s3 =	sadd.s32 $0x88, s3;
	s6 =	simm.s32 @!p1 $0x1082;
	[sflag:s4] =	ssyncset.s32 $0xFFFFF086  }
0x25: {  	[simem:s6], [sflag:s4] =	dma.local [hbm:s3], $0xF7A  }
0x26: {  	[smem:$0x3F99] =	sst s1;
	(tag) =	ssettag s2;
	_ =	strace s9  }
0x27: {  	s1 =	sld [smem:$0x3FA9]  }
0x28: {  	s2 =	sld [smem:$0x3FAA]  }
0x29: {  	s4 =	sld [smem:$0x3FAC]  }
0x2a: {  	p0 =	seq.s32 s5, $0x0;
	s5 =	sld [smem:$0x3FAD]  }
0x2b: {  	s6 =	sld [smem:$0x3FAE]  }
0x2c: {  	s7 =	sld [smem:$0x3FAF]  }
0x2d: {  	s3 =	simm.s32 $0x108;
	s8 =	sld [smem:$0x3FB0]  }
0x2e: {  	s3 =	simm.s32 @!p0 $0x1082;
	s9 =	sld [smem:$0x3FB1]  }
0x2f: {  	lr =	sadd.s32 s0, s3;
	s0 =	sld [smem:$0x3FA8]  }
0x30: {  	s3 =	sld [smem:$0x3FAB]  }
0x31: {  	[smem:$0x3FB4] =	sst s10  }
0x32: {  	s10 =	sld [smem:$0x3FB2];
	_ =	sdelay $0x3  }
0x33: {  	p0 =	seq.s32 s10, $0x1;
	s10 =	sld [smem:$0x3FB4];
	_ =	sdelay $0x3  }
0x34: {  	[smem:$0x3FB4] =	sst s10  }
0x35: {  	s10 =	sld [smem:$0x3FB3];
	_ =	sdelay $0x3  }
0x36: {  	p1 =	seq.s32 s10, $0x1;
	s10 =	sld [smem:$0x3FB4];
	_ =	sdelay $0x3  }
0x37: {  	[smem:$0x3FB4] =	sst s10  }
0x38: {  	s10 =	sld [smem:$0x3FB5]  }
0x39: {  	_ = 	snop;
	(pc) =	sbr.ind lr, $3  }
0x3a: {  	_ = 	snop  }
0x3b: {  	_ = 	snop  }
0x3c: {  	p2 =	seq.s32 s10, $0x1;
	s10 =	sld [smem:$0x3FB4]  }
0x3d: {  	_ =	shalt  }
0x3e: {  	_ =	shalt  }
0x3f: {  	_ =	shalt  }
0x40: {  	_ =	shalt  }
0x41: {  	_ =	shalt  }
0x42: {  	_ =	shalt  }
0x43: {  	_ =	shalt  }
0x44: {  	_ =	shalt  }
0x45: {  	_ =	shalt  }
0x46: {  	_ =	shalt  }
0x47: {  	_ =	shalt  }
0x48: {  	_ =	shalt  }
0x49: {  	_ =	shalt  }
0x4a: {  	_ =	shalt  }
0x4b: {  	_ =	shalt  }
0x4c: {  	_ =	shalt  }
0x4d: {  	_ =	shalt  }
0x4e: {  	_ =	shalt  }
0x4f: {  	_ =	shalt  }
0x50: {  	_ =	shalt  }
0x51: {  	_ =	shalt  }
0x52: {  	_ =	shalt  }
0x53: {  	_ =	shalt  }
0x54: {  	_ =	shalt  }
0x55: {  	_ =	shalt  }
0x56: {  	_ =	shalt  }
0x57: {  	_ =	shalt  }
0x58: {  	_ =	shalt  }
0x59: {  	_ =	shalt  }
0x5a: {  	_ =	shalt  }
0x5b: {  	_ =	shalt  }
0x5c: {  	_ =	shalt  }
0x5d: {  	_ =	shalt  }
0x5e: {  	_ =	shalt  }
0x5f: {  	_ =	shalt  }
0x60: {  	_ =	shalt  }
0x61: {  	_ =	shalt  }
0x62: {  	_ =	shalt  }
0x63: {  	_ =	shalt  }
0x64: {  	_ =	shalt  }
0x65: {  	_ =	shalt  }
0x66: {  	_ =	shalt  }
0x67: {  	_ =	shalt  }
0x68: {  	_ =	shalt  }
0x69: {  	_ =	shalt  }
0x6a: {  	_ =	shalt  }
0x6b: {  	_ =	shalt  }
0x6c: {  	_ =	shalt  }
0x6d: {  	_ =	shalt  }
0x6e: {  	_ =	shalt  }
0x6f: {  	_ =	shalt  }
0x70: {  	_ =	shalt  }
0x71: {  	_ =	shalt  }
0x72: {  	_ =	shalt  }
0x73: {  	_ =	shalt  }
0x74: {  	_ =	shalt  }
0x75: {  	_ =	shalt  }
0x76: {  	_ =	shalt  }
0x77: {  	_ =	shalt  }
0x78: {  	_ =	shalt  }
0x79: {  	_ =	shalt  }
0x7a: {  	_ =	shalt  }
0x7b: {  	_ =	shalt  }
0x7c: {  	_ =	shalt  }
0x7d: {  	_ =	shalt  }
0x7e: {  	_ =	shalt  }
0x7f: {  	_ =	shalt  }
0x80: {  	_ =	shalt  }
0x81: {  	_ =	shalt  }
0x82: {  	_ =	shalt  }
0x83: {  	_ =	shalt  }
0x84: {  	_ =	shalt  }
0x85: {  	_ =	shalt  }
0x86: {  	_ =	shalt  }
0x87: {  	_ =	shalt  }
.Lfunc_end0:
.L_simem_size_0:
called_computation.1_lowered:
.L_overlay_start_0:
0x88: {  	s2 =	sld [smem:$0x3FD9]  }
0x89: {  	s3 =	sld [smem:$0x3FFE];
	_ =	sdelay $0x1  }
0x8a: {  	s1 =	srdreg.scid  }
0x8b: {  	s0 =	sand.u32 $0x1, s1  }
0x8c: {  	s16 =	sshll.u32 s0, $0xA;
	s2 =	sadd.s32 s3, s2  }
0x8d: {  	s2 =	sadd.s32 s2, s16  }
0x8e: {  	[smem:$0x3FC0] =	sst s2  }
0x8f: {  	_ = 	snop  }
0x90: {  	(tm) =	ssettm $0x1  }
0x91: {  	s17 =	sld [smem:$0x3FFB];
	_ =	sdelay $0x3  }
0x92: {  	_ =	strace s17  }
0x93: {  	s2 =	sld [smem:$0x3FFC];
	_ =	sdelay $0x3  }
0x94: {  	_ =	strace s2  }
0x95: {  	s2 =	sld [smem:$0x3FFD];
	_ =	sdelay $0x3  }
0x96: {  	_ =	strace s2  }
0x97: {  	_ =	strace $0x8FFFFFFF  }
0x98: {  	s18 =	sld [smem:$0x3FDB];
	_ =	sdelay $0x1  }
0x99: {  	s19 =	simm.s32 $_scs_section_size  }
0x9a: {  	s4 =	simm.s32 $_size__tile_overlayer_lowered;
	s5 =	simm.s32 $_tile_overlayer_lowered  }
0x9b: {  	s22 =	simm.s32 $0x1BFF;
	s21 =	sshll.u32 s5, $0x1;
	s2 =	sadd.s32 s19, s18  }
0x9c: {  	s6 =	simm.s32 $0x0;
	s20 =	sshll.u32 s4, $0x1;
	s4 =	sadd.s32 s21, s2  }
0x9d: {  	[timem:s6], [sflag:s22] =	dma.local [hbm:s4], s20  }
0x9e: {  	_ =	swait.ge [sflag:s22], s20  }
0x9f: {  	s3 =	ssub.s32 $0x0, s20;
	[sflag:s22] =	ssyncset.done $0x0  }
0xa0: {  	[sflag:s22] =	ssyncadd.s32 s3;
	_ =	sdelay $0x1  }
0xa1: {  	s23 =	simm.s32 $0x1B8B  }
0xa2: {  	_ =	swait.ge [sflag:s23], $0x1  }
0xa3: {  	[sflag:s23] =	ssyncset.done $0x0  }
0xa4: {  	s25 =	simm.s32 $0x1B8E;
	s24 =	sld [smem:$0x3FFE];
	[sflag:s23] =	ssyncadd.s32 $0xFFFFFFFF  }
0xa5: {  	s26 =	simm.s32 $execute0_lowered;
	[smem:$0x3FD2] =	sst s25  }
0xa6: {  	s4 =	sshll.u32 s26, $0x1;
	_ =	strace $0x80000049;
	[dreg:$0x1] =	wrdreg $0xFFFFFFFF  }
0xa7: {  	s28 =	simm.s32 $_size_execute0_lowered;
	s2 =	sadd.s32 s2, s4;
	[dreg:$0x0] =	wrdreg $0x0  }
0xa8: {  	s4 =	sshll.u32 s28, $0x1;
	[dreg:$0x2] =	wrdreg s2  }
0xa9: {  	[dreg:$0x3] =	wrdreg s4  }
0xaa: {  	[dreg:$0x4] =	wrdreg $0xC0  }
0xab: {  	_ =	task [dreg:s6], $0x5FFFF  }
0xac: {  	[dreg:$0x1] =	wrdreg $0xFFFFFFFF  }
0xad: {  	[dreg:$0x0] =	wrdreg $0x60  }
0xae: {  	[dreg:$0x2] =	wrdreg s24  }
0xaf: {  	[dreg:$0x3] =	wrdreg $0xEF200  }
0xb0: {  	[dreg:$0x4] =	wrdreg $0xA1000  }
0xb1: {  	[dreg:$0x5] =	wrdreg $0x9  }
0xb2: {  	_ =	task.clear_ibuf [dreg:s6], $0x6FFFF;
	_ =	strace $0x90000049  }
0xb3: {  	s29 =	simm.s32 $0x9;
	_ =	strace $0x8000004B  }
0xb4: {  	_ =	swait.ge [sflag:s29], $0x1  }
0xb5: {  	[sflag:s29] =	ssyncadd.s32 $0xFFFFFFFF  }
0xb6: {  	_ =	strace $0x9000004B  }
0xb7: {  	_ =	sfence  }
0xb8: {  	s30 =	sld [smem:$0x0];
	_ =	sdelay $0x2  }
0xb9: {  	s31 =	sshll.u32 s1, $0xD;
	s1 =	sshrl.u32 s1, $0x2  }
0xba: {  	s3 =	sand.u32 $0x4000, s31;
	s1 =	sadd.s32 s1, s30  }
0xbb: {  	s0 =	sor.u32 s3, s0;
	s1 =	sshll.u32 s1, $0x11  }
0xbc: {  	s0 =	sor.u32 s1, s0  }
0xbd: {  	s0 =	sadd.s32 $0x8F2B, s0  }
0xbe: {  	[sflag:s0] =	ssyncadd.remote.s32 $0x1  }
0xbf: {  	_ =	sfence.sel $0xFFFF  }
0xc0: {  	[dreg:$0x0] =	wrdreg $0xFFFFFFFF;
	(pc) =	sbr.abs _section_cstart, $3  }
0xc1: {  	[dreg:$0x1] =	wrdreg $0xFFFFFFFF  }
0xc2: {  	_ =	task.clear_ibuf [dreg:s6], $0x2FFFF;
	_ =	strace $0x9FFFFFFF  }
0xc3: {  	(tm) =	ssettm $0x7FFFFFFF  }
tec
execute0_lowered:
.L_overlay_start_1:
0x0: {  	(tag) =	ssettag $0x1  }
0x1: {  	s0 =	rddreg [dreg:$0x0]  }
0x2: {  	s1 =	rddreg [dreg:$0x1];
	s2 =	srdreg.scid  }
0x3: {  	s3 =	rddreg [dreg:$0x2];
	s10 =	stileid.u32  }
0x4: {  	s4 =	simm.s32 $0x0;
	s15 =	simm.s32 $0x9100;
	s16 =	simm.s32 $0x9  }
0x5: {  	s18 =	simm.s32 $0x2900;
	s19 =	simm.s32 $0x80;
	s20 =	simm.s32 $0x5100  }
0x6: {  	s21 =	simm.s32 $0x6100;
	s22 =	simm.s32 $0x1;
	s29 =	simm.s32 $0x8100  }
0x7: {  	s30 =	simm.s32 $0x3;
	s28 =	simm.s32 $0x6;
	s6 =	smul.u32 $0x4E20, s10  }
0x8: {  	s2 =	sand.u32 $0x1, s2;
	[smem:$0x7FF] =	sst s4;
	s8 =	smul.u32 $0x14000, s10  }
0x9: {  	s12 =	smul.u32 $0x5000, s10;
	s5 =	sshll.u32 s2, $0x4;
	_ =	strace $0x8000004A  }
0xa: {  	s9 =	ssub.s32 $0x2, s2;
	p0 =	seq.s32 s2, $0x1;
	s2 =	simm.s32 $0x71200  }
0xb: {  	s5 =	sor.u32 s10, s5;
	s7 =	sshrl.u32 s6, $0x3;
	s23 =	sshrl.u32 s9, $0x1  }
0xc: {  	s8 =	sshrl.u32 s8, $0x2;
	s6 =	sadd.s32 s6, s3;
	s2 =	simm.s32 @!p0 $0x7B200  }
0xd: {  	s31 =	sshrl.u32 s12, $0x3;
	s5 =	smul.u32 $0x500, s5;
	s7 =	sadd.s32 s7, s0  }
0xe: {  	s14 =	ssub.s32 s9, s23;
	s24 =	sadd.s32 s8, s1;
	s17 =	sshrl.u32 s6, $0x3  }
0xf: {  	s23 =	simm.s32 $0x4;
	s8 =	sadd.s32 $0x1000, s24;
	s25 =	sadd.s32 $0x2000, s24  }
0x10: {  	s26 =	sadd.s32 $0x3000, s24;
	s9 =	sadd.s32 $0x4000, s24;
	[dreg:$0x4] =	wrdreg s8  }
0x11: {  	s10 =	sadd.s32 $0x67400, s7;
	s24 =	simm.s32 $0x7100;
	[dreg:$0x5] =	wrdreg s25  }
0x12: {  	s13 =	sadd.s32 s5, s0;
	s5 =	sadd.s32 s12, s1;
	[dreg:$0x6] =	wrdreg s26  }
0x13: {  	s0 =	sadd.s32 s2, s0;
	s25 =	simm.s32 $0x2;
	s2 =	simm.s32 $0x7  }
0x14: {  	s26 =	simm.s32 $0x8;
	s11 =	sadd.s32 $0xD400, s13;
	s12 =	sadd.s32 $0x2E00, s13  }
0x15: {  	v0 =	vimm.f32 $0.0e+00;
	v1 =	vimm.s32 $0x0;
	s13 =	smax.u32 s14, $0x1;
	s14 =	sadd.s32 s0, s31;
	s0 =	simm.s32 $0x5  }
.LBB2_1:
0x16: {  	s6 =	simm.s32 $0x80;
	s7 =	simm.s32 $0x0  }
.LBB2_2:
0x17: {  	p0 =	sne.s32 s6, $0x3F80;
	[tilespmem:s7+$0x9100] =	vst v0;
	s31 =	smov.u32 s6;
	s6 =	sadd.s32 $0x80, s6  }
.Ltmp0:
0x18: {  	[tilespmem:s7+$0x9110] =	vst v0;
	(pc) =	sbr.rel @p0 .LBB2_2-.Ltmp0, $2  }
0x19: {  	_ =	sdelay $0x2  }
0x1a: {  	s7 =	sshra.s32 s31, $0x2  }
0x1b: {  	[tilespmem:s7+$0x9100] =	vst v0  }
0x1c: {  	[tilespmem:s7+$0x9110] =	vst v0  }
0x1d: {  	[spmem:s5] =	stream.linear.scatter [tilespmem:s15], [sflag:$0x9], $0x1000, $0x38;
	[tilespmem:$0x13F20] =	vst v63  }
0x1e: {  	_ =	swait.ge [sflag:s16], $0x1000  }
0x1f: {  	[sflag:s16] =	ssyncset.done $0x0  }
0x20: {  	s6 =	rddreg [dreg:$0x4];
	[sflag:s16] =	ssyncadd.s32 $0xFFFFF000  }
0x21: {  	[spmem:s6] =	stream.linear.scatter [tilespmem:s15], [sflag:$0x9], $0x1000, $0x38;
	[tilespmem:$0x13F20] =	vst v63  }
0x22: {  	_ =	swait.ge [sflag:s16], $0x1000  }
0x23: {  	[sflag:s16] =	ssyncset.done $0x0  }
0x24: {  	s7 =	rddreg [dreg:$0x5];
	[sflag:s16] =	ssyncadd.s32 $0xFFFFF000  }
0x25: {  	[spmem:s7] =	stream.linear.scatter [tilespmem:s15], [sflag:$0x9], $0x1000, $0x38;
	[tilespmem:$0x13F20] =	vst v63  }
0x26: {  	_ =	swait.ge [sflag:s16], $0x1000  }
0x27: {  	[sflag:s16] =	ssyncset.done $0x0  }
0x28: {  	s8 =	rddreg [dreg:$0x6];
	[sflag:s16] =	ssyncadd.s32 $0xFFFFF000  }
0x29: {  	[spmem:s8] =	stream.linear.scatter [tilespmem:s15], [sflag:$0x9], $0x1000, $0x38;
	[tilespmem:$0x13F20] =	vst v63  }
0x2a: {  	_ =	swait.ge [sflag:s16], $0x1000  }
0x2b: {  	[sflag:s16] =	ssyncset.done $0x0  }
0x2c: {  	[sflag:s16] =	ssyncadd.s32 $0xFFFFF000  }
0x2d: {  	[spmem:s9] =	stream.linear.scatter [tilespmem:s15], [sflag:$0x9], $0x1000, $0x38;
	[tilespmem:$0x13F20] =	vst v63  }
0x2e: {  	s7 =	stileid.u32;
	_ =	swait.ge [sflag:s16], $0x1000  }
0x2f: {  	s6 =	sshll.u32 s7, $0x6;
	[sflag:s16] =	ssyncset.done $0x0  }
0x30: {  	s31 =	sor.u32 $0x1C09, s6;
	[sflag:s16] =	ssyncadd.s32 $0xFFFFF000  }
0x31: {  	[spmem:s17], [sflag:s31] =	dma.local [hbm:s10], $0x9C4  }
0x32: {  	_ =	swait.ge [sflag:s16], $0x9C4  }
0x33: {  	[sflag:s16] =	ssyncset.done $0x0  }
0x34: {  	s8 =	simm.s32 $0x0;
	[sflag:s16] =	ssyncadd.s32 $0xFFFFF63C  }
0x35: {  	[tilespmem:s8], [sflag:$0x9] =	stream.linear.gather [hbm4b:s11+s8], $0x2800, $0x38;
	[tilespmem:$0x13F20] =	vst v63  }
0x36: {  	_ =	swait.ge [sflag:s16], $0x2800  }
0x37: {  	[sflag:s16] =	ssyncset.done $0x0  }
0x38: {  	[sflag:s16] =	ssyncadd.s32 $0xFFFFD800  }
0x39: {  	[tilespmem:$0x2800] =	vst v1  }
0x3a: {  	[tilespmem:$0x2810] =	vst v1  }
0x3b: {  	[tilespmem:$0x2820] =	vst v1  }
0x3c: {  	[tilespmem:$0x2830] =	vst v1  }
0x3d: {  	[tilespmem:$0x2840] =	vst v1  }
0x3e: {  	[tilespmem:$0x2850] =	vst v1  }
0x3f: {  	[tilespmem:$0x2860] =	vst v1  }
0x40: {  	[tilespmem:$0x2870] =	vst v1  }
0x41: {  	[tilespmem:$0x2880] =	vst v1  }
0x42: {  	[tilespmem:$0x2890] =	vst v1  }
0x43: {  	[tilespmem:$0x28A0] =	vst v1  }
0x44: {  	[tilespmem:$0x28B0] =	vst v1  }
0x45: {  	[tilespmem:$0x28C0] =	vst v1  }
0x46: {  	[tilespmem:$0x28D0] =	vst v1  }
0x47: {  	[tilespmem:$0x28E0] =	vst v1  }
0x48: {  	[tilespmem:$0x28F0] =	vst v1  }
0x49: {  	[tilespmem:s18], [sflag:$0x9] =	stream.linear.gather [hbm4b:s12+s8], $0x2800, $0x38;
	[tilespmem:$0x13F20] =	vst v63  }
0x4a: {  	_ =	swait.ge [sflag:s16], $0x2800  }
0x4b: {  	[sflag:s16] =	ssyncset.done $0x0  }
0x4c: {  	[sflag:s16] =	ssyncadd.s32 $0xFFFFD800  }
0x4d: {  	[bflag:$0x0] =	sbarrier.arrive $0xFFFF  }
0x4e: {  	[tilespmem:s20], [sflag:$0x1] =	stream.indirect.gather [spmem:s3], $0x20, s8, s19, $0xb8;
	[tilespmem:$0x13F20] =	vst v63  }
0x4f: {  	_ = 	snop  }
0x50: {  	[tilespmem:s21], [sflag:$0x2] =	stream.indirect.gather [spmem:s3], $0x20, s19, s19, $0xb8;
	[tilespmem:$0x13F20] =	vst v63  }
0x51: {  	_ =	swait.ge [sflag:s22], $0x1000  }
0x52: {  	[sflag:s22] =	ssyncset.done $0x0  }
0x53: {  	[sflag:s22] =	ssyncadd.s32 $0xFFFFF000  }
0x54: {  	[spmem:s1] =	stream.indirect.scatter.add.f32 [tilespmem:s20], [sflag:$0x5], $0x20, s18, s19, $0xb8;
	[tilespmem:$0x13F20] =	vst v63  }
0x55: {  	s7 =	simm.s32 $0x100  }
0x56: {  	[tilespmem:s24], [sflag:$0x3] =	stream.indirect.gather [spmem:s3], $0x20, s7, s19, $0xb8;
	[tilespmem:$0x13F20] =	vst v63  }
0x57: {  	_ =	swait.ge [sflag:s25], $0x1000  }
0x58: {  	[sflag:s25] =	ssyncset.done $0x0  }
0x59: {  	s8 =	simm.s32 $0x2980;
	[sflag:s25] =	ssyncadd.s32 $0xFFFFF000  }
0x5a: {  	[spmem:s1] =	stream.indirect.scatter.add.f32 [tilespmem:s21], [sflag:$0x6], $0x20, s8, s19, $0xb8;
	[tilespmem:$0x13F20] =	vst v63  }
0x5b: {  	s7 =	simm.s32 $0x180  }
0x5c: {  	[tilespmem:s29], [sflag:$0x4] =	stream.indirect.gather [spmem:s3], $0x20, s7, s19, $0xb8;
	[tilespmem:$0x13F20] =	vst v63  }
0x5d: {  	_ =	swait.ge [sflag:s30], $0x1000  }
0x5e: {  	[sflag:s30] =	ssyncset.done $0x0  }
0x5f: {  	s8 =	simm.s32 $0x2A00;
	[sflag:s30] =	ssyncadd.s32 $0xFFFFF000  }
0x60: {  	[spmem:s1] =	stream.indirect.scatter.add.f32 [tilespmem:s24], [sflag:$0x7], $0x20, s8, s19, $0xb8;
	[tilespmem:$0x13F20] =	vst v63  }
0x61: {  	_ =	swait.ge [sflag:s0], $0x1000  }
0x62: {  	[sflag:s0] =	ssyncset.done $0x0  }
0x63: {  	s7 =	simm.s32 $0x200;
	[sflag:s0] =	ssyncadd.s32 $0xFFFFF000  }
0x64: {  	[tilespmem:s20], [sflag:$0x1] =	stream.indirect.gather [spmem:s3], $0x20, s7, s19, $0xb8;
	[tilespmem:$0x13F20] =	vst v63  }
0x65: {  	_ =	swait.ge [sflag:s23], $0x1000  }
0x66: {  	[sflag:s23] =	ssyncset.done $0x0  }
0x67: {  	s8 =	simm.s32 $0x2A80;
	[sflag:s23] =	ssyncadd.s32 $0xFFFFF000  }
0x68: {  	[spmem:s1] =	stream.indirect.scatter.add.f32 [tilespmem:s29], [sflag:$0x8], $0x20, s8, s19, $0xb8;
	[tilespmem:$0x13F20] =	vst v63  }
0x69: {  	_ =	swait.ge [sflag:s28], $0x1000  }
0x6a: {  	[sflag:s28] =	ssyncset.done $0x0  }
0x6b: {  	s7 =	simm.s32 $0x280;
	[sflag:s28] =	ssyncadd.s32 $0xFFFFF000  }
0x6c: {  	[tilespmem:s21], [sflag:$0x2] =	stream.indirect.gather [spmem:s3], $0x20, s7, s19, $0xb8;
	[tilespmem:$0x13F20] =	vst v63  }
0x6d: {  	_ =	swait.ge [sflag:s22], $0x1000  }
0x6e: {  	[sflag:s22] =	ssyncset.done $0x0  }
0x6f: {  	s8 =	simm.s32 $0x2B00;
	[sflag:s22] =	ssyncadd.s32 $0xFFFFF000  }
0x70: {  	[spmem:s1] =	stream.indirect.scatter.add.f32 [tilespmem:s20], [sflag:$0x5], $0x20, s8, s19, $0xb8;
	[tilespmem:$0x13F20] =	vst v63  }
0x71: {  	_ =	swait.ge [sflag:s2], $0x1000  }
0x72: {  	[sflag:s2] =	ssyncset.done $0x0  }
0x73: {  	s7 =	simm.s32 $0x300;
	[sflag:s2] =	ssyncadd.s32 $0xFFFFF000  }
0x74: {  	[tilespmem:s24], [sflag:$0x3] =	stream.indirect.gather [spmem:s3], $0x20, s7, s19, $0xb8;
	[tilespmem:$0x13F20] =	vst v63  }
0x75: {  	_ =	swait.ge [sflag:s25], $0x1000  }
0x76: {  	[sflag:s25] =	ssyncset.done $0x0  }
0x77: {  	s8 =	simm.s32 $0x2B80;
	[sflag:s25] =	ssyncadd.s32 $0xFFFFF000  }
0x78: {  	[spmem:s1] =	stream.indirect.scatter.add.f32 [tilespmem:s21], [sflag:$0x6], $0x20, s8, s19, $0xb8;
	[tilespmem:$0x13F20] =	vst v63  }
0x79: {  	_ =	swait.ge [sflag:s26], $0x1000  }
0x7a: {  	[sflag:s26] =	ssyncset.done $0x0  }
0x7b: {  	s7 =	simm.s32 $0x380;
	[sflag:s26] =	ssyncadd.s32 $0xFFFFF000  }
0x7c: {  	[tilespmem:s29], [sflag:$0x4] =	stream.indirect.gather [spmem:s3], $0x20, s7, s19, $0xb8;
	[tilespmem:$0x13F20] =	vst v63  }
0x7d: {  	_ =	swait.ge [sflag:s30], $0x1000  }
0x7e: {  	[sflag:s30] =	ssyncset.done $0x0  }
0x7f: {  	s8 =	simm.s32 $0x2C00;
	[sflag:s30] =	ssyncadd.s32 $0xFFFFF000  }
0x80: {  	[spmem:s1] =	stream.indirect.scatter.add.f32 [tilespmem:s24], [sflag:$0x7], $0x20, s8, s19, $0xb8;
	[tilespmem:$0x13F20] =	vst v63  }
0x81: {  	_ =	swait.ge [sflag:s0], $0x1000  }
0x82: {  	[sflag:s0] =	ssyncset.done $0x0  }
0x83: {  	s7 =	simm.s32 $0x400;
	[sflag:s0] =	ssyncadd.s32 $0xFFFFF000  }
0x84: {  	[tilespmem:s20], [sflag:$0x1] =	stream.indirect.gather [spmem:s3], $0x20, s7, s19, $0xb8;
	[tilespmem:$0x13F20] =	vst v63  }
0x85: {  	_ =	swait.ge [sflag:s23], $0x1000  }
0x86: {  	[sflag:s23] =	ssyncset.done $0x0  }
0x87: {  	s8 =	simm.s32 $0x2C80;
	[sflag:s23] =	ssyncadd.s32 $0xFFFFF000  }
0x88: {  	[spmem:s1] =	stream.indirect.scatter.add.f32 [tilespmem:s29], [sflag:$0x8], $0x20, s8, s19, $0xb8;
	[tilespmem:$0x13F20] =	vst v63  }
0x89: {  	_ =	swait.ge [sflag:s28], $0x1000  }
0x8a: {  	[sflag:s28] =	ssyncset.done $0x0  }
0x8b: {  	s6 =	simm.s32 $0x800;
	s7 =	simm.s32 $0x480;
	[sflag:s28] =	ssyncadd.s32 $0xFFFFF000  }
.LBB2_4:
0x8c: {  	[tilespmem:s21], [sflag:$0x2] =	stream.indirect.gather [spmem:s3], $0x20, s7, s19, $0xb8;
	[tilespmem:$0x13F20] =	vst v63  }
0x8d: {  	s7 =	smov.u32 s6  }
0x8e: {  	p0 =	sne.s32 s6, $0x9000;
	s6 =	sadd.s32 $0x800, s6;
	_ =	swait.ge [sflag:s22], $0x1000  }
0x8f: {  	s7 =	sshra.s32 s7, $0x2;
	[sflag:s22] =	ssyncset.done $0x0  }
0x90: {  	s8 =	sadd.s32 $0x2B00, s7;
	[sflag:s22] =	ssyncadd.s32 $0xFFFFF000  }
0x91: {  	[spmem:s1] =	stream.indirect.scatter.add.f32 [tilespmem:s20], [sflag:$0x5], $0x20, s8, s19, $0xb8;
	[tilespmem:$0x13F20] =	vst v63  }
0x92: {  	_ =	swait.ge [sflag:s2], $0x1000  }
0x93: {  	[sflag:s2] =	ssyncset.done $0x0  }
0x94: {  	s8 =	sadd.s32 $0x300, s7;
	[sflag:s2] =	ssyncadd.s32 $0xFFFFF000  }
0x95: {  	[tilespmem:s24], [sflag:$0x3] =	stream.indirect.gather [spmem:s3], $0x20, s8, s19, $0xb8;
	[tilespmem:$0x13F20] =	vst v63  }
0x96: {  	_ =	swait.ge [sflag:s25], $0x1000  }
0x97: {  	[sflag:s25] =	ssyncset.done $0x0  }
0x98: {  	s8 =	sadd.s32 $0x2B80, s7;
	[sflag:s25] =	ssyncadd.s32 $0xFFFFF000  }
0x99: {  	[spmem:s1] =	stream.indirect.scatter.add.f32 [tilespmem:s21], [sflag:$0x6], $0x20, s8, s19, $0xb8;
	[tilespmem:$0x13F20] =	vst v63  }
0x9a: {  	_ =	swait.ge [sflag:s26], $0x1000  }
0x9b: {  	[sflag:s26] =	ssyncset.done $0x0  }
0x9c: {  	s8 =	sadd.s32 $0x380, s7;
	[sflag:s26] =	ssyncadd.s32 $0xFFFFF000  }
0x9d: {  	[tilespmem:s29], [sflag:$0x4] =	stream.indirect.gather [spmem:s3], $0x20, s8, s19, $0xb8;
	[tilespmem:$0x13F20] =	vst v63  }
0x9e: {  	_ =	swait.ge [sflag:s30], $0x1000  }
0x9f: {  	[sflag:s30] =	ssyncset.done $0x0  }
0xa0: {  	s8 =	sadd.s32 $0x2C00, s7;
	[sflag:s30] =	ssyncadd.s32 $0xFFFFF000  }
0xa1: {  	[spmem:s1] =	stream.indirect.scatter.add.f32 [tilespmem:s24], [sflag:$0x7], $0x20, s8, s19, $0xb8;
	[tilespmem:$0x13F20] =	vst v63  }
0xa2: {  	_ =	swait.ge [sflag:s0], $0x1000  }
0xa3: {  	[sflag:s0] =	ssyncset.done $0x0  }
0xa4: {  	s8 =	sadd.s32 $0x400, s7;
	[sflag:s0] =	ssyncadd.s32 $0xFFFFF000  }
0xa5: {  	[tilespmem:s20], [sflag:$0x1] =	stream.indirect.gather [spmem:s3], $0x20, s8, s19, $0xb8;
	[tilespmem:$0x13F20] =	vst v63  }
0xa6: {  	_ =	swait.ge [sflag:s23], $0x1000  }
0xa7: {  	[sflag:s23] =	ssyncset.done $0x0  }
.Ltmp1:
0xa8: {  	s8 =	sadd.s32 $0x2C80, s7;
	[sflag:s23] =	ssyncadd.s32 $0xFFFFF000;
	(pc) =	sbr.rel @p0 .LBB2_4-.Ltmp1, $4  }
0xa9: {  	[spmem:s1] =	stream.indirect.scatter.add.f32 [tilespmem:s29], [sflag:$0x8], $0x20, s8, s19, $0xb8;
	[tilespmem:$0x13F20] =	vst v63  }
0xaa: {  	_ =	swait.ge [sflag:s28], $0x1000  }
0xab: {  	[sflag:s28] =	ssyncset.done $0x0  }
0xac: {  	s7 =	sadd.s32 $0x480, s7;
	[sflag:s28] =	ssyncadd.s32 $0xFFFFF000  }
0xad: {  	[tilespmem:s21], [sflag:$0x2] =	stream.indirect.gather [spmem:s3], $0x20, s7, s19, $0xb8;
	[tilespmem:$0x13F20] =	vst v63  }
0xae: {  	_ =	swait.ge [sflag:s22], $0x1000  }
0xaf: {  	[sflag:s22] =	ssyncset.done $0x0  }
0xb0: {  	[sflag:s22] =	ssyncadd.s32 $0xFFFFF000  }
0xb1: {  	_ =	swait.ge [sflag:s25], $0x1000  }
0xb2: {  	[sflag:s25] =	ssyncset.done $0x0  }
0xb3: {  	[sflag:s25] =	ssyncadd.s32 $0xFFFFF000  }
0xb4: {  	_ =	swait.ge [sflag:s2], $0x1000  }
0xb5: {  	[sflag:s2] =	ssyncset.done $0x0  }
0xb6: {  	[sflag:s2] =	ssyncadd.s32 $0xFFFFF000  }
0xb7: {  	_ =	swait.ge [sflag:s26], $0x1000  }
0xb8: {  	s4 =	sadd.s32 $0x1, s4;
	[sflag:s26] =	ssyncset.done $0x0  }
0xb9: {  	p0 =	sne.s32 s4, s13;
	[sflag:s26] =	ssyncadd.s32 $0xFFFFF000  }
.Ltmp2:
0xba: {  	s6 =	sshrl.u32 s5, $0x3;
	[bflag:$0x0] =	sbarrier.arrive $0xFFFF;
	(pc) =	sbr.rel @p0 .LBB2_1-.Ltmp2, $4  }
0xbb: {  	[hbm:s14], [sflag:s31] =	dma.local [spmem:s6], $0xA00  }
0xbc: {  	_ =	swait.ge [sflag:s16], $0xA00  }
0xbd: {  	[sflag:s16] =	ssyncset.done $0x0  }
0xbe: {  	[sflag:s16] =	ssyncadd.s32 $0xFFFFF600  }
0xbf: {  	_ =	sfence.sel $0x180000  }
0xc0: {  	[bflag:$0x0] =	sbarrier.arrive $0xFFFF  }
0xc1: {  	_ =	strace $0x9000004A  }
0xc2: {  	s0 =	stileid.u32;
	[bflag:$0x2] =	sbarrier.arrive $0xFFFF  }
0xc3: {  	p0 =	sne.s32 s0, $0x0;
	s0 =	rddreg [dreg:$0x3]  }
0xc4: {  	s0 =	sadd.s32 @!p0 $0x100000, s0  }
0xc5: {  	[sflag:s0] =	ssyncadd.tile.s32 @!p0 $0x1;
	_ =	shalt  }
.Lfunc_end2:
_tile_overlayer_lowered:
.L_overlay_start_2:
0xc6: {  	(tag) =	ssettag $0x2  }
0xc7: {  	s0 =	rddreg [dreg:$0x0];
	s2 =	stileid.u32  }
0xc8: {  	s1 =	rddreg [dreg:$0x1];
	p0 =	sne.s32 s2, $0x0  }
0xc9: {  	s3 =	rddreg [dreg:$0x2];
	[bflag:$0x3] =	sbarrier.arrive $0xFFFF;
	s2 =	simm.s32 @!p0 $0x1C09  }
0xca: {  	[timem:s3], [sflag:s2] =	dma.local @!p0 [hbm:s0], s1  }
0xcb: {  	s0 =	simm.s32 @!p0 $0x9  }
0xcc: {  	_ =	swait.ge @!p0 [sflag:s0], s1  }
0xcd: {  	s1 =	ssub.s32 @!p0 $0x0, s1;
	[sflag:s0] =	ssyncset.done @!p0 $0x0  }
0xce: {  	[sflag:s0] =	ssyncadd.s32 @!p0 s1  }
0xcf: {  	[bflag:$0x3] =	sbarrier.arrive $0xFFFF  }
0xd0: {  	_ =	shalt  }

// kernel: kernel.14.cloned.1.call-start
scs
__scs_entry_jumppad:
0x0: {  	(pc) =	sbr.rel $0x88, $3  }
0x1: {  	(tag) =	ssettag $0x0;
	lr =	simm.s32 $0x1  }
0x2: {  	[smem:$0x3F99] =	sst lr;
	_ =	strace $0xD0000000  }
0x3: {  	_ = 	snop  }
0x4: {  	_ = 	snop  }
0x5: {  	_ = 	snop  }
0x6: {  	_ = 	snop  }
0x7: {  	_ = 	snop  }
__scs_overlays_trampoline_lowered:
0x8: {  	[smem:$0x3FA8] =	sst s0  }
0x9: {  	[smem:$0x3FA9] =	sst s1  }
0xa: {  	[smem:$0x3FAA] =	sst s2  }
0xb: {  	[smem:$0x3FAB] =	sst s3  }
0xc: {  	[smem:$0x3FAC] =	sst s4  }
0xd: {  	[smem:$0x3FAD] =	sst s5  }
0xe: {  	[smem:$0x3FAE] =	sst s6  }
0xf: {  	[smem:$0x3FAF] =	sst s7  }
0x10: {  	[smem:$0x3FB0] =	sst s8  }
0x11: {  	[smem:$0x3FB1] =	sst s9;
	s0 =	simm.s32 @!p0 $0x0  }
0x12: {  	s1 =	sld [smem:$0x3F97];
	s0 =	simm.s32 @p0 $0x1  }
0x13: {  	[smem:$0x3FB2] =	sst s0;
	s0 =	simm.s32 @!p1 $0x0  }
0x14: {  	s2 =	sld [smem:$0x3F96];
	s0 =	simm.s32 @p1 $0x1  }
0x15: {  	[smem:$0x3FB3] =	sst s0;
	s0 =	simm.s32 @!p2 $0x0  }
0x16: {  	s3 =	sld [smem:$0x3FDB];
	s0 =	simm.s32 @p2 $0x1  }
0x17: {  	s4 =	simm.s32 $0x1BF5;
	[smem:$0x3FB5] =	sst s0  }
0x18: {  	s0 =	sld [smem:$0x3F98];
	_ =	swait.ge [sflag:s4], $0x0  }
0x19: {  	s7 =	sld [smem:$0x3F99]  }
0x1a: {  	s8 =	sadd.s32 $0xFFFFE003, lr  }
0x1b: {  	s9 =	sadd.s32 $0xFFFFFEF7, lr;
	s5 =	simm.s32 $0xFFFFFFFF;
	p2 =	slt.u32 s8, $0xFFFFF086  }
0x1c: {  	p1 =	slt.u32 s9, $0xF7A;
	s5 =	simm.s32 @!p2 $0x0  }
0x1d: {  	s5 =	simm.s32 @p1 $0x1;
	p0 =	seq.s32 s7, s2  }
0x1e: {  	s7 =	smul.u32 @!p0 $0xF7A, s2;
	p2 =	seq.s32 @!p0 s5, $0x0  }
0x1f: {  	s9 =	smul.u32 $0xF7A, s1;
	s8 =	simm.s32 @!p0 $0x1BF5;
	p2 =	por !p2, p0  }
0x20: {  	[sflag:s8] =	ssyncset.s32 @!p0 $0xFFFFF086;
	s6 =	sadd.s32 @!p0 s3, s7;
	s7 =	simm.s32 @!p0 $0x108  }
0x21: {  	s3 =	sadd.s32 s3, s9;
	s6 =	sadd.s32 @!p0 $0x88, s6;
	s7 =	simm.s32 @p2 $0x1082  }
0x22: {  	[simem:s7], [sflag:s8] =	dma.local @!p0 [hbm:s6], $0xF7A  }
0x23: {  	s9 =	sor.u32 $0xD0000000, s2;
	s6 =	simm.s32 $0x108;
	_ =	swait.ge @!p0 [sflag:s8], $0x0  }
0x24: {  	s3 =	sadd.s32 $0x88, s3;
	s6 =	simm.s32 @!p1 $0x1082;
	[sflag:s4] =	ssyncset.s32 $0xFFFFF086  }
0x25: {  	[simem:s6], [sflag:s4] =	dma.local [hbm:s3], $0xF7A  }
0x26: {  	[smem:$0x3F99] =	sst s1;
	(tag) =	ssettag s2;
	_ =	strace s9  }
0x27: {  	s1 =	sld [smem:$0x3FA9]  }
0x28: {  	s2 =	sld [smem:$0x3FAA]  }
0x29: {  	s4 =	sld [smem:$0x3FAC]  }
0x2a: {  	p0 =	seq.s32 s5, $0x0;
	s5 =	sld [smem:$0x3FAD]  }
0x2b: {  	s6 =	sld [smem:$0x3FAE]  }
0x2c: {  	s7 =	sld [smem:$0x3FAF]  }
0x2d: {  	s3 =	simm.s32 $0x108;
	s8 =	sld [smem:$0x3FB0]  }
0x2e: {  	s3 =	simm.s32 @!p0 $0x1082;
	s9 =	sld [smem:$0x3FB1]  }
0x2f: {  	lr =	sadd.s32 s0, s3;
	s0 =	sld [smem:$0x3FA8]  }
0x30: {  	s3 =	sld [smem:$0x3FAB]  }
0x31: {  	[smem:$0x3FB4] =	sst s10  }
0x32: {  	s10 =	sld [smem:$0x3FB2];
	_ =	sdelay $0x3  }
0x33: {  	p0 =	seq.s32 s10, $0x1;
	s10 =	sld [smem:$0x3FB4];
	_ =	sdelay $0x3  }
0x34: {  	[smem:$0x3FB4] =	sst s10  }
0x35: {  	s10 =	sld [smem:$0x3FB3];
	_ =	sdelay $0x3  }
0x36: {  	p1 =	seq.s32 s10, $0x1;
	s10 =	sld [smem:$0x3FB4];
	_ =	sdelay $0x3  }
0x37: {  	[smem:$0x3FB4] =	sst s10  }
0x38: {  	s10 =	sld [smem:$0x3FB5]  }
0x39: {  	_ = 	snop;
	(pc) =	sbr.ind lr, $3  }
0x3a: {  	_ = 	snop  }
0x3b: {  	_ = 	snop  }
0x3c: {  	p2 =	seq.s32 s10, $0x1;
	s10 =	sld [smem:$0x3FB4]  }
0x3d: {  	_ =	shalt  }
0x3e: {  	_ =	shalt  }
0x3f: {  	_ =	shalt  }
0x40: {  	_ =	shalt  }
0x41: {  	_ =	shalt  }
0x42: {  	_ =	shalt  }
0x43: {  	_ =	shalt  }
0x44: {  	_ =	shalt  }
0x45: {  	_ =	shalt  }
0x46: {  	_ =	shalt  }
0x47: {  	_ =	shalt  }
0x48: {  	_ =	shalt  }
0x49: {  	_ =	shalt  }
0x4a: {  	_ =	shalt  }
0x4b: {  	_ =	shalt  }
0x4c: {  	_ =	shalt  }
0x4d: {  	_ =	shalt  }
0x4e: {  	_ =	shalt  }
0x4f: {  	_ =	shalt  }
0x50: {  	_ =	shalt  }
0x51: {  	_ =	shalt  }
0x52: {  	_ =	shalt  }
0x53: {  	_ =	shalt  }
0x54: {  	_ =	shalt  }
0x55: {  	_ =	shalt  }
0x56: {  	_ =	shalt  }
0x57: {  	_ =	shalt  }
0x58: {  	_ =	shalt  }
0x59: {  	_ =	shalt  }
0x5a: {  	_ =	shalt  }
0x5b: {  	_ =	shalt  }
0x5c: {  	_ =	shalt  }
0x5d: {  	_ =	shalt  }
0x5e: {  	_ =	shalt  }
0x5f: {  	_ =	shalt  }
0x60: {  	_ =	shalt  }
0x61: {  	_ =	shalt  }
0x62: {  	_ =	shalt  }
0x63: {  	_ =	shalt  }
0x64: {  	_ =	shalt  }
0x65: {  	_ =	shalt  }
0x66: {  	_ =	shalt  }
0x67: {  	_ =	shalt  }
0x68: {  	_ =	shalt  }
0x69: {  	_ =	shalt  }
0x6a: {  	_ =	shalt  }
0x6b: {  	_ =	shalt  }
0x6c: {  	_ =	shalt  }
0x6d: {  	_ =	shalt  }
0x6e: {  	_ =	shalt  }
0x6f: {  	_ =	shalt  }
0x70: {  	_ =	shalt  }
0x71: {  	_ =	shalt  }
0x72: {  	_ =	shalt  }
0x73: {  	_ =	shalt  }
0x74: {  	_ =	shalt  }
0x75: {  	_ =	shalt  }
0x76: {  	_ =	shalt  }
0x77: {  	_ =	shalt  }
0x78: {  	_ =	shalt  }
0x79: {  	_ =	shalt  }
0x7a: {  	_ =	shalt  }
0x7b: {  	_ =	shalt  }
0x7c: {  	_ =	shalt  }
0x7d: {  	_ =	shalt  }
0x7e: {  	_ =	shalt  }
0x7f: {  	_ =	shalt  }
0x80: {  	_ =	shalt  }
0x81: {  	_ =	shalt  }
0x82: {  	_ =	shalt  }
0x83: {  	_ =	shalt  }
0x84: {  	_ =	shalt  }
0x85: {  	_ =	shalt  }
0x86: {  	_ =	shalt  }
0x87: {  	_ =	shalt  }
.Lfunc_end0:
.L_simem_size_0:
called_computation.2_lowered:
.L_overlay_start_0:
0x88: {  	s2 =	sld [smem:$0x3FD9]  }
0x89: {  	s3 =	sld [smem:$0x3FFE];
	_ =	sdelay $0x1  }
0x8a: {  	s1 =	srdreg.scid  }
0x8b: {  	s0 =	sand.u32 $0x1, s1  }
0x8c: {  	s16 =	sshll.u32 s0, $0xA;
	s2 =	sadd.s32 s3, s2  }
0x8d: {  	s2 =	sadd.s32 s2, s16  }
0x8e: {  	[smem:$0x3FC0] =	sst s2  }
0x8f: {  	_ = 	snop  }
0x90: {  	(tm) =	ssettm $0x1  }
0x91: {  	s17 =	sld [smem:$0x3FFB];
	_ =	sdelay $0x3  }
0x92: {  	_ =	strace s17  }
0x93: {  	s2 =	sld [smem:$0x3FFC];
	_ =	sdelay $0x3  }
0x94: {  	_ =	strace s2  }
0x95: {  	s2 =	sld [smem:$0x3FFD];
	_ =	sdelay $0x3  }
0x96: {  	_ =	strace s2  }
0x97: {  	_ =	strace $0x8FFFFFFF  }
0x98: {  	s18 =	sld [smem:$0x3FDB];
	_ =	sdelay $0x1  }
0x99: {  	s19 =	simm.s32 $_scs_section_size  }
0x9a: {  	s4 =	simm.s32 $_size__tile_overlayer_lowered;
	s5 =	simm.s32 $_tile_overlayer_lowered  }
0x9b: {  	s22 =	simm.s32 $0x1BFF;
	s21 =	sshll.u32 s5, $0x1;
	s2 =	sadd.s32 s19, s18  }
0x9c: {  	s6 =	simm.s32 $0x0;
	s20 =	sshll.u32 s4, $0x1;
	s4 =	sadd.s32 s21, s2  }
0x9d: {  	[timem:s6], [sflag:s22] =	dma.local [hbm:s4], s20  }
0x9e: {  	_ =	swait.ge [sflag:s22], s20  }
0x9f: {  	s3 =	ssub.s32 $0x0, s20;
	[sflag:s22] =	ssyncset.done $0x0  }
0xa0: {  	[sflag:s22] =	ssyncadd.s32 s3;
	_ =	sdelay $0x1  }
0xa1: {  	s23 =	simm.s32 $0x1B8B  }
0xa2: {  	_ =	swait.ge [sflag:s23], $0x1  }
0xa3: {  	[sflag:s23] =	ssyncset.done $0x0  }
0xa4: {  	s25 =	simm.s32 $0x1B8E;
	s24 =	sld [smem:$0x3FFE];
	[sflag:s23] =	ssyncadd.s32 $0xFFFFFFFF  }
0xa5: {  	s26 =	simm.s32 $execute0_lowered;
	[smem:$0x3FD2] =	sst s25  }
0xa6: {  	s4 =	sshll.u32 s26, $0x1;
	_ =	strace $0x8000004C;
	[dreg:$0x1] =	wrdreg $0xFFFFFFFF  }
0xa7: {  	s28 =	simm.s32 $_size_execute0_lowered;
	s2 =	sadd.s32 s2, s4;
	[dreg:$0x0] =	wrdreg $0x0  }
0xa8: {  	s4 =	sshll.u32 s28, $0x1;
	[dreg:$0x2] =	wrdreg s2  }
0xa9: {  	[dreg:$0x3] =	wrdreg s4  }
0xaa: {  	[dreg:$0x4] =	wrdreg $0xC0  }
0xab: {  	_ =	task [dreg:s6], $0x5FFFF  }
0xac: {  	[dreg:$0x1] =	wrdreg $0xFFFFFFFF  }
0xad: {  	[dreg:$0x0] =	wrdreg $0x60  }
0xae: {  	[dreg:$0x2] =	wrdreg s24  }
0xaf: {  	[dreg:$0x3] =	wrdreg $0xEF200  }
0xb0: {  	[dreg:$0x4] =	wrdreg $0xA1000  }
0xb1: {  	[dreg:$0x5] =	wrdreg $0x9  }
0xb2: {  	_ =	task.clear_ibuf [dreg:s6], $0x6FFFF;
	_ =	strace $0x9000004C  }
0xb3: {  	s29 =	simm.s32 $0x9;
	_ =	strace $0x8000004E  }
0xb4: {  	_ =	swait.ge [sflag:s29], $0x1  }
0xb5: {  	[sflag:s29] =	ssyncadd.s32 $0xFFFFFFFF  }
0xb6: {  	_ =	strace $0x9000004E  }
0xb7: {  	_ =	sfence  }
0xb8: {  	s30 =	sld [smem:$0x0];
	_ =	sdelay $0x2  }
0xb9: {  	s31 =	sshll.u32 s1, $0xD;
	s1 =	sshrl.u32 s1, $0x2  }
0xba: {  	s3 =	sand.u32 $0x4000, s31;
	s1 =	sadd.s32 s1, s30  }
0xbb: {  	s0 =	sor.u32 s3, s0;
	s1 =	sshll.u32 s1, $0x11  }
0xbc: {  	s0 =	sor.u32 s1, s0  }
0xbd: {  	s0 =	sadd.s32 $0x8F2B, s0  }
0xbe: {  	[sflag:s0] =	ssyncadd.remote.s32 $0x1  }
0xbf: {  	_ =	sfence.sel $0xFFFF  }
0xc0: {  	[dreg:$0x0] =	wrdreg $0xFFFFFFFF;
	(pc) =	sbr.abs _section_cstart, $3  }
0xc1: {  	[dreg:$0x1] =	wrdreg $0xFFFFFFFF  }
0xc2: {  	_ =	task.clear_ibuf [dreg:s6], $0x2FFFF;
	_ =	strace $0x9FFFFFFF  }
0xc3: {  	(tm) =	ssettm $0x7FFFFFFF  }
tec
execute0_lowered:
.L_overlay_start_1:
0x0: {  	(tag) =	ssettag $0x1  }
0x1: {  	s0 =	rddreg [dreg:$0x0]  }
0x2: {  	s1 =	rddreg [dreg:$0x1];
	s2 =	srdreg.scid  }
0x3: {  	s3 =	rddreg [dreg:$0x2];
	s10 =	stileid.u32  }
0x4: {  	s4 =	simm.s32 $0x0;
	s15 =	simm.s32 $0x9100;
	s16 =	simm.s32 $0x9  }
0x5: {  	s18 =	simm.s32 $0x2900;
	s19 =	simm.s32 $0x80;
	s20 =	simm.s32 $0x5100  }
0x6: {  	s21 =	simm.s32 $0x6100;
	s22 =	simm.s32 $0x1;
	s29 =	simm.s32 $0x8100  }
0x7: {  	s30 =	simm.s32 $0x3;
	s28 =	simm.s32 $0x6;
	s6 =	smul.u32 $0x4E20, s10  }
0x8: {  	s2 =	sand.u32 $0x1, s2;
	[smem:$0x7FF] =	sst s4;
	s8 =	smul.u32 $0x14000, s10  }
0x9: {  	s12 =	smul.u32 $0x5000, s10;
	s5 =	sshll.u32 s2, $0x4;
	_ =	strace $0x8000004D  }
0xa: {  	s9 =	ssub.s32 $0x2, s2;
	p0 =	seq.s32 s2, $0x1;
	s2 =	simm.s32 $0x71200  }
0xb: {  	s5 =	sor.u32 s10, s5;
	s7 =	sshrl.u32 s6, $0x3;
	s23 =	sshrl.u32 s9, $0x1  }
0xc: {  	s8 =	sshrl.u32 s8, $0x2;
	s6 =	sadd.s32 s6, s3;
	s2 =	simm.s32 @!p0 $0x7B200  }
0xd: {  	s31 =	sshrl.u32 s12, $0x3;
	s5 =	smul.u32 $0x500, s5;
	s7 =	sadd.s32 s7, s0  }
0xe: {  	s14 =	ssub.s32 s9, s23;
	s24 =	sadd.s32 s8, s1;
	s17 =	sshrl.u32 s6, $0x3  }
0xf: {  	s23 =	simm.s32 $0x4;
	s8 =	sadd.s32 $0x1000, s24;
	s25 =	sadd.s32 $0x2000, s24  }
0x10: {  	s26 =	sadd.s32 $0x3000, s24;
	s9 =	sadd.s32 $0x4000, s24;
	[dreg:$0x4] =	wrdreg s8  }
0x11: {  	s10 =	sadd.s32 $0x67400, s7;
	s24 =	simm.s32 $0x7100;
	[dreg:$0x5] =	wrdreg s25  }
0x12: {  	s13 =	sadd.s32 s5, s0;
	s5 =	sadd.s32 s12, s1;
	[dreg:$0x6] =	wrdreg s26  }
0x13: {  	s0 =	sadd.s32 s2, s0;
	s25 =	simm.s32 $0x2;
	s2 =	simm.s32 $0x7  }
0x14: {  	s26 =	simm.s32 $0x8;
	s11 =	sadd.s32 $0xD400, s13;
	s12 =	sadd.s32 $0x2E00, s13  }
0x15: {  	v0 =	vimm.f32 $0.0e+00;
	v1 =	vimm.s32 $0x0;
	s13 =	smax.u32 s14, $0x1;
	s14 =	sadd.s32 s0, s31;
	s0 =	simm.s32 $0x5  }
.LBB2_1:
0x16: {  	s6 =	simm.s32 $0x80;
	s7 =	simm.s32 $0x0  }
.LBB2_2:
0x17: {  	p0 =	sne.s32 s6, $0x3F80;
	[tilespmem:s7+$0x9100] =	vst v0;
	s31 =	smov.u32 s6;
	s6 =	sadd.s32 $0x80, s6  }
.Ltmp0:
0x18: {  	[tilespmem:s7+$0x9110] =	vst v0;
	(pc) =	sbr.rel @p0 .LBB2_2-.Ltmp0, $2  }
0x19: {  	_ =	sdelay $0x2  }
0x1a: {  	s7 =	sshra.s32 s31, $0x2  }
0x1b: {  	[tilespmem:s7+$0x9100] =	vst v0  }
0x1c: {  	[tilespmem:s7+$0x9110] =	vst v0  }
0x1d: {  	[spmem:s5] =	stream.linear.scatter [tilespmem:s15], [sflag:$0x9], $0x1000, $0x38;
	[tilespmem:$0x13F20] =	vst v63  }
0x1e: {  	_ =	swait.ge [sflag:s16], $0x1000  }
0x1f: {  	[sflag:s16] =	ssyncset.done $0x0  }
0x20: {  	s6 =	rddreg [dreg:$0x4];
	[sflag:s16] =	ssyncadd.s32 $0xFFFFF000  }
0x21: {  	[spmem:s6] =	stream.linear.scatter [tilespmem:s15], [sflag:$0x9], $0x1000, $0x38;
	[tilespmem:$0x13F20] =	vst v63  }
0x22: {  	_ =	swait.ge [sflag:s16], $0x1000  }
0x23: {  	[sflag:s16] =	ssyncset.done $0x0  }
0x24: {  	s7 =	rddreg [dreg:$0x5];
	[sflag:s16] =	ssyncadd.s32 $0xFFFFF000  }
0x25: {  	[spmem:s7] =	stream.linear.scatter [tilespmem:s15], [sflag:$0x9], $0x1000, $0x38;
	[tilespmem:$0x13F20] =	vst v63  }
0x26: {  	_ =	swait.ge [sflag:s16], $0x1000  }
0x27: {  	[sflag:s16] =	ssyncset.done $0x0  }
0x28: {  	s8 =	rddreg [dreg:$0x6];
	[sflag:s16] =	ssyncadd.s32 $0xFFFFF000  }
0x29: {  	[spmem:s8] =	stream.linear.scatter [tilespmem:s15], [sflag:$0x9], $0x1000, $0x38;
	[tilespmem:$0x13F20] =	vst v63  }
0x2a: {  	_ =	swait.ge [sflag:s16], $0x1000  }
0x2b: {  	[sflag:s16] =	ssyncset.done $0x0  }
0x2c: {  	[sflag:s16] =	ssyncadd.s32 $0xFFFFF000  }
0x2d: {  	[spmem:s9] =	stream.linear.scatter [tilespmem:s15], [sflag:$0x9], $0x1000, $0x38;
	[tilespmem:$0x13F20] =	vst v63  }
0x2e: {  	s7 =	stileid.u32;
	_ =	swait.ge [sflag:s16], $0x1000  }
0x2f: {  	s6 =	sshll.u32 s7, $0x6;
	[sflag:s16] =	ssyncset.done $0x0  }
0x30: {  	s31 =	sor.u32 $0x1C09, s6;
	[sflag:s16] =	ssyncadd.s32 $0xFFFFF000  }
0x31: {  	[spmem:s17], [sflag:s31] =	dma.local [hbm:s10], $0x9C4  }
0x32: {  	_ =	swait.ge [sflag:s16], $0x9C4  }
0x33: {  	[sflag:s16] =	ssyncset.done $0x0  }
0x34: {  	s8 =	simm.s32 $0x0;
	[sflag:s16] =	ssyncadd.s32 $0xFFFFF63C  }
0x35: {  	[tilespmem:s8], [sflag:$0x9] =	stream.linear.gather [hbm4b:s11+s8], $0x2800, $0x38;
	[tilespmem:$0x13F20] =	vst v63  }
0x36: {  	_ =	swait.ge [sflag:s16], $0x2800  }
0x37: {  	[sflag:s16] =	ssyncset.done $0x0  }
0x38: {  	[sflag:s16] =	ssyncadd.s32 $0xFFFFD800  }
0x39: {  	[tilespmem:$0x2800] =	vst v1  }
0x3a: {  	[tilespmem:$0x2810] =	vst v1  }
0x3b: {  	[tilespmem:$0x2820] =	vst v1  }
0x3c: {  	[tilespmem:$0x2830] =	vst v1  }
0x3d: {  	[tilespmem:$0x2840] =	vst v1  }
0x3e: {  	[tilespmem:$0x2850] =	vst v1  }
0x3f: {  	[tilespmem:$0x2860] =	vst v1  }
0x40: {  	[tilespmem:$0x2870] =	vst v1  }
0x41: {  	[tilespmem:$0x2880] =	vst v1  }
0x42: {  	[tilespmem:$0x2890] =	vst v1  }
0x43: {  	[tilespmem:$0x28A0] =	vst v1  }
0x44: {  	[tilespmem:$0x28B0] =	vst v1  }
0x45: {  	[tilespmem:$0x28C0] =	vst v1  }
0x46: {  	[tilespmem:$0x28D0] =	vst v1  }
0x47: {  	[tilespmem:$0x28E0] =	vst v1  }
0x48: {  	[tilespmem:$0x28F0] =	vst v1  }
0x49: {  	[tilespmem:s18], [sflag:$0x9] =	stream.linear.gather [hbm4b:s12+s8], $0x2800, $0x38;
	[tilespmem:$0x13F20] =	vst v63  }
0x4a: {  	_ =	swait.ge [sflag:s16], $0x2800  }
0x4b: {  	[sflag:s16] =	ssyncset.done $0x0  }
0x4c: {  	[sflag:s16] =	ssyncadd.s32 $0xFFFFD800  }
0x4d: {  	[bflag:$0x0] =	sbarrier.arrive $0xFFFF  }
0x4e: {  	[tilespmem:s20], [sflag:$0x1] =	stream.indirect.gather [spmem:s3], $0x20, s8, s19, $0xb8;
	[tilespmem:$0x13F20] =	vst v63  }
0x4f: {  	_ = 	snop  }
0x50: {  	[tilespmem:s21], [sflag:$0x2] =	stream.indirect.gather [spmem:s3], $0x20, s19, s19, $0xb8;
	[tilespmem:$0x13F20] =	vst v63  }
0x51: {  	_ =	swait.ge [sflag:s22], $0x1000  }
0x52: {  	[sflag:s22] =	ssyncset.done $0x0  }
0x53: {  	[sflag:s22] =	ssyncadd.s32 $0xFFFFF000  }
0x54: {  	[spmem:s1] =	stream.indirect.scatter.add.f32 [tilespmem:s20], [sflag:$0x5], $0x20, s18, s19, $0xb8;
	[tilespmem:$0x13F20] =	vst v63  }
0x55: {  	s7 =	simm.s32 $0x100  }
0x56: {  	[tilespmem:s24], [sflag:$0x3] =	stream.indirect.gather [spmem:s3], $0x20, s7, s19, $0xb8;
	[tilespmem:$0x13F20] =	vst v63  }
0x57: {  	_ =	swait.ge [sflag:s25], $0x1000  }
0x58: {  	[sflag:s25] =	ssyncset.done $0x0  }
0x59: {  	s8 =	simm.s32 $0x2980;
	[sflag:s25] =	ssyncadd.s32 $0xFFFFF000  }
0x5a: {  	[spmem:s1] =	stream.indirect.scatter.add.f32 [tilespmem:s21], [sflag:$0x6], $0x20, s8, s19, $0xb8;
	[tilespmem:$0x13F20] =	vst v63  }
0x5b: {  	s7 =	simm.s32 $0x180  }
0x5c: {  	[tilespmem:s29], [sflag:$0x4] =	stream.indirect.gather [spmem:s3], $0x20, s7, s19, $0xb8;
	[tilespmem:$0x13F20] =	vst v63  }
0x5d: {  	_ =	swait.ge [sflag:s30], $0x1000  }
0x5e: {  	[sflag:s30] =	ssyncset.done $0x0  }
0x5f: {  	s8 =	simm.s32 $0x2A00;
	[sflag:s30] =	ssyncadd.s32 $0xFFFFF000  }
0x60: {  	[spmem:s1] =	stream.indirect.scatter.add.f32 [tilespmem:s24], [sflag:$0x7], $0x20, s8, s19, $0xb8;
	[tilespmem:$0x13F20] =	vst v63  }
0x61: {  	_ =	swait.ge [sflag:s0], $0x1000  }
0x62: {  	[sflag:s0] =	ssyncset.done $0x0  }
0x63: {  	s7 =	simm.s32 $0x200;
	[sflag:s0] =	ssyncadd.s32 $0xFFFFF000  }
0x64: {  	[tilespmem:s20], [sflag:$0x1] =	stream.indirect.gather [spmem:s3], $0x20, s7, s19, $0xb8;
	[tilespmem:$0x13F20] =	vst v63  }
0x65: {  	_ =	swait.ge [sflag:s23], $0x1000  }
0x66: {  	[sflag:s23] =	ssyncset.done $0x0  }
0x67: {  	s8 =	simm.s32 $0x2A80;
	[sflag:s23] =	ssyncadd.s32 $0xFFFFF000  }
0x68: {  	[spmem:s1] =	stream.indirect.scatter.add.f32 [tilespmem:s29], [sflag:$0x8], $0x20, s8, s19, $0xb8;
	[tilespmem:$0x13F20] =	vst v63  }
0x69: {  	_ =	swait.ge [sflag:s28], $0x1000  }
0x6a: {  	[sflag:s28] =	ssyncset.done $0x0  }
0x6b: {  	s7 =	simm.s32 $0x280;
	[sflag:s28] =	ssyncadd.s32 $0xFFFFF000  }
0x6c: {  	[tilespmem:s21], [sflag:$0x2] =	stream.indirect.gather [spmem:s3], $0x20, s7, s19, $0xb8;
	[tilespmem:$0x13F20] =	vst v63  }
0x6d: {  	_ =	swait.ge [sflag:s22], $0x1000  }
0x6e: {  	[sflag:s22] =	ssyncset.done $0x0  }
0x6f: {  	s8 =	simm.s32 $0x2B00;
	[sflag:s22] =	ssyncadd.s32 $0xFFFFF000  }
0x70: {  	[spmem:s1] =	stream.indirect.scatter.add.f32 [tilespmem:s20], [sflag:$0x5], $0x20, s8, s19, $0xb8;
	[tilespmem:$0x13F20] =	vst v63  }
0x71: {  	_ =	swait.ge [sflag:s2], $0x1000  }
0x72: {  	[sflag:s2] =	ssyncset.done $0x0  }
0x73: {  	s7 =	simm.s32 $0x300;
	[sflag:s2] =	ssyncadd.s32 $0xFFFFF000  }
0x74: {  	[tilespmem:s24], [sflag:$0x3] =	stream.indirect.gather [spmem:s3], $0x20, s7, s19, $0xb8;
	[tilespmem:$0x13F20] =	vst v63  }
0x75: {  	_ =	swait.ge [sflag:s25], $0x1000  }
0x76: {  	[sflag:s25] =	ssyncset.done $0x0  }
0x77: {  	s8 =	simm.s32 $0x2B80;
	[sflag:s25] =	ssyncadd.s32 $0xFFFFF000  }
0x78: {  	[spmem:s1] =	stream.indirect.scatter.add.f32 [tilespmem:s21], [sflag:$0x6], $0x20, s8, s19, $0xb8;
	[tilespmem:$0x13F20] =	vst v63  }
0x79: {  	_ =	swait.ge [sflag:s26], $0x1000  }
0x7a: {  	[sflag:s26] =	ssyncset.done $0x0  }
0x7b: {  	s7 =	simm.s32 $0x380;
	[sflag:s26] =	ssyncadd.s32 $0xFFFFF000  }
0x7c: {  	[tilespmem:s29], [sflag:$0x4] =	stream.indirect.gather [spmem:s3], $0x20, s7, s19, $0xb8;
	[tilespmem:$0x13F20] =	vst v63  }
0x7d: {  	_ =	swait.ge [sflag:s30], $0x1000  }
0x7e: {  	[sflag:s30] =	ssyncset.done $0x0  }
0x7f: {  	s8 =	simm.s32 $0x2C00;
	[sflag:s30] =	ssyncadd.s32 $0xFFFFF000  }
0x80: {  	[spmem:s1] =	stream.indirect.scatter.add.f32 [tilespmem:s24], [sflag:$0x7], $0x20, s8, s19, $0xb8;
	[tilespmem:$0x13F20] =	vst v63  }
0x81: {  	_ =	swait.ge [sflag:s0], $0x1000  }
0x82: {  	[sflag:s0] =	ssyncset.done $0x0  }
0x83: {  	s7 =	simm.s32 $0x400;
	[sflag:s0] =	ssyncadd.s32 $0xFFFFF000  }
0x84: {  	[tilespmem:s20], [sflag:$0x1] =	stream.indirect.gather [spmem:s3], $0x20, s7, s19, $0xb8;
	[tilespmem:$0x13F20] =	vst v63  }
0x85: {  	_ =	swait.ge [sflag:s23], $0x1000  }
0x86: {  	[sflag:s23] =	ssyncset.done $0x0  }
0x87: {  	s8 =	simm.s32 $0x2C80;
	[sflag:s23] =	ssyncadd.s32 $0xFFFFF000  }
0x88: {  	[spmem:s1] =	stream.indirect.scatter.add.f32 [tilespmem:s29], [sflag:$0x8], $0x20, s8, s19, $0xb8;
	[tilespmem:$0x13F20] =	vst v63  }
0x89: {  	_ =	swait.ge [sflag:s28], $0x1000  }
0x8a: {  	[sflag:s28] =	ssyncset.done $0x0  }
0x8b: {  	s6 =	simm.s32 $0x800;
	s7 =	simm.s32 $0x480;
	[sflag:s28] =	ssyncadd.s32 $0xFFFFF000  }
.LBB2_4:
0x8c: {  	[tilespmem:s21], [sflag:$0x2] =	stream.indirect.gather [spmem:s3], $0x20, s7, s19, $0xb8;
	[tilespmem:$0x13F20] =	vst v63  }
0x8d: {  	s7 =	smov.u32 s6  }
0x8e: {  	p0 =	sne.s32 s6, $0x9000;
	s6 =	sadd.s32 $0x800, s6;
	_ =	swait.ge [sflag:s22], $0x1000  }
0x8f: {  	s7 =	sshra.s32 s7, $0x2;
	[sflag:s22] =	ssyncset.done $0x0  }
0x90: {  	s8 =	sadd.s32 $0x2B00, s7;
	[sflag:s22] =	ssyncadd.s32 $0xFFFFF000  }
0x91: {  	[spmem:s1] =	stream.indirect.scatter.add.f32 [tilespmem:s20], [sflag:$0x5], $0x20, s8, s19, $0xb8;
	[tilespmem:$0x13F20] =	vst v63  }
0x92: {  	_ =	swait.ge [sflag:s2], $0x1000  }
0x93: {  	[sflag:s2] =	ssyncset.done $0x0  }
0x94: {  	s8 =	sadd.s32 $0x300, s7;
	[sflag:s2] =	ssyncadd.s32 $0xFFFFF000  }
0x95: {  	[tilespmem:s24], [sflag:$0x3] =	stream.indirect.gather [spmem:s3], $0x20, s8, s19, $0xb8;
	[tilespmem:$0x13F20] =	vst v63  }
0x96: {  	_ =	swait.ge [sflag:s25], $0x1000  }
0x97: {  	[sflag:s25] =	ssyncset.done $0x0  }
0x98: {  	s8 =	sadd.s32 $0x2B80, s7;
	[sflag:s25] =	ssyncadd.s32 $0xFFFFF000  }
0x99: {  	[spmem:s1] =	stream.indirect.scatter.add.f32 [tilespmem:s21], [sflag:$0x6], $0x20, s8, s19, $0xb8;
	[tilespmem:$0x13F20] =	vst v63  }
0x9a: {  	_ =	swait.ge [sflag:s26], $0x1000  }
0x9b: {  	[sflag:s26] =	ssyncset.done $0x0  }
0x9c: {  	s8 =	sadd.s32 $0x380, s7;
	[sflag:s26] =	ssyncadd.s32 $0xFFFFF000  }
0x9d: {  	[tilespmem:s29], [sflag:$0x4] =	stream.indirect.gather [spmem:s3], $0x20, s8, s19, $0xb8;
	[tilespmem:$0x13F20] =	vst v63  }
0x9e: {  	_ =	swait.ge [sflag:s30], $0x1000  }
0x9f: {  	[sflag:s30] =	ssyncset.done $0x0  }
0xa0: {  	s8 =	sadd.s32 $0x2C00, s7;
	[sflag:s30] =	ssyncadd.s32 $0xFFFFF000  }
0xa1: {  	[spmem:s1] =	stream.indirect.scatter.add.f32 [tilespmem:s24], [sflag:$0x7], $0x20, s8, s19, $0xb8;
	[tilespmem:$0x13F20] =	vst v63  }
0xa2: {  	_ =	swait.ge [sflag:s0], $0x1000  }
0xa3: {  	[sflag:s0] =	ssyncset.done $0x0  }
0xa4: {  	s8 =	sadd.s32 $0x400, s7;
	[sflag:s0] =	ssyncadd.s32 $0xFFFFF000  }
0xa5: {  	[tilespmem:s20], [sflag:$0x1] =	stream.indirect.gather [spmem:s3], $0x20, s8, s19, $0xb8;
	[tilespmem:$0x13F20] =	vst v63  }
0xa6: {  	_ =	swait.ge [sflag:s23], $0x1000  }
0xa7: {  	[sflag:s23] =	ssyncset.done $0x0  }
.Ltmp1:
0xa8: {  	s8 =	sadd.s32 $0x2C80, s7;
	[sflag:s23] =	ssyncadd.s32 $0xFFFFF000;
	(pc) =	sbr.rel @p0 .LBB2_4-.Ltmp1, $4  }
0xa9: {  	[spmem:s1] =	stream.indirect.scatter.add.f32 [tilespmem:s29], [sflag:$0x8], $0x20, s8, s19, $0xb8;
	[tilespmem:$0x13F20] =	vst v63  }
0xaa: {  	_ =	swait.ge [sflag:s28], $0x1000  }
0xab: {  	[sflag:s28] =	ssyncset.done $0x0  }
0xac: {  	s7 =	sadd.s32 $0x480, s7;
	[sflag:s28] =	ssyncadd.s32 $0xFFFFF000  }
0xad: {  	[tilespmem:s21], [sflag:$0x2] =	stream.indirect.gather [spmem:s3], $0x20, s7, s19, $0xb8;
	[tilespmem:$0x13F20] =	vst v63  }
0xae: {  	_ =	swait.ge [sflag:s22], $0x1000  }
0xaf: {  	[sflag:s22] =	ssyncset.done $0x0  }
0xb0: {  	[sflag:s22] =	ssyncadd.s32 $0xFFFFF000  }
0xb1: {  	_ =	swait.ge [sflag:s25], $0x1000  }
0xb2: {  	[sflag:s25] =	ssyncset.done $0x0  }
0xb3: {  	[sflag:s25] =	ssyncadd.s32 $0xFFFFF000  }
0xb4: {  	_ =	swait.ge [sflag:s2], $0x1000  }
0xb5: {  	[sflag:s2] =	ssyncset.done $0x0  }
0xb6: {  	[sflag:s2] =	ssyncadd.s32 $0xFFFFF000  }
0xb7: {  	_ =	swait.ge [sflag:s26], $0x1000  }
0xb8: {  	s4 =	sadd.s32 $0x1, s4;
	[sflag:s26] =	ssyncset.done $0x0  }
0xb9: {  	p0 =	sne.s32 s4, s13;
	[sflag:s26] =	ssyncadd.s32 $0xFFFFF000  }
.Ltmp2:
0xba: {  	s6 =	sshrl.u32 s5, $0x3;
	[bflag:$0x0] =	sbarrier.arrive $0xFFFF;
	(pc) =	sbr.rel @p0 .LBB2_1-.Ltmp2, $4  }
0xbb: {  	[hbm:s14], [sflag:s31] =	dma.local [spmem:s6], $0xA00  }
0xbc: {  	_ =	swait.ge [sflag:s16], $0xA00  }
0xbd: {  	[sflag:s16] =	ssyncset.done $0x0  }
0xbe: {  	[sflag:s16] =	ssyncadd.s32 $0xFFFFF600  }
0xbf: {  	_ =	sfence.sel $0x180000  }
0xc0: {  	[bflag:$0x0] =	sbarrier.arrive $0xFFFF  }
0xc1: {  	_ =	strace $0x9000004D  }
0xc2: {  	s0 =	stileid.u32;
	[bflag:$0x2] =	sbarrier.arrive $0xFFFF  }
0xc3: {  	p0 =	sne.s32 s0, $0x0;
	s0 =	rddreg [dreg:$0x3]  }
0xc4: {  	s0 =	sadd.s32 @!p0 $0x100000, s0  }
0xc5: {  	[sflag:s0] =	ssyncadd.tile.s32 @!p0 $0x1;
	_ =	shalt  }
.Lfunc_end2:
_tile_overlayer_lowered:
.L_overlay_start_2:
0xc6: {  	(tag) =	ssettag $0x2  }
0xc7: {  	s0 =	rddreg [dreg:$0x0];
	s2 =	stileid.u32  }
0xc8: {  	s1 =	rddreg [dreg:$0x1];
	p0 =	sne.s32 s2, $0x0  }
0xc9: {  	s3 =	rddreg [dreg:$0x2];
	[bflag:$0x3] =	sbarrier.arrive $0xFFFF;
	s2 =	simm.s32 @!p0 $0x1C09  }
0xca: {  	[timem:s3], [sflag:s2] =	dma.local @!p0 [hbm:s0], s1  }
0xcb: {  	s0 =	simm.s32 @!p0 $0x9  }
0xcc: {  	_ =	swait.ge @!p0 [sflag:s0], s1  }
0xcd: {  	s1 =	ssub.s32 @!p0 $0x0, s1;
	[sflag:s0] =	ssyncset.done @!p0 $0x0  }
0xce: {  	[sflag:s0] =	ssyncadd.s32 @!p0 s1  }
0xcf: {  	[bflag:$0x3] =	sbarrier.arrive $0xFFFF  }
0xd0: {  	_ =	shalt  }

// kernel: kernel.8.cloned.1.call-start
scs
__scs_entry_jumppad:
0x0: {  	(pc) =	sbr.rel $0x88, $3  }
0x1: {  	(tag) =	ssettag $0x0;
	lr =	simm.s32 $0x1  }
0x2: {  	[smem:$0x3F99] =	sst lr;
	_ =	strace $0xD0000000  }
0x3: {  	_ = 	snop  }
0x4: {  	_ = 	snop  }
0x5: {  	_ = 	snop  }
0x6: {  	_ = 	snop  }
0x7: {  	_ = 	snop  }
__scs_overlays_trampoline_lowered:
0x8: {  	[smem:$0x3FA8] =	sst s0  }
0x9: {  	[smem:$0x3FA9] =	sst s1  }
0xa: {  	[smem:$0x3FAA] =	sst s2  }
0xb: {  	[smem:$0x3FAB] =	sst s3  }
0xc: {  	[smem:$0x3FAC] =	sst s4  }
0xd: {  	[smem:$0x3FAD] =	sst s5  }
0xe: {  	[smem:$0x3FAE] =	sst s6  }
0xf: {  	[smem:$0x3FAF] =	sst s7  }
0x10: {  	[smem:$0x3FB0] =	sst s8  }
0x11: {  	[smem:$0x3FB1] =	sst s9;
	s0 =	simm.s32 @!p0 $0x0  }
0x12: {  	s1 =	sld [smem:$0x3F97];
	s0 =	simm.s32 @p0 $0x1  }
0x13: {  	[smem:$0x3FB2] =	sst s0;
	s0 =	simm.s32 @!p1 $0x0  }
0x14: {  	s2 =	sld [smem:$0x3F96];
	s0 =	simm.s32 @p1 $0x1  }
0x15: {  	[smem:$0x3FB3] =	sst s0;
	s0 =	simm.s32 @!p2 $0x0  }
0x16: {  	s3 =	sld [smem:$0x3FDB];
	s0 =	simm.s32 @p2 $0x1  }
0x17: {  	s4 =	simm.s32 $0x1BF5;
	[smem:$0x3FB5] =	sst s0  }
0x18: {  	s0 =	sld [smem:$0x3F98];
	_ =	swait.ge [sflag:s4], $0x0  }
0x19: {  	s7 =	sld [smem:$0x3F99]  }
0x1a: {  	s8 =	sadd.s32 $0xFFFFE003, lr  }
0x1b: {  	s9 =	sadd.s32 $0xFFFFFEF7, lr;
	s5 =	simm.s32 $0xFFFFFFFF;
	p2 =	slt.u32 s8, $0xFFFFF086  }
0x1c: {  	p1 =	slt.u32 s9, $0xF7A;
	s5 =	simm.s32 @!p2 $0x0  }
0x1d: {  	s5 =	simm.s32 @p1 $0x1;
	p0 =	seq.s32 s7, s2  }
0x1e: {  	s7 =	smul.u32 @!p0 $0xF7A, s2;
	p2 =	seq.s32 @!p0 s5, $0x0  }
0x1f: {  	s9 =	smul.u32 $0xF7A, s1;
	s8 =	simm.s32 @!p0 $0x1BF5;
	p2 =	por !p2, p0  }
0x20: {  	[sflag:s8] =	ssyncset.s32 @!p0 $0xFFFFF086;
	s6 =	sadd.s32 @!p0 s3, s7;
	s7 =	simm.s32 @!p0 $0x108  }
0x21: {  	s3 =	sadd.s32 s3, s9;
	s6 =	sadd.s32 @!p0 $0x88, s6;
	s7 =	simm.s32 @p2 $0x1082  }
0x22: {  	[simem:s7], [sflag:s8] =	dma.local @!p0 [hbm:s6], $0xF7A  }
0x23: {  	s9 =	sor.u32 $0xD0000000, s2;
	s6 =	simm.s32 $0x108;
	_ =	swait.ge @!p0 [sflag:s8], $0x0  }
0x24: {  	s3 =	sadd.s32 $0x88, s3;
	s6 =	simm.s32 @!p1 $0x1082;
	[sflag:s4] =	ssyncset.s32 $0xFFFFF086  }
0x25: {  	[simem:s6], [sflag:s4] =	dma.local [hbm:s3], $0xF7A  }
0x26: {  	[smem:$0x3F99] =	sst s1;
	(tag) =	ssettag s2;
	_ =	strace s9  }
0x27: {  	s1 =	sld [smem:$0x3FA9]  }
0x28: {  	s2 =	sld [smem:$0x3FAA]  }
0x29: {  	s4 =	sld [smem:$0x3FAC]  }
0x2a: {  	p0 =	seq.s32 s5, $0x0;
	s5 =	sld [smem:$0x3FAD]  }
0x2b: {  	s6 =	sld [smem:$0x3FAE]  }
0x2c: {  	s7 =	sld [smem:$0x3FAF]  }
0x2d: {  	s3 =	simm.s32 $0x108;
	s8 =	sld [smem:$0x3FB0]  }
0x2e: {  	s3 =	simm.s32 @!p0 $0x1082;
	s9 =	sld [smem:$0x3FB1]  }
0x2f: {  	lr =	sadd.s32 s0, s3;
	s0 =	sld [smem:$0x3FA8]  }
0x30: {  	s3 =	sld [smem:$0x3FAB]  }
0x31: {  	[smem:$0x3FB4] =	sst s10  }
0x32: {  	s10 =	sld [smem:$0x3FB2];
	_ =	sdelay $0x3  }
0x33: {  	p0 =	seq.s32 s10, $0x1;
	s10 =	sld [smem:$0x3FB4];
	_ =	sdelay $0x3  }
0x34: {  	[smem:$0x3FB4] =	sst s10  }
0x35: {  	s10 =	sld [smem:$0x3FB3];
	_ =	sdelay $0x3  }
0x36: {  	p1 =	seq.s32 s10, $0x1;
	s10 =	sld [smem:$0x3FB4];
	_ =	sdelay $0x3  }
0x37: {  	[smem:$0x3FB4] =	sst s10  }
0x38: {  	s10 =	sld [smem:$0x3FB5]  }
0x39: {  	_ = 	snop;
	(pc) =	sbr.ind lr, $3  }
0x3a: {  	_ = 	snop  }
0x3b: {  	_ = 	snop  }
0x3c: {  	p2 =	seq.s32 s10, $0x1;
	s10 =	sld [smem:$0x3FB4]  }
0x3d: {  	_ =	shalt  }
0x3e: {  	_ =	shalt  }
0x3f: {  	_ =	shalt  }
0x40: {  	_ =	shalt  }
0x41: {  	_ =	shalt  }
0x42: {  	_ =	shalt  }
0x43: {  	_ =	shalt  }
0x44: {  	_ =	shalt  }
0x45: {  	_ =	shalt  }
0x46: {  	_ =	shalt  }
0x47: {  	_ =	shalt  }
0x48: {  	_ =	shalt  }
0x49: {  	_ =	shalt  }
0x4a: {  	_ =	shalt  }
0x4b: {  	_ =	shalt  }
0x4c: {  	_ =	shalt  }
0x4d: {  	_ =	shalt  }
0x4e: {  	_ =	shalt  }
0x4f: {  	_ =	shalt  }
0x50: {  	_ =	shalt  }
0x51: {  	_ =	shalt  }
0x52: {  	_ =	shalt  }
0x53: {  	_ =	shalt  }
0x54: {  	_ =	shalt  }
0x55: {  	_ =	shalt  }
0x56: {  	_ =	shalt  }
0x57: {  	_ =	shalt  }
0x58: {  	_ =	shalt  }
0x59: {  	_ =	shalt  }
0x5a: {  	_ =	shalt  }
0x5b: {  	_ =	shalt  }
0x5c: {  	_ =	shalt  }
0x5d: {  	_ =	shalt  }
0x5e: {  	_ =	shalt  }
0x5f: {  	_ =	shalt  }
0x60: {  	_ =	shalt  }
0x61: {  	_ =	shalt  }
0x62: {  	_ =	shalt  }
0x63: {  	_ =	shalt  }
0x64: {  	_ =	shalt  }
0x65: {  	_ =	shalt  }
0x66: {  	_ =	shalt  }
0x67: {  	_ =	shalt  }
0x68: {  	_ =	shalt  }
0x69: {  	_ =	shalt  }
0x6a: {  	_ =	shalt  }
0x6b: {  	_ =	shalt  }
0x6c: {  	_ =	shalt  }
0x6d: {  	_ =	shalt  }
0x6e: {  	_ =	shalt  }
0x6f: {  	_ =	shalt  }
0x70: {  	_ =	shalt  }
0x71: {  	_ =	shalt  }
0x72: {  	_ =	shalt  }
0x73: {  	_ =	shalt  }
0x74: {  	_ =	shalt  }
0x75: {  	_ =	shalt  }
0x76: {  	_ =	shalt  }
0x77: {  	_ =	shalt  }
0x78: {  	_ =	shalt  }
0x79: {  	_ =	shalt  }
0x7a: {  	_ =	shalt  }
0x7b: {  	_ =	shalt  }
0x7c: {  	_ =	shalt  }
0x7d: {  	_ =	shalt  }
0x7e: {  	_ =	shalt  }
0x7f: {  	_ =	shalt  }
0x80: {  	_ =	shalt  }
0x81: {  	_ =	shalt  }
0x82: {  	_ =	shalt  }
0x83: {  	_ =	shalt  }
0x84: {  	_ =	shalt  }
0x85: {  	_ =	shalt  }
0x86: {  	_ =	shalt  }
0x87: {  	_ =	shalt  }
.Lfunc_end0:
.L_simem_size_0:
called_computation_lowered:
.L_overlay_start_0:
0x88: {  	s2 =	sld [smem:$0x3FD9]  }
0x89: {  	s3 =	sld [smem:$0x3FFE];
	_ =	sdelay $0x1  }
0x8a: {  	s1 =	srdreg.scid  }
0x8b: {  	s0 =	sand.u32 $0x1, s1  }
0x8c: {  	s17 =	sshll.u32 s0, $0xA;
	s2 =	sadd.s32 s3, s2  }
0x8d: {  	s2 =	sadd.s32 s2, s17  }
0x8e: {  	[smem:$0x3FC0] =	sst s2  }
0x8f: {  	_ = 	snop  }
0x90: {  	s2 =	sld [smem:$0x3FD0];
	(tm) =	ssettm $0x1  }
0x91: {  	s18 =	sld [smem:$0x3FFB];
	_ =	sdelay $0x3  }
0x92: {  	_ =	strace s18  }
0x93: {  	s3 =	sld [smem:$0x3FFC];
	_ =	sdelay $0x3  }
0x94: {  	_ =	strace s3  }
0x95: {  	s3 =	sld [smem:$0x3FFD];
	_ =	sdelay $0x3  }
0x96: {  	_ =	strace s3  }
0x97: {  	_ =	strace $0x8FFFFFFF  }
0x98: {  	s19 =	sld [smem:$0x3FDB];
	_ =	sdelay $0x1  }
0x99: {  	s4 =	simm.s32 $_scs_section_size  }
0x9a: {  	s5 =	simm.s32 $_size__tile_overlayer_lowered;
	s6 =	simm.s32 $_tile_overlayer_lowered  }
0x9b: {  	s22 =	simm.s32 $0x1BFF;
	s21 =	sshll.u32 s6, $0x1;
	s3 =	sadd.s32 s4, s19  }
0x9c: {  	s7 =	simm.s32 $0x0;
	s20 =	sshll.u32 s5, $0x1;
	s5 =	sadd.s32 s21, s3  }
0x9d: {  	[timem:s7], [sflag:s22] =	dma.local [hbm:s5], s20  }
0x9e: {  	_ =	swait.ge [sflag:s22], s20  }
0x9f: {  	s4 =	ssub.s32 $0x0, s20;
	[sflag:s22] =	ssyncset.done $0x0  }
0xa0: {  	[sflag:s22] =	ssyncadd.s32 s4;
	_ =	sdelay $0x1  }
0xa1: {  	s23 =	simm.s32 $0x1B8B  }
0xa2: {  	_ =	swait.ge [sflag:s23], $0x1  }
0xa3: {  	[sflag:s23] =	ssyncset.done $0x0  }
0xa4: {  	s25 =	simm.s32 $0x1B8E;
	s24 =	sld [smem:$0x3FFE];
	[sflag:s23] =	ssyncadd.s32 $0xFFFFFFFF  }
0xa5: {  	s26 =	simm.s32 $execute0_lowered;
	[smem:$0x3FD2] =	sst s25  }
0xa6: {  	s5 =	sshll.u32 s26, $0x1;
	_ =	strace $0x80000046;
	[dreg:$0x1] =	wrdreg $0xFFFFFFFF  }
0xa7: {  	s28 =	simm.s32 $_size_execute0_lowered;
	s3 =	sadd.s32 s3, s5;
	[dreg:$0x0] =	wrdreg $0x0  }
0xa8: {  	s5 =	sshll.u32 s28, $0x1;
	[dreg:$0x2] =	wrdreg s3  }
0xa9: {  	[dreg:$0x3] =	wrdreg s5  }
0xaa: {  	[dreg:$0x4] =	wrdreg $0xC0  }
0xab: {  	_ =	task [dreg:s7], $0x5FFFF  }
0xac: {  	[dreg:$0x1] =	wrdreg $0xFFFFFFFF  }
0xad: {  	[dreg:$0x0] =	wrdreg $0x60  }
0xae: {  	[dreg:$0x2] =	wrdreg s24  }
0xaf: {  	[dreg:$0x3] =	wrdreg s2  }
0xb0: {  	[dreg:$0x4] =	wrdreg $0x2B000  }
0xb1: {  	[dreg:$0x5] =	wrdreg $0x9  }
0xb2: {  	_ =	task.clear_ibuf [dreg:s7], $0x6FFFF;
	_ =	strace $0x90000046  }
0xb3: {  	s29 =	simm.s32 $0x9;
	_ =	strace $0x80000048  }
0xb4: {  	_ =	swait.ge [sflag:s29], $0x1  }
0xb5: {  	[sflag:s29] =	ssyncadd.s32 $0xFFFFFFFF  }
0xb6: {  	_ =	strace $0x90000048  }
0xb7: {  	_ =	sfence  }
0xb8: {  	s30 =	sld [smem:$0x0];
	_ =	sdelay $0x2  }
0xb9: {  	s31 =	sshll.u32 s1, $0xD;
	s1 =	sshrl.u32 s1, $0x2  }
0xba: {  	s3 =	sand.u32 $0x4000, s31;
	s1 =	sadd.s32 s1, s30  }
0xbb: {  	s0 =	sor.u32 s3, s0;
	s1 =	sshll.u32 s1, $0x11  }
0xbc: {  	s0 =	sor.u32 s1, s0  }
0xbd: {  	s0 =	sadd.s32 $0x8F2B, s0  }
0xbe: {  	[sflag:s0] =	ssyncadd.remote.s32 $0x1  }
0xbf: {  	_ =	sfence.sel $0xFFFF  }
0xc0: {  	[dreg:$0x0] =	wrdreg $0xFFFFFFFF;
	(pc) =	sbr.abs _section_cstart, $3  }
0xc1: {  	[dreg:$0x1] =	wrdreg $0xFFFFFFFF  }
0xc2: {  	_ =	task.clear_ibuf [dreg:s7], $0x2FFFF;
	_ =	strace $0x9FFFFFFF  }
0xc3: {  	(tm) =	ssettm $0x7FFFFFFF  }
tec
execute0_lowered:
.L_overlay_start_1:
0x0: {  	(tag) =	ssettag $0x1  }
0x1: {  	s4 =	rddreg [dreg:$0x0]  }
0x2: {  	s7 =	rddreg [dreg:$0x1]  }
0x3: {  	s0 =	srdreg.scid;
	s2 =	rddreg [dreg:$0x2]  }
0x4: {  	s3 =	simm.s32 $0x0;
	s6 =	sand.u32 $0x1, s0;
	s0 =	rddreg [dreg:$0x3]  }
0x5: {  	s1 =	stileid.u32;
	s14 =	simm.s32 $0x0;
	[smem:$0x7FF] =	sst s3  }
0x6: {  	s10 =	smul.u32 $0x280, s1;
	s11 =	sadd.s32 $0xCE00, s4;
	s12 =	sshll.u32 s1, $0x6  }
0x7: {  	s5 =	sshll.u32 s6, $0x4;
	s8 =	ssub.s32 $0x2, s6;
	_ =	strace $0x80000047  }
0x8: {  	p0 =	seq.s32 s6, $0x1;
	s12 =	sor.u32 $0x1C01, s12;
	s5 =	sor.u32 s1, s5  }
0x9: {  	s9 =	sshrl.u32 s8, $0x1;
	s31 =	sshrl.u32 s10, $0x3;
	s7 =	smov.u32 @p0 s11  }
0xa: {  	s11 =	simm.s32 $0x2800;
	s5 =	smul.u32 $0x500, s5;
	s8 =	ssub.s32 s8, s9  }
0xb: {  	s7 =	sadd.s32 s7, s31;
	s9 =	simm.s32 $0x1;
	s6 =	smax.u32 s8, $0x1  }
0xc: {  	s8 =	simm.s32 $0x2880;
	s5 =	sadd.s32 s5, s4;
	s4 =	sadd.s32 s10, s2  }
0xd: {  	v0 =	vimm.f32 $1.000000000e+00;
	v1 =	vimm.f32 $0.0e+00;
	s10 =	simm.s32 $0x80;
	s5 =	sadd.s32 $0x2E00, s5;
	s13 =	sshrl.u32 s4, $0x3  }
.LBB2_1:
0xe: {  	[tilespmem:$0x2800] =	vst v0  }
0xf: {  	[tilespmem:$0x2810] =	vst v0  }
0x10: {  	[tilespmem:$0x2820] =	vst v0  }
0x11: {  	[tilespmem:$0x2830] =	vst v0  }
0x12: {  	[tilespmem:$0x2840] =	vst v0  }
0x13: {  	[tilespmem:$0x2850] =	vst v0  }
0x14: {  	[tilespmem:$0x2860] =	vst v0  }
0x15: {  	[tilespmem:$0x2870] =	vst v0  }
0x16: {  	[tilespmem:$0x2880] =	vst v1  }
0x17: {  	[tilespmem:$0x2890] =	vst v1  }
0x18: {  	[tilespmem:$0x28A0] =	vst v1  }
0x19: {  	[tilespmem:$0x28B0] =	vst v1  }
0x1a: {  	[tilespmem:$0x28C0] =	vst v1  }
0x1b: {  	[tilespmem:$0x28D0] =	vst v1  }
0x1c: {  	[tilespmem:$0x28E0] =	vst v1  }
0x1d: {  	[tilespmem:$0x28F0] =	vst v1  }
0x1e: {  	[tilespmem:$0x2900] =	vst v1  }
0x1f: {  	[tilespmem:$0x2910] =	vst v1  }
0x20: {  	[tilespmem:$0x2920] =	vst v1  }
0x21: {  	[tilespmem:$0x2930] =	vst v1  }
0x22: {  	[tilespmem:$0x2940] =	vst v1  }
0x23: {  	[tilespmem:$0x2950] =	vst v1  }
0x24: {  	[tilespmem:$0x2960] =	vst v1  }
0x25: {  	[tilespmem:$0x2970] =	vst v1  }
0x26: {  	[tilespmem:$0x2980] =	vst v1  }
0x27: {  	[tilespmem:$0x2990] =	vst v1  }
0x28: {  	[tilespmem:$0x29A0] =	vst v1  }
0x29: {  	[tilespmem:$0x29B0] =	vst v1  }
0x2a: {  	[tilespmem:$0x29C0] =	vst v1  }
0x2b: {  	[tilespmem:$0x29D0] =	vst v1  }
0x2c: {  	[tilespmem:$0x29E0] =	vst v1  }
0x2d: {  	[tilespmem:$0x29F0] =	vst v1  }
0x2e: {  	[tilespmem:$0x2A00] =	vst v1  }
0x2f: {  	[tilespmem:$0x2A10] =	vst v1  }
0x30: {  	[tilespmem:$0x2A20] =	vst v1  }
0x31: {  	[tilespmem:$0x2A30] =	vst v1  }
0x32: {  	[tilespmem:$0x2A40] =	vst v1  }
0x33: {  	[tilespmem:$0x2A50] =	vst v1  }
0x34: {  	[tilespmem:$0x2A60] =	vst v1  }
0x35: {  	[tilespmem:$0x2A70] =	vst v1  }
0x36: {  	[tilespmem:$0x2A80] =	vst v1  }
0x37: {  	[tilespmem:$0x2A90] =	vst v1  }
0x38: {  	[tilespmem:$0x2AA0] =	vst v1  }
0x39: {  	[tilespmem:$0x2AB0] =	vst v1  }
0x3a: {  	[tilespmem:$0x2AC0] =	vst v1  }
0x3b: {  	[tilespmem:$0x2AD0] =	vst v1  }
0x3c: {  	[tilespmem:$0x2AE0] =	vst v1  }
0x3d: {  	[tilespmem:$0x2AF0] =	vst v1  }
0x3e: {  	[spmem:s4] =	stream.linear.scatter [tilespmem:s8], [sflag:$0x1], $0x280, $0x38;
	[tilespmem:$0x2D80] =	vst v63  }
0x3f: {  	_ =	swait.ge [sflag:s9], $0x280  }
0x40: {  	[sflag:s9] =	ssyncset.done $0x0  }
0x41: {  	[sflag:s9] =	ssyncadd.s32 $0xFFFFFD80  }
0x42: {  	[tilespmem:s3], [sflag:$0x1] =	stream.linear.gather [hbm4b:s5+s3], $0x2800, $0x38;
	[tilespmem:$0x2D80] =	vst v63  }
0x43: {  	_ =	swait.ge [sflag:s9], $0x2800  }
0x44: {  	[sflag:s9] =	ssyncset.done $0x0  }
0x45: {  	[sflag:s9] =	ssyncadd.s32 $0xFFFFD800  }
0x46: {  	s15 =	simm.s32 $0x0;
	[bflag:$0x0] =	sbarrier.arrive $0xFFFF  }
0x47: {  	[spmem:s2] =	stream.indirect.scatter.add.f32 [tilespmem:s11], [sflag:$0x1], $0x1, s15, s10, $0xb8;
	[tilespmem:$0x2D80] =	vst v63  }
0x48: {  	_ =	swait.ge [sflag:s9], $0x80  }
0x49: {  	s15 =	simm.s32 $0x200;
	[sflag:s9] =	ssyncset.done $0x0  }
.LBB2_2:
0x4a: {  	s16 =	sshra.s32 s15, $0x2;
	[sflag:s9] =	ssyncadd.s32 $0xFFFFFF80;
	p0 =	sne.s32 s15, $0x9E00  }
0x4b: {  	[spmem:s2] =	stream.indirect.scatter.add.f32 [tilespmem:s11], [sflag:$0x1], $0x1, s16, s10, $0xb8;
	[tilespmem:$0x2D80] =	vst v63  }
.Ltmp0:
0x4c: {  	_ = 	snop;
	(pc) =	sbr.rel @p0 .LBB2_2-.Ltmp0, $4  }
0x4d: {  	_ = 	snop  }
0x4e: {  	s15 =	sadd.s32 $0x200, s15  }
0x4f: {  	_ =	swait.ge [sflag:s9], $0x80  }
0x50: {  	[sflag:s9] =	ssyncset.done $0x0  }
0x51: {  	s14 =	sadd.s32 $0x1, s14  }
0x52: {  	[sflag:s9] =	ssyncadd.s32 $0xFFFFFF80;
	p0 =	sne.s32 s14, s6  }
.Ltmp1:
0x53: {  	[bflag:$0x0] =	sbarrier.arrive $0xFFFF;
	(pc) =	sbr.rel @p0 .LBB2_1-.Ltmp1, $4  }
0x54: {  	[hbm:s7], [sflag:s12] =	dma.local [spmem:s13], $0x50  }
0x55: {  	_ =	swait.ge [sflag:s9], $0x50  }
0x56: {  	[sflag:s9] =	ssyncset.done $0x0  }
0x57: {  	[sflag:s9] =	ssyncadd.s32 $0xFFFFFFB0  }
0x58: {  	_ =	sfence.sel $0x180000  }
0x59: {  	[bflag:$0x0] =	sbarrier.arrive $0xFFFF  }
0x5a: {  	p0 =	sne.s32 s1, $0x0;
	_ =	strace $0x90000047  }
0x5b: {  	s0 =	sadd.s32 @!p0 $0x100000, s0;
	[bflag:$0x2] =	sbarrier.arrive $0xFFFF  }
0x5c: {  	[sflag:s0] =	ssyncadd.tile.s32 @!p0 $0x1;
	_ =	shalt  }
.Lfunc_end2:
_tile_overlayer_lowered:
.L_overlay_start_2:
0x5d: {  	(tag) =	ssettag $0x2  }
0x5e: {  	s0 =	rddreg [dreg:$0x0];
	s2 =	stileid.u32  }
0x5f: {  	s1 =	rddreg [dreg:$0x1];
	p0 =	sne.s32 s2, $0x0  }
0x60: {  	s3 =	rddreg [dreg:$0x2];
	[bflag:$0x3] =	sbarrier.arrive $0xFFFF;
	s2 =	simm.s32 @!p0 $0x1C01  }
0x61: {  	[timem:s3], [sflag:s2] =	dma.local @!p0 [hbm:s0], s1  }
0x62: {  	s0 =	simm.s32 @!p0 $0x1  }
0x63: {  	_ =	swait.ge @!p0 [sflag:s0], s1  }
0x64: {  	s1 =	ssub.s32 @!p0 $0x0, s1;
	[sflag:s0] =	ssyncset.done @!p0 $0x0  }
0x65: {  	[sflag:s0] =	ssyncadd.s32 @!p0 s1  }
0x66: {  	[bflag:$0x3] =	sbarrier.arrive $0xFFFF  }
0x67: {  	_ =	shalt  }

</sc_bundles>
